<compile_context>
chip_gen: v7x
topology: tpu7x:2x2x1
jax: 0.10.2.dev20260603
libtpu: 0.0.44.dev20260713+nightly
codegen_flags: <defaults>
</compile_context>

<pallas_src>
import functools
import math

import jax
import jax.numpy as jnp
from jax import lax
from jax.experimental import pallas as pl
from jax.experimental.pallas import tpu as pltpu
from jax.experimental.pallas import tpu_sc as plsc

B, N, IN_DIM, E, H, K, FF, OUT = 2, 2048, 3, 256, 8, 32, 512, 256
DH = E // H
BIG = 3.0e38

_R1 = 2048


def _pack16(a):
    bits = lax.bitcast_convert_type(a, jnp.uint32) + jnp.uint32(0x8000)
    lo = bits[:, :128] >> 16
    hi = bits[:, 128:] & jnp.uint32(0xFFFF0000)
    return lax.bitcast_convert_type(lo | hi, jnp.int32)


def _unpack16_halves(p):
    lo = lax.bitcast_convert_type(p << 16, jnp.float32)
    hi = lax.bitcast_convert_type(p & jnp.int32(-65536), jnp.float32)
    return lo, hi


def _prep_body(x_ref, xv_ref, wemb_ref, wq_ref, wk_ref, wv_ref, bq_ref,
               bk_ref, bv_ref, h0_ref, q_ref, kv_ref, xvt_ref):
    eye3 = (lax.broadcasted_iota(jnp.int32, (IN_DIM, IN_DIM), 0) ==
            lax.broadcasted_iota(jnp.int32, (IN_DIM, IN_DIM), 1)).astype(jnp.float32)
    xvt_ref[0] = lax.dot_general(eye3, xv_ref[...], (((1,), (1,)), ((), ())),
                                 precision=lax.Precision.HIGHEST,
                                 preferred_element_type=jnp.float32)
    x = x_ref[...]
    h0 = lax.dot_general(x, wemb_ref[...], (((1,), (1,)), ((), ())),
                         preferred_element_type=jnp.float32)
    h0_ref[...] = h0
    q_ref[...] = lax.dot_general(h0, wq_ref[...], (((1,), (1,)), ((), ())),
                                 preferred_element_type=jnp.float32) + bq_ref[...]
    kp = lax.dot_general(h0, wk_ref[...], (((1,), (1,)), ((), ())),
                         preferred_element_type=jnp.float32) + bk_ref[...]
    vp = lax.dot_general(h0, wv_ref[...], (((1,), (1,)), ((), ())),
                         preferred_element_type=jnp.float32) + bv_ref[...]
    kv_ref[:, 0:128] = _pack16(kp)
    kv_ref[:, 128:256] = _pack16(vp)


def _prep(x2, xv2, wemb, wq, wk, wv, bq, bk, bv):
    nrow = x2.shape[0]
    grid = (nrow // _R1,)
    row_spec = pl.BlockSpec((_R1, E), lambda i: (i, 0))
    full = lambda s: pl.BlockSpec(s, lambda i: (0,) * len(s))
    return pl.pallas_call(
        _prep_body,
        grid=grid,
        in_specs=[
            pl.BlockSpec((_R1, IN_DIM), lambda i: (i, 0)),
            pl.BlockSpec((_R1, IN_DIM), lambda i: (i, 0)),
            full((E, IN_DIM)), full((E, E)), full((E, E)), full((E, E)),
            full((1, E)), full((1, E)), full((1, E)),
        ],
        out_specs=[row_spec, row_spec,
                   pl.BlockSpec((_R1, E), lambda i: (i, 0)),
                   pl.BlockSpec((1, IN_DIM, N), lambda i: (i, 0, 0))],
        out_shape=[jax.ShapeDtypeStruct((nrow, E), jnp.float32)] * 2 +
                  [jax.ShapeDtypeStruct((nrow, E), jnp.int32),
                   jax.ShapeDtypeStruct((nrow // N, IN_DIM, N), jnp.float32)],
    )(x2, xv2, wemb, wq, wk, wv, bq, bk, bv)


_R2 = 256


def _knn_batch(xv2, xvt, b, row0, nrow):

    row0b = row0 - b * N
    maxi = 0x7FFFFFFF

    def body(xvr_ref, xvct_ref, idx_ref):
        xr = xvr_ref[...]
        xct = xvct_ref[0]
        d = None
        for c in range(IN_DIM):
            diff = xr[:, c:c + 1] - xct[c:c + 1, :]
            sq = diff * diff
            d = sq if d is None else d + sq
        iota = lax.broadcasted_iota(jnp.int32, (_R2, N), 1)
        key = (lax.bitcast_convert_type(d, jnp.int32) & ~jnp.int32(0x7FF)) | iota
        riota = (lax.broadcasted_iota(jnp.int32, (_R2, 1), 0) + row0b
                 + pl.program_id(0) * _R2)
        key = jnp.where(iota == riota, maxi, key)
        q = N // 4
        a0, a1 = key[:, 0 * q:1 * q], key[:, 1 * q:2 * q]
        a2, a3 = key[:, 2 * q:3 * q], key[:, 3 * q:4 * q]
        a0, a1 = jnp.minimum(a0, a1), jnp.maximum(a0, a1)
        a2, a3 = jnp.minimum(a2, a3), jnp.maximum(a2, a3)
        a0, a2 = jnp.minimum(a0, a2), jnp.maximum(a0, a2)
        a1, a3 = jnp.minimum(a1, a3), jnp.maximum(a1, a3)
        a1, a2 = jnp.minimum(a1, a2), jnp.maximum(a1, a2)
        cols = [riota]
        for _ in range(K - 1):
            m = jnp.min(a0, axis=1, keepdims=True)
            cols.append(m & 0x7FF)
            mask = a0 == m
            a0 = jnp.where(mask, a1, a0)
            a1 = jnp.where(mask, a2, a1)
            a2 = jnp.where(mask, a3, a2)
            a3 = jnp.where(mask, maxi, a3)
        idx_ref[...] = jnp.concatenate(cols, axis=1) + b * N

    blk0 = row0 // _R2
    return pl.pallas_call(
        body,
        grid=(nrow // _R2,),
        in_specs=[
            pl.BlockSpec((_R2, IN_DIM), lambda i: (blk0 + i, 0)),
            pl.BlockSpec((1, IN_DIM, N), lambda i: (b, 0, 0)),
        ],
        out_specs=pl.BlockSpec((_R2, K), lambda i: (i, 0)),
        out_shape=jax.ShapeDtypeStruct((nrow, K), jnp.int32),
    )(xv2, xvt)


_NW = 32
_CH = 128


def _sc_gather(kv2, idxg):
    nidx = idxg.shape[0] * 128
    per_w = nidx // _NW
    nchunk = per_w // _CH
    mesh = plsc.VectorSubcoreMesh(core_axis_name="c", subcore_axis_name="s")

    @functools.partial(
        pl.kernel,
        mesh=mesh,
        out_type=jax.ShapeDtypeStruct((nidx, E), jnp.int32),
        scratch_types=[
            pltpu.VMEM((nchunk, _CH), jnp.int32),
            pltpu.VMEM((_CH, E), jnp.int32),
            pltpu.VMEM((_CH, E), jnp.int32),
            pltpu.SemaphoreType.DMA,
            pltpu.SemaphoreType.DMA,
            pltpu.SemaphoreType.DMA,
            pltpu.SemaphoreType.DMA,
        ],
    )
    def k(kv_hbm, idx_hbm, gkv_hbm, idx_all, buf0, buf1, g0, g1, s0, s1):
        wid = lax.axis_index("s") * 2 + lax.axis_index("c")
        base = wid * per_w
        pltpu.sync_copy(idx_hbm.at[pl.ds(wid * nchunk, nchunk)], idx_all)
        bufs = (buf0, buf1)
        gsems = (g0, g1)
        ssems = (s0, s1)

        def gath(cn, buf, gsem):
            pltpu.async_copy(kv_hbm.at[idx_all.at[cn]], buf, gsem)

        gath(0, buf0, g0)
        gath(1, buf1, g1)

        def body(i, carry):
            for sl in range(2):
                cn = 2 * i + sl
                buf, gsem, ssem = bufs[sl], gsems[sl], ssems[sl]
                pltpu.make_async_copy(kv_hbm.at[pl.ds(0, _CH)],
                                      buf, gsem).wait()
                cp = pltpu.async_copy(
                    buf, gkv_hbm.at[pl.ds(base + cn * _CH, _CH)], ssem)
                cp.wait()

                @pl.when(cn + 2 < nchunk)
                def _():
                    gath(cn + 2, buf, gsem)

            return carry

        lax.fori_loop(0, nchunk // 2, body, 0)

    return k(kv2, idxg)


_R4 = 256


def _ln_in(xv, g, b):
    m = jnp.mean(xv, axis=1, keepdims=True)
    c = xv - m
    v = jnp.mean(c * c, axis=1, keepdims=True)
    return c * lax.rsqrt(v + 1e-5) * g + b


def _attn_body(q_ref, h0_ref, gkv_ref, ow_ref, ob_ref, ln1g_ref,
               ln1b_ref, fw1_ref, fb1_ref, fw2_ref, fb2_ref, ln2g_ref,
               ln2b_ref, wout_ref, out_ref):
    q = q_ref[...]
    gkv = gkv_ref[...]
    gk_lo, gk_hi = _unpack16_halves(gkv[:, 0:128])
    gv_lo, gv_hi = _unpack16_halves(gkv[:, 128:256])
    seg_lo = (lax.broadcasted_iota(jnp.int32, (128, H), 0) // DH ==
              lax.broadcasted_iota(jnp.int32, (128, H), 1)).astype(jnp.float32)
    seg_hi = ((lax.broadcasted_iota(jnp.int32, (128, H), 0) // DH + 4) ==
              lax.broadcasted_iota(jnp.int32, (128, H), 1)).astype(jnp.float32)
    qb_lo = jnp.broadcast_to(q[:, None, 0:128],
                             (_R4, K, 128)).reshape(_R4 * K, 128)
    qb_hi = jnp.broadcast_to(q[:, None, 128:256],
                             (_R4, K, 128)).reshape(_R4 * K, 128)
    l = (lax.dot_general(gk_lo * qb_lo, seg_lo, (((1,), (0,)), ((), ())),
                         preferred_element_type=jnp.float32) +
         lax.dot_general(gk_hi * qb_hi, seg_hi, (((1,), (0,)), ((), ())),
                         preferred_element_type=jnp.float32)) * (1.0 / math.sqrt(DH))
    l3 = l.reshape(_R4, K, H)
    m = jnp.max(l3, axis=1, keepdims=True)
    e = jnp.exp(l3 - m)
    s = jnp.sum(e, axis=1, keepdims=True)
    w3 = e / s
    w2 = w3.reshape(_R4 * K, H)
    wex_lo = lax.dot_general(w2, seg_lo, (((1,), (1,)), ((), ())),
                             preferred_element_type=jnp.float32)
    wex_hi = lax.dot_general(w2, seg_hi, (((1,), (1,)), ((), ())),
                             preferred_element_type=jnp.float32)
    o_lo = jnp.sum((wex_lo * gv_lo).reshape(_R4, K, 128), axis=1)
    o_hi = jnp.sum((wex_hi * gv_hi).reshape(_R4, K, 128), axis=1)
    o = jnp.concatenate([o_lo, o_hi], axis=1)
    mo = lax.dot_general(o, ow_ref[...], (((1,), (1,)), ((), ())),
                         preferred_element_type=jnp.float32) + ob_ref[...]
    h1 = _ln_in(mo + h0_ref[...], ln1g_ref[...], ln1b_ref[...])
    ffh = jax.nn.gelu(lax.dot_general(h1, fw1_ref[...], (((1,), (1,)), ((), ())),
                                      preferred_element_type=jnp.float32)
                      + fb1_ref[...])
    ffo = lax.dot_general(ffh, fw2_ref[...], (((1,), (1,)), ((), ())),
                          preferred_element_type=jnp.float32) + fb2_ref[...]
    h2 = _ln_in(ffo + h1, ln2g_ref[...], ln2b_ref[...])
    out_ref[...] = lax.dot_general(h2, wout_ref[...], (((1,), (1,)), ((), ())),
                                   preferred_element_type=jnp.float32)


def _attn(q2, h02, gkv, blk0, ow, ob, ln1g, ln1b, fw1, fb1, fw2, fb2, ln2g,
          ln2b, wout):
    nrow = gkv.shape[0] // K
    row = pl.BlockSpec((_R4, E), lambda i: (blk0 + i, 0))
    grow = pl.BlockSpec((_R4 * K, E), lambda i: (i, 0))
    full = lambda s: pl.BlockSpec(s, lambda i: (0,) * len(s))
    return pl.pallas_call(
        _attn_body,
        grid=(nrow // _R4,),
        in_specs=[
            row, row, grow,
            full((E, E)), full((1, E)), full((1, E)), full((1, E)),
            full((FF, E)), full((1, FF)), full((E, FF)), full((1, E)),
            full((1, E)), full((1, E)), full((OUT, E)),
        ],
        out_specs=pl.BlockSpec((_R4, OUT), lambda i: (i, 0)),
        out_shape=jax.ShapeDtypeStruct((nrow, OUT), jnp.float32),
    )(q2, h02, gkv, ow, ob, ln1g, ln1b, fw1, fb1, fw2, fb2, ln2g, ln2b,
      wout)


def kernel(x, x_v, W_emb, in_proj_w, in_proj_b, out_proj_w, out_proj_b,
           ln1_g, ln1_b, ff_w1, ff_b1, ff_w2, ff_b2, ln2_g, ln2_b, W_out):
    x2 = x.reshape(B * N, IN_DIM)
    wq, wk, wv = in_proj_w[0:E], in_proj_w[E:2 * E], in_proj_w[2 * E:3 * E]
    bq = in_proj_b[0:E].reshape(1, E)
    bk = in_proj_b[E:2 * E].reshape(1, E)
    bv = in_proj_b[2 * E:3 * E].reshape(1, E)
    xv2 = x_v.reshape(B * N, IN_DIM)
    h02, q2, kvp, xvt = _prep(x2, xv2, W_emb, wq, wk, wv, bq, bk, bv)
    nslc = 1
    rp = N // nslc
    idxs = []
    for b in range(B):
        for h in range(nslc):
            idxs.append(_knn_batch(xv2, xvt, b, b * N + h * rp, rp))
    gkvs = [_sc_gather(kvp, ix.reshape(-1, 128)) for ix in idxs]
    outs = [
        _attn(q2, h02, gkvs[s], s * (rp // _R4), out_proj_w,
              out_proj_b.reshape(1, E), ln1_g.reshape(1, E),
              ln1_b.reshape(1, E), ff_w1, ff_b1.reshape(1, FF), ff_w2,
              ff_b2.reshape(1, E), ln2_g.reshape(1, E), ln2_b.reshape(1, E),
              W_out)
        for s in range(B * nslc)
    ]
    out2 = jnp.concatenate(outs, axis=0)
    return out2.reshape(B, N, OUT), x_v

# --- scband reference (transcript-rebuilt; emitter-appended) ---
"""Pipeline reference for scband-mhaidx-encoder-91268055040434 (READ-ONLY COPY).

The authoritative reference and input builder live on the scoring server;
editing this copy changes nothing except your own understanding.
"""

import jax, jax.numpy as jnp
import numpy as np

B, N, IN_DIM, E, H, K, FF, OUT = 2, 2048, 3, 256, 8, 32, 512, 256


def setup_inputs(seed: int = 0) -> dict:
    key = jax.random.key(seed)
    ks = jax.random.split(key, 16)
    s = lambda i, shape: jax.random.normal(ks[i], shape, dtype=jnp.float32) * 0.05
    inp = {}
    inp["x"] = jax.random.normal(ks[0], (B, N, IN_DIM), dtype=jnp.float32)
    inp["x_v"] = jax.random.normal(ks[1], (B, N, IN_DIM), dtype=jnp.float32)
    inp["W_emb"] = s(2, (E, IN_DIM))
    inp["in_proj_w"] = s(3, (3 * E, E))
    inp["in_proj_b"] = jnp.zeros((3 * E,), jnp.float32)
    inp["out_proj_w"] = s(4, (E, E))
    inp["out_proj_b"] = jnp.zeros((E,), jnp.float32)
    inp["ln1_g"] = jnp.ones((E,), jnp.float32)
    inp["ln1_b"] = jnp.zeros((E,), jnp.float32)
    inp["ff_w1"] = s(5, (FF, E))
    inp["ff_b1"] = jnp.zeros((FF,), jnp.float32)
    inp["ff_w2"] = s(6, (E, FF))
    inp["ff_b2"] = jnp.zeros((E,), jnp.float32)
    inp["ln2_g"] = jnp.ones((E,), jnp.float32)
    inp["ln2_b"] = jnp.zeros((E,), jnp.float32)
    inp["W_out"] = s(7, (OUT, E))
    return inp


def _knn_idx(x_v, k):
    # pairwise squared distances of point coordinates, K nearest (sorted ascending)
    d = jnp.sum((x_v[:, :, None, :] - x_v[:, None, :, :]) ** 2, axis=-1)  # [B,N,N]
    _, idx = jax.lax.top_k(-d, k)  # [B,N,K]
    return idx


def _layer_norm(x, g, b):
    m = jnp.mean(x, axis=-1, keepdims=True)
    v = jnp.var(x, axis=-1, keepdims=True)
    return (x - m) / jnp.sqrt(v + 1e-5) * g + b


def _mha_knn(x, idx, in_w, in_b, out_w, out_b):
    Bb, Nn, Ee = x.shape
    Kk = idx.shape[-1]
    neigh = jax.vmap(lambda f, i: f[i])(x, idx)  # [B,N,K,E] gather of neighbor features
    Wq, Wk, Wv = jnp.split(in_w, 3, axis=0)
    bq, bk, bv = jnp.split(in_b, 3)
    dh = Ee // H
    q = (x @ Wq.T + bq).reshape(Bb, Nn, H, dh)
    kk = (neigh @ Wk.T + bk).reshape(Bb, Nn, Kk, H, dh)
    vv = (neigh @ Wv.T + bv).reshape(Bb, Nn, Kk, H, dh)
    logits = jnp.einsum('bnhd,bnkhd->bnhk', q, kk) / jnp.sqrt(float(dh))
    w = jax.nn.softmax(logits, axis=-1)
    o = jnp.einsum('bnhk,bnkhd->bnhd', w, vv).reshape(Bb, Nn, Ee)
    x_w = jnp.mean(w, axis=2)  # [B,N,K] head-averaged attention weights
    return o @ out_w.T + out_b, x_w


def reference(x, x_v, W_emb, in_proj_w, in_proj_b, out_proj_w, out_proj_b,
              ln1_g, ln1_b, ff_w1, ff_b1, ff_w2, ff_b2, ln2_g, ln2_b, W_out):
    idx = _knn_idx(x_v, K)
    h0 = x @ W_emb.T  # embedding (Linear, no bias)
    mo, _xw = _mha_knn(h0, idx, in_proj_w, in_proj_b, out_proj_w, out_proj_b)
    h1 = mo + h0  # Residual around MHA_KNN_V
    h1 = _layer_norm(h1, ln1_g, ln1_b)
    ff = jax.nn.gelu(h1 @ ff_w1.T + ff_b1) @ ff_w2.T + ff_b2
    h2 = ff + h1  # Residual around FeedForward
    h2 = _layer_norm(h2, ln2_g, ln2_b)
    out = h2 @ W_out.T  # output_0 (Linear, no bias)
    # torch module returns (x, x_v, unpooling_idxs); pooling disabled -> unpooling_idxs == []
    return (out, x_v)

if __name__ == "__main__":
    import jax
    _d = setup_inputs()
    print(jax.jit(kernel)(*tuple(_d.values())))

</pallas_src>

<mosaic_0001>
#map = affine_map<(d0, d1) -> (0, 0)>
module attributes {stable_mosaic.version = 14 : i64} {
  func.func @k(%arg0: i32, %arg1: i32, %arg2: memref<4096x256xi32, #tpu.memory_space<hbm>>, %arg3: memref<512x128xi32, #tpu.memory_space<hbm>>, %arg4: memref<65536x256xi32, #tpu.memory_space<hbm>>, %arg5: memref<16x128xi32, #tpu.memory_space<vmem>>, %arg6: memref<128x256xi32, #tpu.memory_space<vmem>>, %arg7: memref<128x256xi32, #tpu.memory_space<vmem>>, %arg8: memref<!tpu.dma_semaphore, #tpu.memory_space<semaphore_mem>>, %arg9: memref<!tpu.dma_semaphore, #tpu.memory_space<semaphore_mem>>, %arg10: memref<!tpu.dma_semaphore, #tpu.memory_space<semaphore_mem>>, %arg11: memref<!tpu.dma_semaphore, #tpu.memory_space<semaphore_mem>>) attributes {dimension_semantics = [#tpu.dimension_semantics<core_parallel>, #tpu.dimension_semantics<subcore_parallel>], iteration_bounds = array<i64: 2, 16>, scalar_prefetch = 0 : i64, scratch_operands = 7 : i64, tpu.core_type = #tpu.core_type<sc_vector_subcore>, window_params = [{transform_indices = #map}, {transform_indices = #map}, {transform_indices = #map}]} {
    %mul3A = arith.constant 2 : i32
    %mul3A_0 = arith.muli %arg1, %mul3A : i32
    %add3A = arith.addi %mul3A_0, %arg0 : i32
    %mul3A_1 = arith.constant 2048 : i32
    %mul3A_2 = arith.muli %add3A, %mul3A_1 : i32
    %mul3A_3 = arith.constant 16 : i32
    %mul3A_4 = arith.muli %add3A, %mul3A_3 : i32
    "tpu.region"() ({
      %run_scoped3A = tpu.sem_alloc : memref<!tpu.dma_semaphore, #tpu.memory_space<semaphore_mem>>
      %dma_start3A_23 = arith.constant 0 : i32
      %dma_start3A_24 = tpu.memref_slice %arg3[%mul3A_4, %dma_start3A_23] : memref<512x128xi32, #tpu.memory_space<hbm>> -> memref<16x128xi32, #tpu.memory_space<hbm>>
      %dma_start3A_25 = arith.constant 0 : i32
      %dma_start3A_26 = tpu.memref_slice %arg3[%mul3A_4, %dma_start3A_25] : memref<512x128xi32, #tpu.memory_space<hbm>> -> memref<16x128xi32, #tpu.memory_space<hbm>>
      tpu.enqueue_dma source(%dma_start3A_26 : memref<16x128xi32, #tpu.memory_space<hbm>>) target(%arg5 : memref<16x128xi32, #tpu.memory_space<vmem>>) target_semaphore(%run_scoped3A : memref<!tpu.dma_semaphore, #tpu.memory_space<semaphore_mem>>)
      %dma_wait3A = arith.constant 0 : i32
      %dma_wait3A_27 = tpu.memref_slice %arg3[%mul3A_4, %dma_wait3A] : memref<512x128xi32, #tpu.memory_space<hbm>> -> memref<16x128xi32, #tpu.memory_space<hbm>>
      %dma_wait3A_28 = arith.constant 0 : i32
      %dma_wait3A_29 = tpu.memref_slice %arg3[%mul3A_4, %dma_wait3A_28] : memref<512x128xi32, #tpu.memory_space<hbm>> -> memref<16x128xi32, #tpu.memory_space<hbm>>
      tpu.wait_dma2 semaphore(%run_scoped3A : memref<!tpu.dma_semaphore, #tpu.memory_space<semaphore_mem>>) src(%dma_wait3A_29 : memref<16x128xi32, #tpu.memory_space<hbm>>) dst(%arg5 : memref<16x128xi32, #tpu.memory_space<vmem>>)
      tpu.yield
    }) : () -> ()
    %dma_start3A = arith.constant 0 : i32
    %dma_start3A_5 = arith.constant 0 : i32
    %dma_start3A_6 = tpu.memref_slice %arg5[%dma_start3A, %dma_start3A_5] : memref<16x128xi32, #tpu.memory_space<vmem>> -> memref<1x128xi32, #tpu.memory_space<vmem>>
    %dma_start3A_7 = tpu.memref_squeeze %dma_start3A_6 : memref<1x128xi32, #tpu.memory_space<vmem>> -> memref<128xi32, #tpu.memory_space<vmem>>
    %dma_start3A_8 = arith.constant 0 : i32
    %dma_start3A_9 = arith.constant 0 : i32
    %dma_start3A_10 = tpu.memref_slice %arg2[%dma_start3A_8, %dma_start3A_9] : memref<4096x256xi32, #tpu.memory_space<hbm>> -> memref<4096x256xi32, #tpu.memory_space<hbm>>
    tpu.enqueue_indirect_dma source(%dma_start3A_10 : memref<4096x256xi32, #tpu.memory_space<hbm>>) target(%arg6 : memref<128x256xi32, #tpu.memory_space<vmem>>) offsets(%dma_start3A_7 : memref<128xi32, #tpu.memory_space<vmem>>) semaphore(%arg8 : memref<!tpu.dma_semaphore, #tpu.memory_space<semaphore_mem>>)
    %dma_start3A_11 = arith.constant 1 : i32
    %dma_start3A_12 = arith.constant 0 : i32
    %dma_start3A_13 = tpu.memref_slice %arg5[%dma_start3A_11, %dma_start3A_12] : memref<16x128xi32, #tpu.memory_space<vmem>> -> memref<1x128xi32, #tpu.memory_space<vmem>>
    %dma_start3A_14 = tpu.memref_squeeze %dma_start3A_13 : memref<1x128xi32, #tpu.memory_space<vmem>> -> memref<128xi32, #tpu.memory_space<vmem>>
    %dma_start3A_15 = arith.constant 0 : i32
    %dma_start3A_16 = arith.constant 0 : i32
    %dma_start3A_17 = tpu.memref_slice %arg2[%dma_start3A_15, %dma_start3A_16] : memref<4096x256xi32, #tpu.memory_space<hbm>> -> memref<4096x256xi32, #tpu.memory_space<hbm>>
    tpu.enqueue_indirect_dma source(%dma_start3A_17 : memref<4096x256xi32, #tpu.memory_space<hbm>>) target(%arg7 : memref<128x256xi32, #tpu.memory_space<vmem>>) offsets(%dma_start3A_14 : memref<128xi32, #tpu.memory_space<vmem>>) semaphore(%arg9 : memref<!tpu.dma_semaphore, #tpu.memory_space<semaphore_mem>>)
    %scan3A = arith.constant 0 : i32
    %scan3A_18 = arith.constant 0 : i32
    %scan3A_19 = arith.constant 8 : i32
    %scan3A_20 = arith.addi %scan3A_18, %scan3A_19 : i32
    %scan3A_21 = arith.constant 1 : i32
    scf.for %scan3A_23 = %scan3A_18 to %scan3A_20 step %scan3A_21  : i32 {
      %mul3A_24 = arith.constant 2 : i32
      %mul3A_25 = arith.muli %mul3A_24, %scan3A_23 : i32
      %add3A_26 = arith.constant 0 : i32
      %add3A_27 = arith.addi %mul3A_25, %add3A_26 : i32
      %dma_wait3A = arith.constant 0 : i32
      %dma_wait3A_28 = arith.constant 0 : i32
      %dma_wait3A_29 = tpu.memref_slice %arg2[%dma_wait3A, %dma_wait3A_28] : memref<4096x256xi32, #tpu.memory_space<hbm>> -> memref<128x256xi32, #tpu.memory_space<hbm>>
      %dma_wait3A_30 = arith.constant 0 : i32
      %dma_wait3A_31 = arith.constant 0 : i32
      %dma_wait3A_32 = tpu.memref_slice %arg2[%dma_wait3A_30, %dma_wait3A_31] : memref<4096x256xi32, #tpu.memory_space<hbm>> -> memref<128x256xi32, #tpu.memory_space<hbm>>
      tpu.wait_dma2 semaphore(%arg8 : memref<!tpu.dma_semaphore, #tpu.memory_space<semaphore_mem>>) src(%dma_wait3A_32 : memref<128x256xi32, #tpu.memory_space<hbm>>) dst(%arg6 : memref<128x256xi32, #tpu.memory_space<vmem>>)
      %mul3A_33 = arith.constant 128 : i32
      %mul3A_34 = arith.muli %add3A_27, %mul3A_33 : i32
      %add3A_35 = arith.addi %mul3A_2, %mul3A_34 : i32
      %dma_start3A_36 = arith.constant 0 : i32
      %dma_start3A_37 = tpu.memref_slice %arg4[%add3A_35, %dma_start3A_36] : memref<65536x256xi32, #tpu.memory_space<hbm>> -> memref<128x256xi32, #tpu.memory_space<hbm>>
      %dma_start3A_38 = arith.constant 0 : i32
      %dma_start3A_39 = tpu.memref_slice %arg4[%add3A_35, %dma_start3A_38] : memref<65536x256xi32, #tpu.memory_space<hbm>> -> memref<128x256xi32, #tpu.memory_space<hbm>>
      tpu.enqueue_dma source(%arg6 : memref<128x256xi32, #tpu.memory_space<vmem>>) target(%dma_start3A_39 : memref<128x256xi32, #tpu.memory_space<hbm>>) target_semaphore(%arg10 : memref<!tpu.dma_semaphore, #tpu.memory_space<semaphore_mem>>)
      %dma_wait3A_40 = arith.constant 0 : i32
      %dma_wait3A_41 = tpu.memref_slice %arg4[%add3A_35, %dma_wait3A_40] : memref<65536x256xi32, #tpu.memory_space<hbm>> -> memref<128x256xi32, #tpu.memory_space<hbm>>
      %dma_wait3A_42 = arith.constant 0 : i32
      %dma_wait3A_43 = tpu.memref_slice %arg4[%add3A_35, %dma_wait3A_42] : memref<65536x256xi32, #tpu.memory_space<hbm>> -> memref<128x256xi32, #tpu.memory_space<hbm>>
      tpu.wait_dma2 semaphore(%arg10 : memref<!tpu.dma_semaphore, #tpu.memory_space<semaphore_mem>>) src(%arg6 : memref<128x256xi32, #tpu.memory_space<vmem>>) dst(%dma_wait3A_43 : memref<128x256xi32, #tpu.memory_space<hbm>>)
      %add3A_44 = arith.constant 2 : i32
      %add3A_45 = arith.addi %add3A_27, %add3A_44 : i32
      %lt3A = arith.constant 16 : i32
      %lt3A_46 = arith.cmpi slt, %add3A_45, %lt3A : i32
      %convert_element_type3A = arith.extui %lt3A_46 : i1 to i32
      %cond3A = arith.constant 0 : i32
      %cond3A_47 = arith.cmpi ne, %convert_element_type3A, %cond3A : i32
      scf.if %cond3A_47 {
        %add3A_76 = arith.constant 2 : i32
        %add3A_77 = arith.addi %add3A_27, %add3A_76 : i32
        %dma_start3A_78 = arith.constant 0 : i32
        %dma_start3A_79 = tpu.memref_slice %arg5[%add3A_77, %dma_start3A_78] : memref<16x128xi32, #tpu.memory_space<vmem>> -> memref<1x128xi32, #tpu.memory_space<vmem>>
        %dma_start3A_80 = tpu.memref_squeeze %dma_start3A_79 : memref<1x128xi32, #tpu.memory_space<vmem>> -> memref<128xi32, #tpu.memory_space<vmem>>
        %dma_start3A_81 = arith.constant 0 : i32
        %dma_start3A_82 = arith.constant 0 : i32
        %dma_start3A_83 = tpu.memref_slice %arg2[%dma_start3A_81, %dma_start3A_82] : memref<4096x256xi32, #tpu.memory_space<hbm>> -> memref<4096x256xi32, #tpu.memory_space<hbm>>
        tpu.enqueue_indirect_dma source(%dma_start3A_83 : memref<4096x256xi32, #tpu.memory_space<hbm>>) target(%arg6 : memref<128x256xi32, #tpu.memory_space<vmem>>) offsets(%dma_start3A_80 : memref<128xi32, #tpu.memory_space<vmem>>) semaphore(%arg8 : memref<!tpu.dma_semaphore, #tpu.memory_space<semaphore_mem>>)
      } else {
      }
      %mul3A_48 = arith.constant 2 : i32
      %mul3A_49 = arith.muli %mul3A_48, %scan3A_23 : i32
      %add3A_50 = arith.constant 1 : i32
      %add3A_51 = arith.addi %mul3A_49, %add3A_50 : i32
      %dma_wait3A_52 = arith.constant 0 : i32
      %dma_wait3A_53 = arith.constant 0 : i32
      %dma_wait3A_54 = tpu.memref_slice %arg2[%dma_wait3A_52, %dma_wait3A_53] : memref<4096x256xi32, #tpu.memory_space<hbm>> -> memref<128x256xi32, #tpu.memory_space<hbm>>
      %dma_wait3A_55 = arith.constant 0 : i32
      %dma_wait3A_56 = arith.constant 0 : i32
      %dma_wait3A_57 = tpu.memref_slice %arg2[%dma_wait3A_55, %dma_wait3A_56] : memref<4096x256xi32, #tpu.memory_space<hbm>> -> memref<128x256xi32, #tpu.memory_space<hbm>>
      tpu.wait_dma2 semaphore(%arg9 : memref<!tpu.dma_semaphore, #tpu.memory_space<semaphore_mem>>) src(%dma_wait3A_57 : memref<128x256xi32, #tpu.memory_space<hbm>>) dst(%arg7 : memref<128x256xi32, #tpu.memory_space<vmem>>)
      %mul3A_58 = arith.constant 128 : i32
      %mul3A_59 = arith.muli %add3A_51, %mul3A_58 : i32
      %add3A_60 = arith.addi %mul3A_2, %mul3A_59 : i32
      %dma_start3A_61 = arith.constant 0 : i32
      %dma_start3A_62 = tpu.memref_slice %arg4[%add3A_60, %dma_start3A_61] : memref<65536x256xi32, #tpu.memory_space<hbm>> -> memref<128x256xi32, #tpu.memory_space<hbm>>
      %dma_start3A_63 = arith.constant 0 : i32
      %dma_start3A_64 = tpu.memref_slice %arg4[%add3A_60, %dma_start3A_63] : memref<65536x256xi32, #tpu.memory_space<hbm>> -> memref<128x256xi32, #tpu.memory_space<hbm>>
      tpu.enqueue_dma source(%arg7 : memref<128x256xi32, #tpu.memory_space<vmem>>) target(%dma_start3A_64 : memref<128x256xi32, #tpu.memory_space<hbm>>) target_semaphore(%arg11 : memref<!tpu.dma_semaphore, #tpu.memory_space<semaphore_mem>>)
      %dma_wait3A_65 = arith.constant 0 : i32
      %dma_wait3A_66 = tpu.memref_slice %arg4[%add3A_60, %dma_wait3A_65] : memref<65536x256xi32, #tpu.memory_space<hbm>> -> memref<128x256xi32, #tpu.memory_space<hbm>>
      %dma_wait3A_67 = arith.constant 0 : i32
      %dma_wait3A_68 = tpu.memref_slice %arg4[%add3A_60, %dma_wait3A_67] : memref<65536x256xi32, #tpu.memory_space<hbm>> -> memref<128x256xi32, #tpu.memory_space<hbm>>
      tpu.wait_dma2 semaphore(%arg11 : memref<!tpu.dma_semaphore, #tpu.memory_space<semaphore_mem>>) src(%arg7 : memref<128x256xi32, #tpu.memory_space<vmem>>) dst(%dma_wait3A_68 : memref<128x256xi32, #tpu.memory_space<hbm>>)
      %add3A_69 = arith.constant 2 : i32
      %add3A_70 = arith.addi %add3A_51, %add3A_69 : i32
      %lt3A_71 = arith.constant 16 : i32
      %lt3A_72 = arith.cmpi slt, %add3A_70, %lt3A_71 : i32
      %convert_element_type3A_73 = arith.extui %lt3A_72 : i1 to i32
      %cond3A_74 = arith.constant 0 : i32
      %cond3A_75 = arith.cmpi ne, %convert_element_type3A_73, %cond3A_74 : i32
      scf.if %cond3A_75 {
        %add3A_76 = arith.constant 2 : i32
        %add3A_77 = arith.addi %add3A_51, %add3A_76 : i32
        %dma_start3A_78 = arith.constant 0 : i32
        %dma_start3A_79 = tpu.memref_slice %arg5[%add3A_77, %dma_start3A_78] : memref<16x128xi32, #tpu.memory_space<vmem>> -> memref<1x128xi32, #tpu.memory_space<vmem>>
        %dma_start3A_80 = tpu.memref_squeeze %dma_start3A_79 : memref<1x128xi32, #tpu.memory_space<vmem>> -> memref<128xi32, #tpu.memory_space<vmem>>
        %dma_start3A_81 = arith.constant 0 : i32
        %dma_start3A_82 = arith.constant 0 : i32
        %dma_start3A_83 = tpu.memref_slice %arg2[%dma_start3A_81, %dma_start3A_82] : memref<4096x256xi32, #tpu.memory_space<hbm>> -> memref<4096x256xi32, #tpu.memory_space<hbm>>
        tpu.enqueue_indirect_dma source(%dma_start3A_83 : memref<4096x256xi32, #tpu.memory_space<hbm>>) target(%arg7 : memref<128x256xi32, #tpu.memory_space<vmem>>) offsets(%dma_start3A_80 : memref<128xi32, #tpu.memory_space<vmem>>) semaphore(%arg9 : memref<!tpu.dma_semaphore, #tpu.memory_space<semaphore_mem>>)
      } else {
      }
    }
    %scan3A_22 = arith.constant 8 : i32
    return
  }
}

#map = affine_map<(d0, d1) -> (0, 0)>
module attributes {stable_mosaic.version = 14 : i64} {
  func.func @k(%arg0: i32, %arg1: i32, %arg2: memref<4096x256xi32, #tpu.memory_space<hbm>>, %arg3: memref<512x128xi32, #tpu.memory_space<hbm>>, %arg4: memref<65536x256xi32, #tpu.memory_space<hbm>>, %arg5: memref<16x128xi32, #tpu.memory_space<vmem>>, %arg6: memref<128x256xi32, #tpu.memory_space<vmem>>, %arg7: memref<128x256xi32, #tpu.memory_space<vmem>>, %arg8: memref<!tpu.dma_semaphore, #tpu.memory_space<semaphore_mem>>, %arg9: memref<!tpu.dma_semaphore, #tpu.memory_space<semaphore_mem>>, %arg10: memref<!tpu.dma_semaphore, #tpu.memory_space<semaphore_mem>>, %arg11: memref<!tpu.dma_semaphore, #tpu.memory_space<semaphore_mem>>) attributes {dimension_semantics = [#tpu.dimension_semantics<core_parallel>, #tpu.dimension_semantics<subcore_parallel>], iteration_bounds = array<i64: 2, 16>, scalar_prefetch = 0 : i64, scratch_operands = 7 : i64, tpu.core_type = #tpu.core_type<sc_vector_subcore>, window_params = [{transform_indices = #map}, {transform_indices = #map}, {transform_indices = #map}]} {
    %mul3A = arith.constant 2 : i32
    %mul3A_0 = arith.muli %arg1, %mul3A : i32
    %add3A = arith.addi %mul3A_0, %arg0 : i32
    %mul3A_1 = arith.constant 2048 : i32
    %mul3A_2 = arith.muli %add3A, %mul3A_1 : i32
    %mul3A_3 = arith.constant 16 : i32
    %mul3A_4 = arith.muli %add3A, %mul3A_3 : i32
    "tpu.region"() ({
      %run_scoped3A = tpu.sem_alloc : memref<!tpu.dma_semaphore, #tpu.memory_space<semaphore_mem>>
      %dma_start3A_23 = arith.constant 0 : i32
      %dma_start3A_24 = tpu.memref_slice %arg3[%mul3A_4, %dma_start3A_23] : memref<512x128xi32, #tpu.memory_space<hbm>> -> memref<16x128xi32, #tpu.memory_space<hbm>>
      %dma_start3A_25 = arith.constant 0 : i32
      %dma_start3A_26 = tpu.memref_slice %arg3[%mul3A_4, %dma_start3A_25] : memref<512x128xi32, #tpu.memory_space<hbm>> -> memref<16x128xi32, #tpu.memory_space<hbm>>
      tpu.enqueue_dma source(%dma_start3A_26 : memref<16x128xi32, #tpu.memory_space<hbm>>) target(%arg5 : memref<16x128xi32, #tpu.memory_space<vmem>>) target_semaphore(%run_scoped3A : memref<!tpu.dma_semaphore, #tpu.memory_space<semaphore_mem>>)
      %dma_wait3A = arith.constant 0 : i32
      %dma_wait3A_27 = tpu.memref_slice %arg3[%mul3A_4, %dma_wait3A] : memref<512x128xi32, #tpu.memory_space<hbm>> -> memref<16x128xi32, #tpu.memory_space<hbm>>
      %dma_wait3A_28 = arith.constant 0 : i32
      %dma_wait3A_29 = tpu.memref_slice %arg3[%mul3A_4, %dma_wait3A_28] : memref<512x128xi32, #tpu.memory_space<hbm>> -> memref<16x128xi32, #tpu.memory_space<hbm>>
      tpu.wait_dma2 semaphore(%run_scoped3A : memref<!tpu.dma_semaphore, #tpu.memory_space<semaphore_mem>>) src(%dma_wait3A_29 : memref<16x128xi32, #tpu.memory_space<hbm>>) dst(%arg5 : memref<16x128xi32, #tpu.memory_space<vmem>>)
      tpu.yield
    }) : () -> ()
    %dma_start3A = arith.constant 0 : i32
    %dma_start3A_5 = arith.constant 0 : i32
    %dma_start3A_6 = tpu.memref_slice %arg5[%dma_start3A, %dma_start3A_5] : memref<16x128xi32, #tpu.memory_space<vmem>> -> memref<1x128xi32, #tpu.memory_space<vmem>>
    %dma_start3A_7 = tpu.memref_squeeze %dma_start3A_6 : memref<1x128xi32, #tpu.memory_space<vmem>> -> memref<128xi32, #tpu.memory_space<vmem>>
    %dma_start3A_8 = arith.constant 0 : i32
    %dma_start3A_9 = arith.constant 0 : i32
    %dma_start3A_10 = tpu.memref_slice %arg2[%dma_start3A_8, %dma_start3A_9] : memref<4096x256xi32, #tpu.memory_space<hbm>> -> memref<4096x256xi32, #tpu.memory_space<hbm>>
    tpu.enqueue_indirect_dma source(%dma_start3A_10 : memref<4096x256xi32, #tpu.memory_space<hbm>>) target(%arg6 : memref<128x256xi32, #tpu.memory_space<vmem>>) offsets(%dma_start3A_7 : memref<128xi32, #tpu.memory_space<vmem>>) semaphore(%arg8 : memref<!tpu.dma_semaphore, #tpu.memory_space<semaphore_mem>>)
    %dma_start3A_11 = arith.constant 1 : i32
    %dma_start3A_12 = arith.constant 0 : i32
    %dma_start3A_13 = tpu.memref_slice %arg5[%dma_start3A_11, %dma_start3A_12] : memref<16x128xi32, #tpu.memory_space<vmem>> -> memref<1x128xi32, #tpu.memory_space<vmem>>
    %dma_start3A_14 = tpu.memref_squeeze %dma_start3A_13 : memref<1x128xi32, #tpu.memory_space<vmem>> -> memref<128xi32, #tpu.memory_space<vmem>>
    %dma_start3A_15 = arith.constant 0 : i32
    %dma_start3A_16 = arith.constant 0 : i32
    %dma_start3A_17 = tpu.memref_slice %arg2[%dma_start3A_15, %dma_start3A_16] : memref<4096x256xi32, #tpu.memory_space<hbm>> -> memref<4096x256xi32, #tpu.memory_space<hbm>>
    tpu.enqueue_indirect_dma source(%dma_start3A_17 : memref<4096x256xi32, #tpu.memory_space<hbm>>) target(%arg7 : memref<128x256xi32, #tpu.memory_space<vmem>>) offsets(%dma_start3A_14 : memref<128xi32, #tpu.memory_space<vmem>>) semaphore(%arg9 : memref<!tpu.dma_semaphore, #tpu.memory_space<semaphore_mem>>)
    %scan3A = arith.constant 0 : i32
    %scan3A_18 = arith.constant 0 : i32
    %scan3A_19 = arith.constant 8 : i32
    %scan3A_20 = arith.addi %scan3A_18, %scan3A_19 : i32
    %scan3A_21 = arith.constant 1 : i32
    scf.for %scan3A_23 = %scan3A_18 to %scan3A_20 step %scan3A_21  : i32 {
      %mul3A_24 = arith.constant 2 : i32
      %mul3A_25 = arith.muli %mul3A_24, %scan3A_23 : i32
      %add3A_26 = arith.constant 0 : i32
      %add3A_27 = arith.addi %mul3A_25, %add3A_26 : i32
      %dma_wait3A = arith.constant 0 : i32
      %dma_wait3A_28 = arith.constant 0 : i32
      %dma_wait3A_29 = tpu.memref_slice %arg2[%dma_wait3A, %dma_wait3A_28] : memref<4096x256xi32, #tpu.memory_space<hbm>> -> memref<128x256xi32, #tpu.memory_space<hbm>>
      %dma_wait3A_30 = arith.constant 0 : i32
      %dma_wait3A_31 = arith.constant 0 : i32
      %dma_wait3A_32 = tpu.memref_slice %arg2[%dma_wait3A_30, %dma_wait3A_31] : memref<4096x256xi32, #tpu.memory_space<hbm>> -> memref<128x256xi32, #tpu.memory_space<hbm>>
      tpu.wait_dma2 semaphore(%arg8 : memref<!tpu.dma_semaphore, #tpu.memory_space<semaphore_mem>>) src(%dma_wait3A_32 : memref<128x256xi32, #tpu.memory_space<hbm>>) dst(%arg6 : memref<128x256xi32, #tpu.memory_space<vmem>>)
      %mul3A_33 = arith.constant 128 : i32
      %mul3A_34 = arith.muli %add3A_27, %mul3A_33 : i32
      %add3A_35 = arith.addi %mul3A_2, %mul3A_34 : i32
      %dma_start3A_36 = arith.constant 0 : i32
      %dma_start3A_37 = tpu.memref_slice %arg4[%add3A_35, %dma_start3A_36] : memref<65536x256xi32, #tpu.memory_space<hbm>> -> memref<128x256xi32, #tpu.memory_space<hbm>>
      %dma_start3A_38 = arith.constant 0 : i32
      %dma_start3A_39 = tpu.memref_slice %arg4[%add3A_35, %dma_start3A_38] : memref<65536x256xi32, #tpu.memory_space<hbm>> -> memref<128x256xi32, #tpu.memory_space<hbm>>
      tpu.enqueue_dma source(%arg6 : memref<128x256xi32, #tpu.memory_space<vmem>>) target(%dma_start3A_39 : memref<128x256xi32, #tpu.memory_space<hbm>>) target_semaphore(%arg10 : memref<!tpu.dma_semaphore, #tpu.memory_space<semaphore_mem>>)
      %dma_wait3A_40 = arith.constant 0 : i32
      %dma_wait3A_41 = tpu.memref_slice %arg4[%add3A_35, %dma_wait3A_40] : memref<65536x256xi32, #tpu.memory_space<hbm>> -> memref<128x256xi32, #tpu.memory_space<hbm>>
      %dma_wait3A_42 = arith.constant 0 : i32
      %dma_wait3A_43 = tpu.memref_slice %arg4[%add3A_35, %dma_wait3A_42] : memref<65536x256xi32, #tpu.memory_space<hbm>> -> memref<128x256xi32, #tpu.memory_space<hbm>>
      tpu.wait_dma2 semaphore(%arg10 : memref<!tpu.dma_semaphore, #tpu.memory_space<semaphore_mem>>) src(%arg6 : memref<128x256xi32, #tpu.memory_space<vmem>>) dst(%dma_wait3A_43 : memref<128x256xi32, #tpu.memory_space<hbm>>)
      %add3A_44 = arith.constant 2 : i32
      %add3A_45 = arith.addi %add3A_27, %add3A_44 : i32
      %lt3A = arith.constant 16 : i32
      %lt3A_46 = arith.cmpi slt, %add3A_45, %lt3A : i32
      %convert_element_type3A = arith.extui %lt3A_46 : i1 to i32
      %cond3A = arith.constant 0 : i32
      %cond3A_47 = arith.cmpi ne, %convert_element_type3A, %cond3A : i32
      scf.if %cond3A_47 {
        %add3A_76 = arith.constant 2 : i32
        %add3A_77 = arith.addi %add3A_27, %add3A_76 : i32
        %dma_start3A_78 = arith.constant 0 : i32
        %dma_start3A_79 = tpu.memref_slice %arg5[%add3A_77, %dma_start3A_78] : memref<16x128xi32, #tpu.memory_space<vmem>> -> memref<1x128xi32, #tpu.memory_space<vmem>>
        %dma_start3A_80 = tpu.memref_squeeze %dma_start3A_79 : memref<1x128xi32, #tpu.memory_space<vmem>> -> memref<128xi32, #tpu.memory_space<vmem>>
        %dma_start3A_81 = arith.constant 0 : i32
        %dma_start3A_82 = arith.constant 0 : i32
        %dma_start3A_83 = tpu.memref_slice %arg2[%dma_start3A_81, %dma_start3A_82] : memref<4096x256xi32, #tpu.memory_space<hbm>> -> memref<4096x256xi32, #tpu.memory_space<hbm>>
        tpu.enqueue_indirect_dma source(%dma_start3A_83 : memref<4096x256xi32, #tpu.memory_space<hbm>>) target(%arg6 : memref<128x256xi32, #tpu.memory_space<vmem>>) offsets(%dma_start3A_80 : memref<128xi32, #tpu.memory_space<vmem>>) semaphore(%arg8 : memref<!tpu.dma_semaphore, #tpu.memory_space<semaphore_mem>>)
      } else {
      }
      %mul3A_48 = arith.constant 2 : i32
      %mul3A_49 = arith.muli %mul3A_48, %scan3A_23 : i32
      %add3A_50 = arith.constant 1 : i32
      %add3A_51 = arith.addi %mul3A_49, %add3A_50 : i32
      %dma_wait3A_52 = arith.constant 0 : i32
      %dma_wait3A_53 = arith.constant 0 : i32
      %dma_wait3A_54 = tpu.memref_slice %arg2[%dma_wait3A_52, %dma_wait3A_53] : memref<4096x256xi32, #tpu.memory_space<hbm>> -> memref<128x256xi32, #tpu.memory_space<hbm>>
      %dma_wait3A_55 = arith.constant 0 : i32
      %dma_wait3A_56 = arith.constant 0 : i32
      %dma_wait3A_57 = tpu.memref_slice %arg2[%dma_wait3A_55, %dma_wait3A_56] : memref<4096x256xi32, #tpu.memory_space<hbm>> -> memref<128x256xi32, #tpu.memory_space<hbm>>
      tpu.wait_dma2 semaphore(%arg9 : memref<!tpu.dma_semaphore, #tpu.memory_space<semaphore_mem>>) src(%dma_wait3A_57 : memref<128x256xi32, #tpu.memory_space<hbm>>) dst(%arg7 : memref<128x256xi32, #tpu.memory_space<vmem>>)
      %mul3A_58 = arith.constant 128 : i32
      %mul3A_59 = arith.muli %add3A_51, %mul3A_58 : i32
      %add3A_60 = arith.addi %mul3A_2, %mul3A_59 : i32
      %dma_start3A_61 = arith.constant 0 : i32
      %dma_start3A_62 = tpu.memref_slice %arg4[%add3A_60, %dma_start3A_61] : memref<65536x256xi32, #tpu.memory_space<hbm>> -> memref<128x256xi32, #tpu.memory_space<hbm>>
      %dma_start3A_63 = arith.constant 0 : i32
      %dma_start3A_64 = tpu.memref_slice %arg4[%add3A_60, %dma_start3A_63] : memref<65536x256xi32, #tpu.memory_space<hbm>> -> memref<128x256xi32, #tpu.memory_space<hbm>>
      tpu.enqueue_dma source(%arg7 : memref<128x256xi32, #tpu.memory_space<vmem>>) target(%dma_start3A_64 : memref<128x256xi32, #tpu.memory_space<hbm>>) target_semaphore(%arg11 : memref<!tpu.dma_semaphore, #tpu.memory_space<semaphore_mem>>)
      %dma_wait3A_65 = arith.constant 0 : i32
      %dma_wait3A_66 = tpu.memref_slice %arg4[%add3A_60, %dma_wait3A_65] : memref<65536x256xi32, #tpu.memory_space<hbm>> -> memref<128x256xi32, #tpu.memory_space<hbm>>
      %dma_wait3A_67 = arith.constant 0 : i32
      %dma_wait3A_68 = tpu.memref_slice %arg4[%add3A_60, %dma_wait3A_67] : memref<65536x256xi32, #tpu.memory_space<hbm>> -> memref<128x256xi32, #tpu.memory_space<hbm>>
      tpu.wait_dma2 semaphore(%arg11 : memref<!tpu.dma_semaphore, #tpu.memory_space<semaphore_mem>>) src(%arg7 : memref<128x256xi32, #tpu.memory_space<vmem>>) dst(%dma_wait3A_68 : memref<128x256xi32, #tpu.memory_space<hbm>>)
      %add3A_69 = arith.constant 2 : i32
      %add3A_70 = arith.addi %add3A_51, %add3A_69 : i32
      %lt3A_71 = arith.constant 16 : i32
      %lt3A_72 = arith.cmpi slt, %add3A_70, %lt3A_71 : i32
      %convert_element_type3A_73 = arith.extui %lt3A_72 : i1 to i32
      %cond3A_74 = arith.constant 0 : i32
      %cond3A_75 = arith.cmpi ne, %convert_element_type3A_73, %cond3A_74 : i32
      scf.if %cond3A_75 {
        %add3A_76 = arith.constant 2 : i32
        %add3A_77 = arith.addi %add3A_51, %add3A_76 : i32
        %dma_start3A_78 = arith.constant 0 : i32
        %dma_start3A_79 = tpu.memref_slice %arg5[%add3A_77, %dma_start3A_78] : memref<16x128xi32, #tpu.memory_space<vmem>> -> memref<1x128xi32, #tpu.memory_space<vmem>>
        %dma_start3A_80 = tpu.memref_squeeze %dma_start3A_79 : memref<1x128xi32, #tpu.memory_space<vmem>> -> memref<128xi32, #tpu.memory_space<vmem>>
        %dma_start3A_81 = arith.constant 0 : i32
        %dma_start3A_82 = arith.constant 0 : i32
        %dma_start3A_83 = tpu.memref_slice %arg2[%dma_start3A_81, %dma_start3A_82] : memref<4096x256xi32, #tpu.memory_space<hbm>> -> memref<4096x256xi32, #tpu.memory_space<hbm>>
        tpu.enqueue_indirect_dma source(%dma_start3A_83 : memref<4096x256xi32, #tpu.memory_space<hbm>>) target(%arg7 : memref<128x256xi32, #tpu.memory_space<vmem>>) offsets(%dma_start3A_80 : memref<128xi32, #tpu.memory_space<vmem>>) semaphore(%arg9 : memref<!tpu.dma_semaphore, #tpu.memory_space<semaphore_mem>>)
      } else {
      }
    }
    %scan3A_22 = arith.constant 8 : i32
    return
  }
}

module attributes {stable_mosaic.version = 14 : i64} {
  func.func @body(%arg0: i32, %arg1: memref<256x3xf32, #tpu.memory_space<vmem>>, %arg2: memref<1x3x2048xf32, #tpu.memory_space<vmem>>, %arg3: memref<256x32xi32, #tpu.memory_space<vmem>>) attributes {dimension_semantics = [#tpu.dimension_semantics<arbitrary>], iteration_bounds = array<i64: 8>, scalar_prefetch = 0 : i64, scratch_operands = 0 : i64, tpu.core_type = #tpu.core_type<tc>, window_params = [{transform_indices = @transform_0, window_bounds = array<i64: 256, 3>}, {transform_indices = @transform_1, window_bounds = array<i64: 1, 3, 2048>}, {transform_indices = @transform_2, window_bounds = array<i64: 256, 32>}]} {
    %get3A = arith.constant 0 : index
    %get3A_0 = arith.constant 0 : index
    %get3A_1 = vector.load %arg1[%get3A, %get3A_0] : memref<256x3xf32, #tpu.memory_space<vmem>>, vector<256x3xf32>
    %get3A_2 = arith.constant 0 : index
    %get3A_3 = arith.constant 0 : index
    %get3A_4 = arith.constant 0 : index
    %get3A_5 = vector.load %arg2[%get3A_2, %get3A_3, %get3A_4] : memref<1x3x2048xf32, #tpu.memory_space<vmem>>, vector<1x3x2048xf32>
    %get3A_6 = vector.shape_cast %get3A_5 : vector<1x3x2048xf32> to vector<3x2048xf32>
    %slice3A = vector.extract_strided_slice %get3A_1 {offsets = [0, 0], sizes = [256, 1], strides = [1, 1]} : vector<256x3xf32> to vector<256x1xf32>
    %slice3A_7 = vector.extract_strided_slice %get3A_6 {offsets = [0, 0], sizes = [1, 2048], strides = [1, 1]} : vector<3x2048xf32> to vector<1x2048xf32>
    %sub3A = vector.broadcast %slice3A : vector<256x1xf32> to vector<256x2048xf32>
    %sub3A_8 = vector.broadcast %slice3A_7 : vector<1x2048xf32> to vector<256x2048xf32>
    %sub3A_9 = arith.subf %sub3A, %sub3A_8 : vector<256x2048xf32>
    %mul3A = arith.mulf %sub3A_9, %sub3A_9 : vector<256x2048xf32>
    %slice3A_10 = vector.extract_strided_slice %get3A_1 {offsets = [0, 1], sizes = [256, 1], strides = [1, 1]} : vector<256x3xf32> to vector<256x1xf32>
    %slice3A_11 = vector.extract_strided_slice %get3A_6 {offsets = [1, 0], sizes = [1, 2048], strides = [1, 1]} : vector<3x2048xf32> to vector<1x2048xf32>
    %sub3A_12 = vector.broadcast %slice3A_10 : vector<256x1xf32> to vector<256x2048xf32>
    %sub3A_13 = vector.broadcast %slice3A_11 : vector<1x2048xf32> to vector<256x2048xf32>
    %sub3A_14 = arith.subf %sub3A_12, %sub3A_13 : vector<256x2048xf32>
    %mul3A_15 = arith.mulf %sub3A_14, %sub3A_14 : vector<256x2048xf32>
    %add3A = arith.addf %mul3A, %mul3A_15 : vector<256x2048xf32>
    %slice3A_16 = vector.extract_strided_slice %get3A_1 {offsets = [0, 2], sizes = [256, 1], strides = [1, 1]} : vector<256x3xf32> to vector<256x1xf32>
    %slice3A_17 = vector.extract_strided_slice %get3A_6 {offsets = [2, 0], sizes = [1, 2048], strides = [1, 1]} : vector<3x2048xf32> to vector<1x2048xf32>
    %sub3A_18 = vector.broadcast %slice3A_16 : vector<256x1xf32> to vector<256x2048xf32>
    %sub3A_19 = vector.broadcast %slice3A_17 : vector<1x2048xf32> to vector<256x2048xf32>
    %sub3A_20 = arith.subf %sub3A_18, %sub3A_19 : vector<256x2048xf32>
    %mul3A_21 = arith.mulf %sub3A_20, %sub3A_20 : vector<256x2048xf32>
    %add3A_22 = arith.addf %add3A, %mul3A_21 : vector<256x2048xf32>
    %iota3A = tpu.iota {dimensions = array<i32: 1>} : vector<256x2048xi32>
    %bitcast_convert_type3A = tpu.bitcast %add3A_22 : vector<256x2048xf32> -> vector<256x2048xi32>
    %not3A = arith.constant 2047 : i32
    %not3A_23 = arith.constant -1 : i32
    %not3A_24 = arith.xori %not3A, %not3A_23 : i32
    %and3A = vector.broadcast %not3A_24 : i32 to vector<256x2048xi32>
    %and3A_25 = arith.andi %bitcast_convert_type3A, %and3A : vector<256x2048xi32>
    %or3A = arith.ori %and3A_25, %iota3A : vector<256x2048xi32>
    %iota3A_26 = tpu.iota {dimensions = array<i32: 0>} : vector<256x1xi32>
    %add3A_27 = arith.constant 0 : i32
    %add3A_28 = vector.broadcast %add3A_27 : i32 to vector<256x1xi32>
    %add3A_29 = arith.addi %iota3A_26, %add3A_28 : vector<256x1xi32>
    %mul3A_30 = arith.constant 256 : i32
    %mul3A_31 = arith.muli %arg0, %mul3A_30 : i32
    %add3A_32 = vector.broadcast %mul3A_31 : i32 to vector<256x1xi32>
    %add3A_33 = arith.addi %add3A_29, %add3A_32 : vector<256x1xi32>
    %eq3A = vector.broadcast %add3A_33 : vector<256x1xi32> to vector<256x2048xi32>
    %eq3A_34 = arith.cmpi eq, %iota3A, %eq3A : vector<256x2048xi32>
    %jit3A = arith.constant 2147483647 : i32
    %broadcast_in_dim3A = vector.broadcast %jit3A : i32 to vector<256x2048xi32>
    %select_n3A = arith.select %eq3A_34, %broadcast_in_dim3A, %or3A : vector<256x2048xi1>, vector<256x2048xi32>
    %slice3A_35 = vector.extract_strided_slice %select_n3A {offsets = [0, 0], sizes = [256, 512], strides = [1, 1]} : vector<256x2048xi32> to vector<256x512xi32>
    %slice3A_36 = vector.extract_strided_slice %select_n3A {offsets = [0, 512], sizes = [256, 512], strides = [1, 1]} : vector<256x2048xi32> to vector<256x512xi32>
    %slice3A_37 = vector.extract_strided_slice %select_n3A {offsets = [0, 1024], sizes = [256, 512], strides = [1, 1]} : vector<256x2048xi32> to vector<256x512xi32>
    %slice3A_38 = vector.extract_strided_slice %select_n3A {offsets = [0, 1536], sizes = [256, 512], strides = [1, 1]} : vector<256x2048xi32> to vector<256x512xi32>
    %min3A = arith.minsi %slice3A_35, %slice3A_36 : vector<256x512xi32>
    %max3A = arith.maxsi %slice3A_35, %slice3A_36 : vector<256x512xi32>
    %min3A_39 = arith.minsi %slice3A_37, %slice3A_38 : vector<256x512xi32>
    %max3A_40 = arith.maxsi %slice3A_37, %slice3A_38 : vector<256x512xi32>
    %min3A_41 = arith.minsi %min3A, %min3A_39 : vector<256x512xi32>
    %max3A_42 = arith.maxsi %min3A, %min3A_39 : vector<256x512xi32>
    %min3A_43 = arith.minsi %max3A, %max3A_40 : vector<256x512xi32>
    %max3A_44 = arith.maxsi %max3A, %max3A_40 : vector<256x512xi32>
    %min3A_45 = arith.minsi %min3A_43, %max3A_42 : vector<256x512xi32>
    %max3A_46 = arith.maxsi %min3A_43, %max3A_42 : vector<256x512xi32>
    %reduce_min3A = arith.constant dense<2147483647> : vector<256xi32>
    %reduce_min3A_47 = vector.multi_reduction <minsi>, %min3A_41, %reduce_min3A [1] : vector<256x512xi32> to vector<256xi32>
    %broadcast_in_dim3A_48 = vector.shape_cast %reduce_min3A_47 : vector<256xi32> to vector<256x1xi32>
    %and3A_49 = arith.constant 2047 : i32
    %and3A_50 = vector.broadcast %and3A_49 : i32 to vector<256x1xi32>
    %and3A_51 = arith.andi %broadcast_in_dim3A_48, %and3A_50 : vector<256x1xi32>
    %eq3A_52 = vector.broadcast %broadcast_in_dim3A_48 : vector<256x1xi32> to vector<256x512xi32>
    %eq3A_53 = arith.cmpi eq, %min3A_41, %eq3A_52 : vector<256x512xi32>
    %select_n3A_54 = arith.select %eq3A_53, %min3A_45, %min3A_41 : vector<256x512xi1>, vector<256x512xi32>
    %select_n3A_55 = arith.select %eq3A_53, %max3A_46, %min3A_45 : vector<256x512xi1>, vector<256x512xi32>
    %select_n3A_56 = arith.select %eq3A_53, %max3A_44, %max3A_46 : vector<256x512xi1>, vector<256x512xi32>
    %jit3A_57 = arith.constant 2147483647 : i32
    %broadcast_in_dim3A_58 = vector.broadcast %jit3A_57 : i32 to vector<256x512xi32>
    %select_n3A_59 = arith.select %eq3A_53, %broadcast_in_dim3A_58, %max3A_44 : vector<256x512xi1>, vector<256x512xi32>
    %reduce_min3A_60 = arith.constant dense<2147483647> : vector<256xi32>
    %reduce_min3A_61 = vector.multi_reduction <minsi>, %select_n3A_54, %reduce_min3A_60 [1] : vector<256x512xi32> to vector<256xi32>
    %broadcast_in_dim3A_62 = vector.shape_cast %reduce_min3A_61 : vector<256xi32> to vector<256x1xi32>
    %and3A_63 = arith.constant 2047 : i32
    %and3A_64 = vector.broadcast %and3A_63 : i32 to vector<256x1xi32>
    %and3A_65 = arith.andi %broadcast_in_dim3A_62, %and3A_64 : vector<256x1xi32>
    %eq3A_66 = vector.broadcast %broadcast_in_dim3A_62 : vector<256x1xi32> to vector<256x512xi32>
    %eq3A_67 = arith.cmpi eq, %select_n3A_54, %eq3A_66 : vector<256x512xi32>
    %select_n3A_68 = arith.select %eq3A_67, %select_n3A_55, %select_n3A_54 : vector<256x512xi1>, vector<256x512xi32>
    %select_n3A_69 = arith.select %eq3A_67, %select_n3A_56, %select_n3A_55 : vector<256x512xi1>, vector<256x512xi32>
    %select_n3A_70 = arith.select %eq3A_67, %select_n3A_59, %select_n3A_56 : vector<256x512xi1>, vector<256x512xi32>
    %jit3A_71 = arith.constant 2147483647 : i32
    %broadcast_in_dim3A_72 = vector.broadcast %jit3A_71 : i32 to vector<256x512xi32>
    %select_n3A_73 = arith.select %eq3A_67, %broadcast_in_dim3A_72, %select_n3A_59 : vector<256x512xi1>, vector<256x512xi32>
    %reduce_min3A_74 = arith.constant dense<2147483647> : vector<256xi32>
    %reduce_min3A_75 = vector.multi_reduction <minsi>, %select_n3A_68, %reduce_min3A_74 [1] : vector<256x512xi32> to vector<256xi32>
    %broadcast_in_dim3A_76 = vector.shape_cast %reduce_min3A_75 : vector<256xi32> to vector<256x1xi32>
    %and3A_77 = arith.constant 2047 : i32
    %and3A_78 = vector.broadcast %and3A_77 : i32 to vector<256x1xi32>
    %and3A_79 = arith.andi %broadcast_in_dim3A_76, %and3A_78 : vector<256x1xi32>
    %eq3A_80 = vector.broadcast %broadcast_in_dim3A_76 : vector<256x1xi32> to vector<256x512xi32>
    %eq3A_81 = arith.cmpi eq, %select_n3A_68, %eq3A_80 : vector<256x512xi32>
    %select_n3A_82 = arith.select %eq3A_81, %select_n3A_69, %select_n3A_68 : vector<256x512xi1>, vector<256x512xi32>
    %select_n3A_83 = arith.select %eq3A_81, %select_n3A_70, %select_n3A_69 : vector<256x512xi1>, vector<256x512xi32>
    %select_n3A_84 = arith.select %eq3A_81, %select_n3A_73, %select_n3A_70 : vector<256x512xi1>, vector<256x512xi32>
    %jit3A_85 = arith.constant 2147483647 : i32
    %broadcast_in_dim3A_86 = vector.broadcast %jit3A_85 : i32 to vector<256x512xi32>
    %select_n3A_87 = arith.select %eq3A_81, %broadcast_in_dim3A_86, %select_n3A_73 : vector<256x512xi1>, vector<256x512xi32>
    %reduce_min3A_88 = arith.constant dense<2147483647> : vector<256xi32>
    %reduce_min3A_89 = vector.multi_reduction <minsi>, %select_n3A_82, %reduce_min3A_88 [1] : vector<256x512xi32> to vector<256xi32>
    %broadcast_in_dim3A_90 = vector.shape_cast %reduce_min3A_89 : vector<256xi32> to vector<256x1xi32>
    %and3A_91 = arith.constant 2047 : i32
    %and3A_92 = vector.broadcast %and3A_91 : i32 to vector<256x1xi32>
    %and3A_93 = arith.andi %broadcast_in_dim3A_90, %and3A_92 : vector<256x1xi32>
    %eq3A_94 = vector.broadcast %broadcast_in_dim3A_90 : vector<256x1xi32> to vector<256x512xi32>
    %eq3A_95 = arith.cmpi eq, %select_n3A_82, %eq3A_94 : vector<256x512xi32>
    %select_n3A_96 = arith.select %eq3A_95, %select_n3A_83, %select_n3A_82 : vector<256x512xi1>, vector<256x512xi32>
    %select_n3A_97 = arith.select %eq3A_95, %select_n3A_84, %select_n3A_83 : vector<256x512xi1>, vector<256x512xi32>
    %select_n3A_98 = arith.select %eq3A_95, %select_n3A_87, %select_n3A_84 : vector<256x512xi1>, vector<256x512xi32>
    %jit3A_99 = arith.constant 2147483647 : i32
    %broadcast_in_dim3A_100 = vector.broadcast %jit3A_99 : i32 to vector<256x512xi32>
    %select_n3A_101 = arith.select %eq3A_95, %broadcast_in_dim3A_100, %select_n3A_87 : vector<256x512xi1>, vector<256x512xi32>
    %reduce_min3A_102 = arith.constant dense<2147483647> : vector<256xi32>
    %reduce_min3A_103 = vector.multi_reduction <minsi>, %select_n3A_96, %reduce_min3A_102 [1] : vector<256x512xi32> to vector<256xi32>
    %broadcast_in_dim3A_104 = vector.shape_cast %reduce_min3A_103 : vector<256xi32> to vector<256x1xi32>
    %and3A_105 = arith.constant 2047 : i32
    %and3A_106 = vector.broadcast %and3A_105 : i32 to vector<256x1xi32>
    %and3A_107 = arith.andi %broadcast_in_dim3A_104, %and3A_106 : vector<256x1xi32>
    %eq3A_108 = vector.broadcast %broadcast_in_dim3A_104 : vector<256x1xi32> to vector<256x512xi32>
    %eq3A_109 = arith.cmpi eq, %select_n3A_96, %eq3A_108 : vector<256x512xi32>
    %select_n3A_110 = arith.select %eq3A_109, %select_n3A_97, %select_n3A_96 : vector<256x512xi1>, vector<256x512xi32>
    %select_n3A_111 = arith.select %eq3A_109, %select_n3A_98, %select_n3A_97 : vector<256x512xi1>, vector<256x512xi32>
    %select_n3A_112 = arith.select %eq3A_109, %select_n3A_101, %select_n3A_98 : vector<256x512xi1>, vector<256x512xi32>
    %jit3A_113 = arith.constant 2147483647 : i32
    %broadcast_in_dim3A_114 = vector.broadcast %jit3A_113 : i32 to vector<256x512xi32>
    %select_n3A_115 = arith.select %eq3A_109, %broadcast_in_dim3A_114, %select_n3A_101 : vector<256x512xi1>, vector<256x512xi32>
    %reduce_min3A_116 = arith.constant dense<2147483647> : vector<256xi32>
    %reduce_min3A_117 = vector.multi_reduction <minsi>, %select_n3A_110, %reduce_min3A_116 [1] : vector<256x512xi32> to vector<256xi32>
    %broadcast_in_dim3A_118 = vector.shape_cast %reduce_min3A_117 : vector<256xi32> to vector<256x1xi32>
    %and3A_119 = arith.constant 2047 : i32
    %and3A_120 = vector.broadcast %and3A_119 : i32 to vector<256x1xi32>
    %and3A_121 = arith.andi %broadcast_in_dim3A_118, %and3A_120 : vector<256x1xi32>
    %eq3A_122 = vector.broadcast %broadcast_in_dim3A_118 : vector<256x1xi32> to vector<256x512xi32>
    %eq3A_123 = arith.cmpi eq, %select_n3A_110, %eq3A_122 : vector<256x512xi32>
    %select_n3A_124 = arith.select %eq3A_123, %select_n3A_111, %select_n3A_110 : vector<256x512xi1>, vector<256x512xi32>
    %select_n3A_125 = arith.select %eq3A_123, %select_n3A_112, %select_n3A_111 : vector<256x512xi1>, vector<256x512xi32>
    %select_n3A_126 = arith.select %eq3A_123, %select_n3A_115, %select_n3A_112 : vector<256x512xi1>, vector<256x512xi32>
    %jit3A_127 = arith.constant 2147483647 : i32
    %broadcast_in_dim3A_128 = vector.broadcast %jit3A_127 : i32 to vector<256x512xi32>
    %select_n3A_129 = arith.select %eq3A_123, %broadcast_in_dim3A_128, %select_n3A_115 : vector<256x512xi1>, vector<256x512xi32>
    %reduce_min3A_130 = arith.constant dense<2147483647> : vector<256xi32>
    %reduce_min3A_131 = vector.multi_reduction <minsi>, %select_n3A_124, %reduce_min3A_130 [1] : vector<256x512xi32> to vector<256xi32>
    %broadcast_in_dim3A_132 = vector.shape_cast %reduce_min3A_131 : vector<256xi32> to vector<256x1xi32>
    %and3A_133 = arith.constant 2047 : i32
    %and3A_134 = vector.broadcast %and3A_133 : i32 to vector<256x1xi32>
    %and3A_135 = arith.andi %broadcast_in_dim3A_132, %and3A_134 : vector<256x1xi32>
    %eq3A_136 = vector.broadcast %broadcast_in_dim3A_132 : vector<256x1xi32> to vector<256x512xi32>
    %eq3A_137 = arith.cmpi eq, %select_n3A_124, %eq3A_136 : vector<256x512xi32>
    %select_n3A_138 = arith.select %eq3A_137, %select_n3A_125, %select_n3A_124 : vector<256x512xi1>, vector<256x512xi32>
    %select_n3A_139 = arith.select %eq3A_137, %select_n3A_126, %select_n3A_125 : vector<256x512xi1>, vector<256x512xi32>
    %select_n3A_140 = arith.select %eq3A_137, %select_n3A_129, %select_n3A_126 : vector<256x512xi1>, vector<256x512xi32>
    %jit3A_141 = arith.constant 2147483647 : i32
    %broadcast_in_dim3A_142 = vector.broadcast %jit3A_141 : i32 to vector<256x512xi32>
    %select_n3A_143 = arith.select %eq3A_137, %broadcast_in_dim3A_142, %select_n3A_129 : vector<256x512xi1>, vector<256x512xi32>
    %reduce_min3A_144 = arith.constant dense<2147483647> : vector<256xi32>
    %reduce_min3A_145 = vector.multi_reduction <minsi>, %select_n3A_138, %reduce_min3A_144 [1] : vector<256x512xi32> to vector<256xi32>
    %broadcast_in_dim3A_146 = vector.shape_cast %reduce_min3A_145 : vector<256xi32> to vector<256x1xi32>
    %and3A_147 = arith.constant 2047 : i32
    %and3A_148 = vector.broadcast %and3A_147 : i32 to vector<256x1xi32>
    %and3A_149 = arith.andi %broadcast_in_dim3A_146, %and3A_148 : vector<256x1xi32>
    %eq3A_150 = vector.broadcast %broadcast_in_dim3A_146 : vector<256x1xi32> to vector<256x512xi32>
    %eq3A_151 = arith.cmpi eq, %select_n3A_138, %eq3A_150 : vector<256x512xi32>
    %select_n3A_152 = arith.select %eq3A_151, %select_n3A_139, %select_n3A_138 : vector<256x512xi1>, vector<256x512xi32>
    %select_n3A_153 = arith.select %eq3A_151, %select_n3A_140, %select_n3A_139 : vector<256x512xi1>, vector<256x512xi32>
    %select_n3A_154 = arith.select %eq3A_151, %select_n3A_143, %select_n3A_140 : vector<256x512xi1>, vector<256x512xi32>
    %jit3A_155 = arith.constant 2147483647 : i32
    %broadcast_in_dim3A_156 = vector.broadcast %jit3A_155 : i32 to vector<256x512xi32>
    %select_n3A_157 = arith.select %eq3A_151, %broadcast_in_dim3A_156, %select_n3A_143 : vector<256x512xi1>, vector<256x512xi32>
    %reduce_min3A_158 = arith.constant dense<2147483647> : vector<256xi32>
    %reduce_min3A_159 = vector.multi_reduction <minsi>, %select_n3A_152, %reduce_min3A_158 [1] : vector<256x512xi32> to vector<256xi32>
    %broadcast_in_dim3A_160 = vector.shape_cast %reduce_min3A_159 : vector<256xi32> to vector<256x1xi32>
    %and3A_161 = arith.constant 2047 : i32
    %and3A_162 = vector.broadcast %and3A_161 : i32 to vector<256x1xi32>
    %and3A_163 = arith.andi %broadcast_in_dim3A_160, %and3A_162 : vector<256x1xi32>
    %eq3A_164 = vector.broadcast %broadcast_in_dim3A_160 : vector<256x1xi32> to vector<256x512xi32>
    %eq3A_165 = arith.cmpi eq, %select_n3A_152, %eq3A_164 : vector<256x512xi32>
    %select_n3A_166 = arith.select %eq3A_165, %select_n3A_153, %select_n3A_152 : vector<256x512xi1>, vector<256x512xi32>
    %select_n3A_167 = arith.select %eq3A_165, %select_n3A_154, %select_n3A_153 : vector<256x512xi1>, vector<256x512xi32>
    %select_n3A_168 = arith.select %eq3A_165, %select_n3A_157, %select_n3A_154 : vector<256x512xi1>, vector<256x512xi32>
    %jit3A_169 = arith.constant 2147483647 : i32
    %broadcast_in_dim3A_170 = vector.broadcast %jit3A_169 : i32 to vector<256x512xi32>
    %select_n3A_171 = arith.select %eq3A_165, %broadcast_in_dim3A_170, %select_n3A_157 : vector<256x512xi1>, vector<256x512xi32>
    %reduce_min3A_172 = arith.constant dense<2147483647> : vector<256xi32>
    %reduce_min3A_173 = vector.multi_reduction <minsi>, %select_n3A_166, %reduce_min3A_172 [1] : vector<256x512xi32> to vector<256xi32>
    %broadcast_in_dim3A_174 = vector.shape_cast %reduce_min3A_173 : vector<256xi32> to vector<256x1xi32>
    %and3A_175 = arith.constant 2047 : i32
    %and3A_176 = vector.broadcast %and3A_175 : i32 to vector<256x1xi32>
    %and3A_177 = arith.andi %broadcast_in_dim3A_174, %and3A_176 : vector<256x1xi32>
    %eq3A_178 = vector.broadcast %broadcast_in_dim3A_174 : vector<256x1xi32> to vector<256x512xi32>
    %eq3A_179 = arith.cmpi eq, %select_n3A_166, %eq3A_178 : vector<256x512xi32>
    %select_n3A_180 = arith.select %eq3A_179, %select_n3A_167, %select_n3A_166 : vector<256x512xi1>, vector<256x512xi32>
    %select_n3A_181 = arith.select %eq3A_179, %select_n3A_168, %select_n3A_167 : vector<256x512xi1>, vector<256x512xi32>
    %select_n3A_182 = arith.select %eq3A_179, %select_n3A_171, %select_n3A_168 : vector<256x512xi1>, vector<256x512xi32>
    %jit3A_183 = arith.constant 2147483647 : i32
    %broadcast_in_dim3A_184 = vector.broadcast %jit3A_183 : i32 to vector<256x512xi32>
    %select_n3A_185 = arith.select %eq3A_179, %broadcast_in_dim3A_184, %select_n3A_171 : vector<256x512xi1>, vector<256x512xi32>
    %reduce_min3A_186 = arith.constant dense<2147483647> : vector<256xi32>
    %reduce_min3A_187 = vector.multi_reduction <minsi>, %select_n3A_180, %reduce_min3A_186 [1] : vector<256x512xi32> to vector<256xi32>
    %broadcast_in_dim3A_188 = vector.shape_cast %reduce_min3A_187 : vector<256xi32> to vector<256x1xi32>
    %and3A_189 = arith.constant 2047 : i32
    %and3A_190 = vector.broadcast %and3A_189 : i32 to vector<256x1xi32>
    %and3A_191 = arith.andi %broadcast_in_dim3A_188, %and3A_190 : vector<256x1xi32>
    %eq3A_192 = vector.broadcast %broadcast_in_dim3A_188 : vector<256x1xi32> to vector<256x512xi32>
    %eq3A_193 = arith.cmpi eq, %select_n3A_180, %eq3A_192 : vector<256x512xi32>
    %select_n3A_194 = arith.select %eq3A_193, %select_n3A_181, %select_n3A_180 : vector<256x512xi1>, vector<256x512xi32>
    %select_n3A_195 = arith.select %eq3A_193, %select_n3A_182, %select_n3A_181 : vector<256x512xi1>, vector<256x512xi32>
    %select_n3A_196 = arith.select %eq3A_193, %select_n3A_185, %select_n3A_182 : vector<256x512xi1>, vector<256x512xi32>
    %jit3A_197 = arith.constant 2147483647 : i32
    %broadcast_in_dim3A_198 = vector.broadcast %jit3A_197 : i32 to vector<256x512xi32>
    %select_n3A_199 = arith.select %eq3A_193, %broadcast_in_dim3A_198, %select_n3A_185 : vector<256x512xi1>, vector<256x512xi32>
    %reduce_min3A_200 = arith.constant dense<2147483647> : vector<256xi32>
    %reduce_min3A_201 = vector.multi_reduction <minsi>, %select_n3A_194, %reduce_min3A_200 [1] : vector<256x512xi32> to vector<256xi32>
    %broadcast_in_dim3A_202 = vector.shape_cast %reduce_min3A_201 : vector<256xi32> to vector<256x1xi32>
    %and3A_203 = arith.constant 2047 : i32
    %and3A_204 = vector.broadcast %and3A_203 : i32 to vector<256x1xi32>
    %and3A_205 = arith.andi %broadcast_in_dim3A_202, %and3A_204 : vector<256x1xi32>
    %eq3A_206 = vector.broadcast %broadcast_in_dim3A_202 : vector<256x1xi32> to vector<256x512xi32>
    %eq3A_207 = arith.cmpi eq, %select_n3A_194, %eq3A_206 : vector<256x512xi32>
    %select_n3A_208 = arith.select %eq3A_207, %select_n3A_195, %select_n3A_194 : vector<256x512xi1>, vector<256x512xi32>
    %select_n3A_209 = arith.select %eq3A_207, %select_n3A_196, %select_n3A_195 : vector<256x512xi1>, vector<256x512xi32>
    %select_n3A_210 = arith.select %eq3A_207, %select_n3A_199, %select_n3A_196 : vector<256x512xi1>, vector<256x512xi32>
    %jit3A_211 = arith.constant 2147483647 : i32
    %broadcast_in_dim3A_212 = vector.broadcast %jit3A_211 : i32 to vector<256x512xi32>
    %select_n3A_213 = arith.select %eq3A_207, %broadcast_in_dim3A_212, %select_n3A_199 : vector<256x512xi1>, vector<256x512xi32>
    %reduce_min3A_214 = arith.constant dense<2147483647> : vector<256xi32>
    %reduce_min3A_215 = vector.multi_reduction <minsi>, %select_n3A_208, %reduce_min3A_214 [1] : vector<256x512xi32> to vector<256xi32>
    %broadcast_in_dim3A_216 = vector.shape_cast %reduce_min3A_215 : vector<256xi32> to vector<256x1xi32>
    %and3A_217 = arith.constant 2047 : i32
    %and3A_218 = vector.broadcast %and3A_217 : i32 to vector<256x1xi32>
    %and3A_219 = arith.andi %broadcast_in_dim3A_216, %and3A_218 : vector<256x1xi32>
    %eq3A_220 = vector.broadcast %broadcast_in_dim3A_216 : vector<256x1xi32> to vector<256x512xi32>
    %eq3A_221 = arith.cmpi eq, %select_n3A_208, %eq3A_220 : vector<256x512xi32>
    %select_n3A_222 = arith.select %eq3A_221, %select_n3A_209, %select_n3A_208 : vector<256x512xi1>, vector<256x512xi32>
    %select_n3A_223 = arith.select %eq3A_221, %select_n3A_210, %select_n3A_209 : vector<256x512xi1>, vector<256x512xi32>
    %select_n3A_224 = arith.select %eq3A_221, %select_n3A_213, %select_n3A_210 : vector<256x512xi1>, vector<256x512xi32>
    %jit3A_225 = arith.constant 2147483647 : i32
    %broadcast_in_dim3A_226 = vector.broadcast %jit3A_225 : i32 to vector<256x512xi32>
    %select_n3A_227 = arith.select %eq3A_221, %broadcast_in_dim3A_226, %select_n3A_213 : vector<256x512xi1>, vector<256x512xi32>
    %reduce_min3A_228 = arith.constant dense<2147483647> : vector<256xi32>
    %reduce_min3A_229 = vector.multi_reduction <minsi>, %select_n3A_222, %reduce_min3A_228 [1] : vector<256x512xi32> to vector<256xi32>
    %broadcast_in_dim3A_230 = vector.shape_cast %reduce_min3A_229 : vector<256xi32> to vector<256x1xi32>
    %and3A_231 = arith.constant 2047 : i32
    %and3A_232 = vector.broadcast %and3A_231 : i32 to vector<256x1xi32>
    %and3A_233 = arith.andi %broadcast_in_dim3A_230, %and3A_232 : vector<256x1xi32>
    %eq3A_234 = vector.broadcast %broadcast_in_dim3A_230 : vector<256x1xi32> to vector<256x512xi32>
    %eq3A_235 = arith.cmpi eq, %select_n3A_222, %eq3A_234 : vector<256x512xi32>
    %select_n3A_236 = arith.select %eq3A_235, %select_n3A_223, %select_n3A_222 : vector<256x512xi1>, vector<256x512xi32>
    %select_n3A_237 = arith.select %eq3A_235, %select_n3A_224, %select_n3A_223 : vector<256x512xi1>, vector<256x512xi32>
    %select_n3A_238 = arith.select %eq3A_235, %select_n3A_227, %select_n3A_224 : vector<256x512xi1>, vector<256x512xi32>
    %jit3A_239 = arith.constant 2147483647 : i32
    %broadcast_in_dim3A_240 = vector.broadcast %jit3A_239 : i32 to vector<256x512xi32>
    %select_n3A_241 = arith.select %eq3A_235, %broadcast_in_dim3A_240, %select_n3A_227 : vector<256x512xi1>, vector<256x512xi32>
    %reduce_min3A_242 = arith.constant dense<2147483647> : vector<256xi32>
    %reduce_min3A_243 = vector.multi_reduction <minsi>, %select_n3A_236, %reduce_min3A_242 [1] : vector<256x512xi32> to vector<256xi32>
    %broadcast_in_dim3A_244 = vector.shape_cast %reduce_min3A_243 : vector<256xi32> to vector<256x1xi32>
    %and3A_245 = arith.constant 2047 : i32
    %and3A_246 = vector.broadcast %and3A_245 : i32 to vector<256x1xi32>
    %and3A_247 = arith.andi %broadcast_in_dim3A_244, %and3A_246 : vector<256x1xi32>
    %eq3A_248 = vector.broadcast %broadcast_in_dim3A_244 : vector<256x1xi32> to vector<256x512xi32>
    %eq3A_249 = arith.cmpi eq, %select_n3A_236, %eq3A_248 : vector<256x512xi32>
    %select_n3A_250 = arith.select %eq3A_249, %select_n3A_237, %select_n3A_236 : vector<256x512xi1>, vector<256x512xi32>
    %select_n3A_251 = arith.select %eq3A_249, %select_n3A_238, %select_n3A_237 : vector<256x512xi1>, vector<256x512xi32>
    %select_n3A_252 = arith.select %eq3A_249, %select_n3A_241, %select_n3A_238 : vector<256x512xi1>, vector<256x512xi32>
    %jit3A_253 = arith.constant 2147483647 : i32
    %broadcast_in_dim3A_254 = vector.broadcast %jit3A_253 : i32 to vector<256x512xi32>
    %select_n3A_255 = arith.select %eq3A_249, %broadcast_in_dim3A_254, %select_n3A_241 : vector<256x512xi1>, vector<256x512xi32>
    %reduce_min3A_256 = arith.constant dense<2147483647> : vector<256xi32>
    %reduce_min3A_257 = vector.multi_reduction <minsi>, %select_n3A_250, %reduce_min3A_256 [1] : vector<256x512xi32> to vector<256xi32>
    %broadcast_in_dim3A_258 = vector.shape_cast %reduce_min3A_257 : vector<256xi32> to vector<256x1xi32>
    %and3A_259 = arith.constant 2047 : i32
    %and3A_260 = vector.broadcast %and3A_259 : i32 to vector<256x1xi32>
    %and3A_261 = arith.andi %broadcast_in_dim3A_258, %and3A_260 : vector<256x1xi32>
    %eq3A_262 = vector.broadcast %broadcast_in_dim3A_258 : vector<256x1xi32> to vector<256x512xi32>
    %eq3A_263 = arith.cmpi eq, %select_n3A_250, %eq3A_262 : vector<256x512xi32>
    %select_n3A_264 = arith.select %eq3A_263, %select_n3A_251, %select_n3A_250 : vector<256x512xi1>, vector<256x512xi32>
    %select_n3A_265 = arith.select %eq3A_263, %select_n3A_252, %select_n3A_251 : vector<256x512xi1>, vector<256x512xi32>
    %select_n3A_266 = arith.select %eq3A_263, %select_n3A_255, %select_n3A_252 : vector<256x512xi1>, vector<256x512xi32>
    %jit3A_267 = arith.constant 2147483647 : i32
    %broadcast_in_dim3A_268 = vector.broadcast %jit3A_267 : i32 to vector<256x512xi32>
    %select_n3A_269 = arith.select %eq3A_263, %broadcast_in_dim3A_268, %select_n3A_255 : vector<256x512xi1>, vector<256x512xi32>
    %reduce_min3A_270 = arith.constant dense<2147483647> : vector<256xi32>
    %reduce_min3A_271 = vector.multi_reduction <minsi>, %select_n3A_264, %reduce_min3A_270 [1] : vector<256x512xi32> to vector<256xi32>
    %broadcast_in_dim3A_272 = vector.shape_cast %reduce_min3A_271 : vector<256xi32> to vector<256x1xi32>
    %and3A_273 = arith.constant 2047 : i32
    %and3A_274 = vector.broadcast %and3A_273 : i32 to vector<256x1xi32>
    %and3A_275 = arith.andi %broadcast_in_dim3A_272, %and3A_274 : vector<256x1xi32>
    %eq3A_276 = vector.broadcast %broadcast_in_dim3A_272 : vector<256x1xi32> to vector<256x512xi32>
    %eq3A_277 = arith.cmpi eq, %select_n3A_264, %eq3A_276 : vector<256x512xi32>
    %select_n3A_278 = arith.select %eq3A_277, %select_n3A_265, %select_n3A_264 : vector<256x512xi1>, vector<256x512xi32>
    %select_n3A_279 = arith.select %eq3A_277, %select_n3A_266, %select_n3A_265 : vector<256x512xi1>, vector<256x512xi32>
    %select_n3A_280 = arith.select %eq3A_277, %select_n3A_269, %select_n3A_266 : vector<256x512xi1>, vector<256x512xi32>
    %jit3A_281 = arith.constant 2147483647 : i32
    %broadcast_in_dim3A_282 = vector.broadcast %jit3A_281 : i32 to vector<256x512xi32>
    %select_n3A_283 = arith.select %eq3A_277, %broadcast_in_dim3A_282, %select_n3A_269 : vector<256x512xi1>, vector<256x512xi32>
    %reduce_min3A_284 = arith.constant dense<2147483647> : vector<256xi32>
    %reduce_min3A_285 = vector.multi_reduction <minsi>, %select_n3A_278, %reduce_min3A_284 [1] : vector<256x512xi32> to vector<256xi32>
    %broadcast_in_dim3A_286 = vector.shape_cast %reduce_min3A_285 : vector<256xi32> to vector<256x1xi32>
    %and3A_287 = arith.constant 2047 : i32
    %and3A_288 = vector.broadcast %and3A_287 : i32 to vector<256x1xi32>
    %and3A_289 = arith.andi %broadcast_in_dim3A_286, %and3A_288 : vector<256x1xi32>
    %eq3A_290 = vector.broadcast %broadcast_in_dim3A_286 : vector<256x1xi32> to vector<256x512xi32>
    %eq3A_291 = arith.cmpi eq, %select_n3A_278, %eq3A_290 : vector<256x512xi32>
    %select_n3A_292 = arith.select %eq3A_291, %select_n3A_279, %select_n3A_278 : vector<256x512xi1>, vector<256x512xi32>
    %select_n3A_293 = arith.select %eq3A_291, %select_n3A_280, %select_n3A_279 : vector<256x512xi1>, vector<256x512xi32>
    %select_n3A_294 = arith.select %eq3A_291, %select_n3A_283, %select_n3A_280 : vector<256x512xi1>, vector<256x512xi32>
    %jit3A_295 = arith.constant 2147483647 : i32
    %broadcast_in_dim3A_296 = vector.broadcast %jit3A_295 : i32 to vector<256x512xi32>
    %select_n3A_297 = arith.select %eq3A_291, %broadcast_in_dim3A_296, %select_n3A_283 : vector<256x512xi1>, vector<256x512xi32>
    %reduce_min3A_298 = arith.constant dense<2147483647> : vector<256xi32>
    %reduce_min3A_299 = vector.multi_reduction <minsi>, %select_n3A_292, %reduce_min3A_298 [1] : vector<256x512xi32> to vector<256xi32>
    %broadcast_in_dim3A_300 = vector.shape_cast %reduce_min3A_299 : vector<256xi32> to vector<256x1xi32>
    %and3A_301 = arith.constant 2047 : i32
    %and3A_302 = vector.broadcast %and3A_301 : i32 to vector<256x1xi32>
    %and3A_303 = arith.andi %broadcast_in_dim3A_300, %and3A_302 : vector<256x1xi32>
    %eq3A_304 = vector.broadcast %broadcast_in_dim3A_300 : vector<256x1xi32> to vector<256x512xi32>
    %eq3A_305 = arith.cmpi eq, %select_n3A_292, %eq3A_304 : vector<256x512xi32>
    %select_n3A_306 = arith.select %eq3A_305, %select_n3A_293, %select_n3A_292 : vector<256x512xi1>, vector<256x512xi32>
    %select_n3A_307 = arith.select %eq3A_305, %select_n3A_294, %select_n3A_293 : vector<256x512xi1>, vector<256x512xi32>
    %select_n3A_308 = arith.select %eq3A_305, %select_n3A_297, %select_n3A_294 : vector<256x512xi1>, vector<256x512xi32>
    %jit3A_309 = arith.constant 2147483647 : i32
    %broadcast_in_dim3A_310 = vector.broadcast %jit3A_309 : i32 to vector<256x512xi32>
    %select_n3A_311 = arith.select %eq3A_305, %broadcast_in_dim3A_310, %select_n3A_297 : vector<256x512xi1>, vector<256x512xi32>
    %reduce_min3A_312 = arith.constant dense<2147483647> : vector<256xi32>
    %reduce_min3A_313 = vector.multi_reduction <minsi>, %select_n3A_306, %reduce_min3A_312 [1] : vector<256x512xi32> to vector<256xi32>
    %broadcast_in_dim3A_314 = vector.shape_cast %reduce_min3A_313 : vector<256xi32> to vector<256x1xi32>
    %and3A_315 = arith.constant 2047 : i32
    %and3A_316 = vector.broadcast %and3A_315 : i32 to vector<256x1xi32>
    %and3A_317 = arith.andi %broadcast_in_dim3A_314, %and3A_316 : vector<256x1xi32>
    %eq3A_318 = vector.broadcast %broadcast_in_dim3A_314 : vector<256x1xi32> to vector<256x512xi32>
    %eq3A_319 = arith.cmpi eq, %select_n3A_306, %eq3A_318 : vector<256x512xi32>
    %select_n3A_320 = arith.select %eq3A_319, %select_n3A_307, %select_n3A_306 : vector<256x512xi1>, vector<256x512xi32>
    %select_n3A_321 = arith.select %eq3A_319, %select_n3A_308, %select_n3A_307 : vector<256x512xi1>, vector<256x512xi32>
    %select_n3A_322 = arith.select %eq3A_319, %select_n3A_311, %select_n3A_308 : vector<256x512xi1>, vector<256x512xi32>
    %jit3A_323 = arith.constant 2147483647 : i32
    %broadcast_in_dim3A_324 = vector.broadcast %jit3A_323 : i32 to vector<256x512xi32>
    %select_n3A_325 = arith.select %eq3A_319, %broadcast_in_dim3A_324, %select_n3A_311 : vector<256x512xi1>, vector<256x512xi32>
    %reduce_min3A_326 = arith.constant dense<2147483647> : vector<256xi32>
    %reduce_min3A_327 = vector.multi_reduction <minsi>, %select_n3A_320, %reduce_min3A_326 [1] : vector<256x512xi32> to vector<256xi32>
    %broadcast_in_dim3A_328 = vector.shape_cast %reduce_min3A_327 : vector<256xi32> to vector<256x1xi32>
    %and3A_329 = arith.constant 2047 : i32
    %and3A_330 = vector.broadcast %and3A_329 : i32 to vector<256x1xi32>
    %and3A_331 = arith.andi %broadcast_in_dim3A_328, %and3A_330 : vector<256x1xi32>
    %eq3A_332 = vector.broadcast %broadcast_in_dim3A_328 : vector<256x1xi32> to vector<256x512xi32>
    %eq3A_333 = arith.cmpi eq, %select_n3A_320, %eq3A_332 : vector<256x512xi32>
    %select_n3A_334 = arith.select %eq3A_333, %select_n3A_321, %select_n3A_320 : vector<256x512xi1>, vector<256x512xi32>
    %select_n3A_335 = arith.select %eq3A_333, %select_n3A_322, %select_n3A_321 : vector<256x512xi1>, vector<256x512xi32>
    %select_n3A_336 = arith.select %eq3A_333, %select_n3A_325, %select_n3A_322 : vector<256x512xi1>, vector<256x512xi32>
    %jit3A_337 = arith.constant 2147483647 : i32
    %broadcast_in_dim3A_338 = vector.broadcast %jit3A_337 : i32 to vector<256x512xi32>
    %select_n3A_339 = arith.select %eq3A_333, %broadcast_in_dim3A_338, %select_n3A_325 : vector<256x512xi1>, vector<256x512xi32>
    %reduce_min3A_340 = arith.constant dense<2147483647> : vector<256xi32>
    %reduce_min3A_341 = vector.multi_reduction <minsi>, %select_n3A_334, %reduce_min3A_340 [1] : vector<256x512xi32> to vector<256xi32>
    %broadcast_in_dim3A_342 = vector.shape_cast %reduce_min3A_341 : vector<256xi32> to vector<256x1xi32>
    %and3A_343 = arith.constant 2047 : i32
    %and3A_344 = vector.broadcast %and3A_343 : i32 to vector<256x1xi32>
    %and3A_345 = arith.andi %broadcast_in_dim3A_342, %and3A_344 : vector<256x1xi32>
    %eq3A_346 = vector.broadcast %broadcast_in_dim3A_342 : vector<256x1xi32> to vector<256x512xi32>
    %eq3A_347 = arith.cmpi eq, %select_n3A_334, %eq3A_346 : vector<256x512xi32>
    %select_n3A_348 = arith.select %eq3A_347, %select_n3A_335, %select_n3A_334 : vector<256x512xi1>, vector<256x512xi32>
    %select_n3A_349 = arith.select %eq3A_347, %select_n3A_336, %select_n3A_335 : vector<256x512xi1>, vector<256x512xi32>
    %select_n3A_350 = arith.select %eq3A_347, %select_n3A_339, %select_n3A_336 : vector<256x512xi1>, vector<256x512xi32>
    %jit3A_351 = arith.constant 2147483647 : i32
    %broadcast_in_dim3A_352 = vector.broadcast %jit3A_351 : i32 to vector<256x512xi32>
    %select_n3A_353 = arith.select %eq3A_347, %broadcast_in_dim3A_352, %select_n3A_339 : vector<256x512xi1>, vector<256x512xi32>
    %reduce_min3A_354 = arith.constant dense<2147483647> : vector<256xi32>
    %reduce_min3A_355 = vector.multi_reduction <minsi>, %select_n3A_348, %reduce_min3A_354 [1] : vector<256x512xi32> to vector<256xi32>
    %broadcast_in_dim3A_356 = vector.shape_cast %reduce_min3A_355 : vector<256xi32> to vector<256x1xi32>
    %and3A_357 = arith.constant 2047 : i32
    %and3A_358 = vector.broadcast %and3A_357 : i32 to vector<256x1xi32>
    %and3A_359 = arith.andi %broadcast_in_dim3A_356, %and3A_358 : vector<256x1xi32>
    %eq3A_360 = vector.broadcast %broadcast_in_dim3A_356 : vector<256x1xi32> to vector<256x512xi32>
    %eq3A_361 = arith.cmpi eq, %select_n3A_348, %eq3A_360 : vector<256x512xi32>
    %select_n3A_362 = arith.select %eq3A_361, %select_n3A_349, %select_n3A_348 : vector<256x512xi1>, vector<256x512xi32>
    %select_n3A_363 = arith.select %eq3A_361, %select_n3A_350, %select_n3A_349 : vector<256x512xi1>, vector<256x512xi32>
    %select_n3A_364 = arith.select %eq3A_361, %select_n3A_353, %select_n3A_350 : vector<256x512xi1>, vector<256x512xi32>
    %jit3A_365 = arith.constant 2147483647 : i32
    %broadcast_in_dim3A_366 = vector.broadcast %jit3A_365 : i32 to vector<256x512xi32>
    %select_n3A_367 = arith.select %eq3A_361, %broadcast_in_dim3A_366, %select_n3A_353 : vector<256x512xi1>, vector<256x512xi32>
    %reduce_min3A_368 = arith.constant dense<2147483647> : vector<256xi32>
    %reduce_min3A_369 = vector.multi_reduction <minsi>, %select_n3A_362, %reduce_min3A_368 [1] : vector<256x512xi32> to vector<256xi32>
    %broadcast_in_dim3A_370 = vector.shape_cast %reduce_min3A_369 : vector<256xi32> to vector<256x1xi32>
    %and3A_371 = arith.constant 2047 : i32
    %and3A_372 = vector.broadcast %and3A_371 : i32 to vector<256x1xi32>
    %and3A_373 = arith.andi %broadcast_in_dim3A_370, %and3A_372 : vector<256x1xi32>
    %eq3A_374 = vector.broadcast %broadcast_in_dim3A_370 : vector<256x1xi32> to vector<256x512xi32>
    %eq3A_375 = arith.cmpi eq, %select_n3A_362, %eq3A_374 : vector<256x512xi32>
    %select_n3A_376 = arith.select %eq3A_375, %select_n3A_363, %select_n3A_362 : vector<256x512xi1>, vector<256x512xi32>
    %select_n3A_377 = arith.select %eq3A_375, %select_n3A_364, %select_n3A_363 : vector<256x512xi1>, vector<256x512xi32>
    %select_n3A_378 = arith.select %eq3A_375, %select_n3A_367, %select_n3A_364 : vector<256x512xi1>, vector<256x512xi32>
    %jit3A_379 = arith.constant 2147483647 : i32
    %broadcast_in_dim3A_380 = vector.broadcast %jit3A_379 : i32 to vector<256x512xi32>
    %select_n3A_381 = arith.select %eq3A_375, %broadcast_in_dim3A_380, %select_n3A_367 : vector<256x512xi1>, vector<256x512xi32>
    %reduce_min3A_382 = arith.constant dense<2147483647> : vector<256xi32>
    %reduce_min3A_383 = vector.multi_reduction <minsi>, %select_n3A_376, %reduce_min3A_382 [1] : vector<256x512xi32> to vector<256xi32>
    %broadcast_in_dim3A_384 = vector.shape_cast %reduce_min3A_383 : vector<256xi32> to vector<256x1xi32>
    %and3A_385 = arith.constant 2047 : i32
    %and3A_386 = vector.broadcast %and3A_385 : i32 to vector<256x1xi32>
    %and3A_387 = arith.andi %broadcast_in_dim3A_384, %and3A_386 : vector<256x1xi32>
    %eq3A_388 = vector.broadcast %broadcast_in_dim3A_384 : vector<256x1xi32> to vector<256x512xi32>
    %eq3A_389 = arith.cmpi eq, %select_n3A_376, %eq3A_388 : vector<256x512xi32>
    %select_n3A_390 = arith.select %eq3A_389, %select_n3A_377, %select_n3A_376 : vector<256x512xi1>, vector<256x512xi32>
    %select_n3A_391 = arith.select %eq3A_389, %select_n3A_378, %select_n3A_377 : vector<256x512xi1>, vector<256x512xi32>
    %select_n3A_392 = arith.select %eq3A_389, %select_n3A_381, %select_n3A_378 : vector<256x512xi1>, vector<256x512xi32>
    %jit3A_393 = arith.constant 2147483647 : i32
    %broadcast_in_dim3A_394 = vector.broadcast %jit3A_393 : i32 to vector<256x512xi32>
    %select_n3A_395 = arith.select %eq3A_389, %broadcast_in_dim3A_394, %select_n3A_381 : vector<256x512xi1>, vector<256x512xi32>
    %reduce_min3A_396 = arith.constant dense<2147483647> : vector<256xi32>
    %reduce_min3A_397 = vector.multi_reduction <minsi>, %select_n3A_390, %reduce_min3A_396 [1] : vector<256x512xi32> to vector<256xi32>
    %broadcast_in_dim3A_398 = vector.shape_cast %reduce_min3A_397 : vector<256xi32> to vector<256x1xi32>
    %and3A_399 = arith.constant 2047 : i32
    %and3A_400 = vector.broadcast %and3A_399 : i32 to vector<256x1xi32>
    %and3A_401 = arith.andi %broadcast_in_dim3A_398, %and3A_400 : vector<256x1xi32>
    %eq3A_402 = vector.broadcast %broadcast_in_dim3A_398 : vector<256x1xi32> to vector<256x512xi32>
    %eq3A_403 = arith.cmpi eq, %select_n3A_390, %eq3A_402 : vector<256x512xi32>
    %select_n3A_404 = arith.select %eq3A_403, %select_n3A_391, %select_n3A_390 : vector<256x512xi1>, vector<256x512xi32>
    %select_n3A_405 = arith.select %eq3A_403, %select_n3A_392, %select_n3A_391 : vector<256x512xi1>, vector<256x512xi32>
    %select_n3A_406 = arith.select %eq3A_403, %select_n3A_395, %select_n3A_392 : vector<256x512xi1>, vector<256x512xi32>
    %jit3A_407 = arith.constant 2147483647 : i32
    %broadcast_in_dim3A_408 = vector.broadcast %jit3A_407 : i32 to vector<256x512xi32>
    %select_n3A_409 = arith.select %eq3A_403, %broadcast_in_dim3A_408, %select_n3A_395 : vector<256x512xi1>, vector<256x512xi32>
    %reduce_min3A_410 = arith.constant dense<2147483647> : vector<256xi32>
    %reduce_min3A_411 = vector.multi_reduction <minsi>, %select_n3A_404, %reduce_min3A_410 [1] : vector<256x512xi32> to vector<256xi32>
    %broadcast_in_dim3A_412 = vector.shape_cast %reduce_min3A_411 : vector<256xi32> to vector<256x1xi32>
    %and3A_413 = arith.constant 2047 : i32
    %and3A_414 = vector.broadcast %and3A_413 : i32 to vector<256x1xi32>
    %and3A_415 = arith.andi %broadcast_in_dim3A_412, %and3A_414 : vector<256x1xi32>
    %eq3A_416 = vector.broadcast %broadcast_in_dim3A_412 : vector<256x1xi32> to vector<256x512xi32>
    %eq3A_417 = arith.cmpi eq, %select_n3A_404, %eq3A_416 : vector<256x512xi32>
    %select_n3A_418 = arith.select %eq3A_417, %select_n3A_405, %select_n3A_404 : vector<256x512xi1>, vector<256x512xi32>
    %select_n3A_419 = arith.select %eq3A_417, %select_n3A_406, %select_n3A_405 : vector<256x512xi1>, vector<256x512xi32>
    %select_n3A_420 = arith.select %eq3A_417, %select_n3A_409, %select_n3A_406 : vector<256x512xi1>, vector<256x512xi32>
    %jit3A_421 = arith.constant 2147483647 : i32
    %broadcast_in_dim3A_422 = vector.broadcast %jit3A_421 : i32 to vector<256x512xi32>
    %select_n3A_423 = arith.select %eq3A_417, %broadcast_in_dim3A_422, %select_n3A_409 : vector<256x512xi1>, vector<256x512xi32>
    %reduce_min3A_424 = arith.constant dense<2147483647> : vector<256xi32>
    %reduce_min3A_425 = vector.multi_reduction <minsi>, %select_n3A_418, %reduce_min3A_424 [1] : vector<256x512xi32> to vector<256xi32>
    %broadcast_in_dim3A_426 = vector.shape_cast %reduce_min3A_425 : vector<256xi32> to vector<256x1xi32>
    %and3A_427 = arith.constant 2047 : i32
    %and3A_428 = vector.broadcast %and3A_427 : i32 to vector<256x1xi32>
    %and3A_429 = arith.andi %broadcast_in_dim3A_426, %and3A_428 : vector<256x1xi32>
    %eq3A_430 = vector.broadcast %broadcast_in_dim3A_426 : vector<256x1xi32> to vector<256x512xi32>
    %eq3A_431 = arith.cmpi eq, %select_n3A_418, %eq3A_430 : vector<256x512xi32>
    %select_n3A_432 = arith.select %eq3A_431, %select_n3A_419, %select_n3A_418 : vector<256x512xi1>, vector<256x512xi32>
    %select_n3A_433 = arith.select %eq3A_431, %select_n3A_420, %select_n3A_419 : vector<256x512xi1>, vector<256x512xi32>
    %select_n3A_434 = arith.select %eq3A_431, %select_n3A_423, %select_n3A_420 : vector<256x512xi1>, vector<256x512xi32>
    %reduce_min3A_435 = arith.constant dense<2147483647> : vector<256xi32>
    %reduce_min3A_436 = vector.multi_reduction <minsi>, %select_n3A_432, %reduce_min3A_435 [1] : vector<256x512xi32> to vector<256xi32>
    %broadcast_in_dim3A_437 = vector.shape_cast %reduce_min3A_436 : vector<256xi32> to vector<256x1xi32>
    %and3A_438 = arith.constant 2047 : i32
    %and3A_439 = vector.broadcast %and3A_438 : i32 to vector<256x1xi32>
    %and3A_440 = arith.andi %broadcast_in_dim3A_437, %and3A_439 : vector<256x1xi32>
    %eq3A_441 = vector.broadcast %broadcast_in_dim3A_437 : vector<256x1xi32> to vector<256x512xi32>
    %eq3A_442 = arith.cmpi eq, %select_n3A_432, %eq3A_441 : vector<256x512xi32>
    %select_n3A_443 = arith.select %eq3A_442, %select_n3A_433, %select_n3A_432 : vector<256x512xi1>, vector<256x512xi32>
    %select_n3A_444 = arith.select %eq3A_442, %select_n3A_434, %select_n3A_433 : vector<256x512xi1>, vector<256x512xi32>
    %reduce_min3A_445 = arith.constant dense<2147483647> : vector<256xi32>
    %reduce_min3A_446 = vector.multi_reduction <minsi>, %select_n3A_443, %reduce_min3A_445 [1] : vector<256x512xi32> to vector<256xi32>
    %broadcast_in_dim3A_447 = vector.shape_cast %reduce_min3A_446 : vector<256xi32> to vector<256x1xi32>
    %and3A_448 = arith.constant 2047 : i32
    %and3A_449 = vector.broadcast %and3A_448 : i32 to vector<256x1xi32>
    %and3A_450 = arith.andi %broadcast_in_dim3A_447, %and3A_449 : vector<256x1xi32>
    %eq3A_451 = vector.broadcast %broadcast_in_dim3A_447 : vector<256x1xi32> to vector<256x512xi32>
    %eq3A_452 = arith.cmpi eq, %select_n3A_443, %eq3A_451 : vector<256x512xi32>
    %select_n3A_453 = arith.select %eq3A_452, %select_n3A_444, %select_n3A_443 : vector<256x512xi1>, vector<256x512xi32>
    %reduce_min3A_454 = arith.constant dense<2147483647> : vector<256xi32>
    %reduce_min3A_455 = vector.multi_reduction <minsi>, %select_n3A_453, %reduce_min3A_454 [1] : vector<256x512xi32> to vector<256xi32>
    %broadcast_in_dim3A_456 = vector.shape_cast %reduce_min3A_455 : vector<256xi32> to vector<256x1xi32>
    %and3A_457 = arith.constant 2047 : i32
    %and3A_458 = vector.broadcast %and3A_457 : i32 to vector<256x1xi32>
    %and3A_459 = arith.andi %broadcast_in_dim3A_456, %and3A_458 : vector<256x1xi32>
    %concatenate3A = tpu.concatenate %add3A_33, %and3A_51, %and3A_65, %and3A_79, %and3A_93, %and3A_107, %and3A_121, %and3A_135, %and3A_149, %and3A_163, %and3A_177, %and3A_191, %and3A_205, %and3A_219, %and3A_233, %and3A_247, %and3A_261, %and3A_275, %and3A_289, %and3A_303, %and3A_317, %and3A_331, %and3A_345, %and3A_359, %and3A_373, %and3A_387, %and3A_401, %and3A_415, %and3A_429, %and3A_440, %and3A_450, %and3A_459 in 1 : vector<256x1xi32>, vector<256x1xi32>, vector<256x1xi32>, vector<256x1xi32>, vector<256x1xi32>, vector<256x1xi32>, vector<256x1xi32>, vector<256x1xi32>, vector<256x1xi32>, vector<256x1xi32>, vector<256x1xi32>, vector<256x1xi32>, vector<256x1xi32>, vector<256x1xi32>, vector<256x1xi32>, vector<256x1xi32>, vector<256x1xi32>, vector<256x1xi32>, vector<256x1xi32>, vector<256x1xi32>, vector<256x1xi32>, vector<256x1xi32>, vector<256x1xi32>, vector<256x1xi32>, vector<256x1xi32>, vector<256x1xi32>, vector<256x1xi32>, vector<256x1xi32>, vector<256x1xi32>, vector<256x1xi32>, vector<256x1xi32>, vector<256x1xi32> -> vector<256x32xi32>
    %add3A_460 = arith.constant 2048 : i32
    %add3A_461 = vector.broadcast %add3A_460 : i32 to vector<256x32xi32>
    %add3A_462 = arith.addi %concatenate3A, %add3A_461 : vector<256x32xi32>
    %swap3A = arith.constant 0 : index
    %swap3A_463 = arith.constant 0 : index
    %swap3A_464 = vector.load %arg3[%swap3A, %swap3A_463] : memref<256x32xi32, #tpu.memory_space<vmem>>, vector<256x32xi32>
    tpu.vector_store %arg3[%swap3A, %swap3A_463], %add3A_462 {strides = array<i32>} : memref<256x32xi32, #tpu.memory_space<vmem>>, vector<256x32xi32>,
    return
  }
  func.func @transform_0(%arg0: i32) -> (i32, i32) {
    %add3A = arith.constant 8 : i32
    %add3A_0 = arith.addi %add3A, %arg0 : i32
    %c0_i32 = arith.constant 0 : i32
    %c0_i32_1 = arith.constant 0 : i32
    return %add3A_0, %c0_i32 : i32, i32
  }
  func.func @transform_1(%arg0: i32) -> (i32, i32, i32) {
    %c1_i32 = arith.constant 1 : i32
    %c0_i32 = arith.constant 0 : i32
    %c0_i32_0 = arith.constant 0 : i32
    %c0_i32_1 = arith.constant 0 : i32
    return %c1_i32, %c0_i32, %c0_i32_0 : i32, i32, i32
  }
  func.func @transform_2(%arg0: i32) -> (i32, i32) {
    %c0_i32 = arith.constant 0 : i32
    %c0_i32_0 = arith.constant 0 : i32
    return %arg0, %c0_i32 : i32, i32
  }
}

module attributes {stable_mosaic.version = 14 : i64} {
  func.func @_prep_body(%arg0: i32, %arg1: memref<2048x3xf32, #tpu.memory_space<vmem>>, %arg2: memref<2048x3xf32, #tpu.memory_space<vmem>>, %arg3: memref<256x3xf32, #tpu.memory_space<vmem>>, %arg4: memref<256x256xf32, #tpu.memory_space<vmem>>, %arg5: memref<256x256xf32, #tpu.memory_space<vmem>>, %arg6: memref<256x256xf32, #tpu.memory_space<vmem>>, %arg7: memref<1x256xf32, #tpu.memory_space<vmem>>, %arg8: memref<1x256xf32, #tpu.memory_space<vmem>>, %arg9: memref<1x256xf32, #tpu.memory_space<vmem>>, %arg10: memref<2048x256xf32, #tpu.memory_space<vmem>>, %arg11: memref<2048x256xf32, #tpu.memory_space<vmem>>, %arg12: memref<2048x256xi32, #tpu.memory_space<vmem>>, %arg13: memref<1x3x2048xf32, #tpu.memory_space<vmem>>) attributes {dimension_semantics = [#tpu.dimension_semantics<arbitrary>], iteration_bounds = array<i64: 2>, scalar_prefetch = 0 : i64, scratch_operands = 0 : i64, tpu.core_type = #tpu.core_type<tc>, window_params = [{transform_indices = @transform_0, window_bounds = array<i64: 2048, 3>}, {transform_indices = @transform_1, window_bounds = array<i64: 2048, 3>}, {pipeline_mode = #tpu.pipeline_mode<synchronous>, transform_indices = @transform_2, window_bounds = array<i64: 256, 3>}, {pipeline_mode = #tpu.pipeline_mode<synchronous>, transform_indices = @transform_3, window_bounds = array<i64: 256, 256>}, {pipeline_mode = #tpu.pipeline_mode<synchronous>, transform_indices = @transform_4, window_bounds = array<i64: 256, 256>}, {pipeline_mode = #tpu.pipeline_mode<synchronous>, transform_indices = @transform_5, window_bounds = array<i64: 256, 256>}, {pipeline_mode = #tpu.pipeline_mode<synchronous>, transform_indices = @transform_6, window_bounds = array<i64: 1, 256>}, {pipeline_mode = #tpu.pipeline_mode<synchronous>, transform_indices = @transform_7, window_bounds = array<i64: 1, 256>}, {pipeline_mode = #tpu.pipeline_mode<synchronous>, transform_indices = @transform_8, window_bounds = array<i64: 1, 256>}, {transform_indices = @transform_9, window_bounds = array<i64: 2048, 256>}, {transform_indices = @transform_10, window_bounds = array<i64: 2048, 256>}, {transform_indices = @transform_11, window_bounds = array<i64: 2048, 256>}, {transform_indices = @transform_12, window_bounds = array<i64: 1, 3, 2048>}]} {
    %iota3A = tpu.iota {dimensions = array<i32: 0>} : vector<3x3xi32>
    %iota3A_0 = tpu.iota {dimensions = array<i32: 1>} : vector<3x3xi32>
    %eq3A = arith.cmpi eq, %iota3A, %iota3A_0 : vector<3x3xi32>
    %convert_element_type3A = arith.extui %eq3A : vector<3x3xi1> to vector<3x3xi32>
    %convert_element_type3A_1 = arith.sitofp %convert_element_type3A : vector<3x3xi32> to vector<3x3xf32>
    %get3A = arith.constant 0 : index
    %get3A_2 = arith.constant 0 : index
    %get3A_3 = vector.load %arg2[%get3A, %get3A_2] : memref<2048x3xf32, #tpu.memory_space<vmem>>, vector<2048x3xf32>
    %dot_general3A = arith.constant dense<0.000000e+00> : vector<3x2048xf32>
    %dot_general3A_4 = tpu.matmul %convert_element_type3A_1, %get3A_3, %dot_general3A {dimension_numbers = #tpu.dot_dimension_numbers<[1], [1], [0], [0], [0, 0, 1, 0], [], []>, precision = #tpu.contract_precision<fp32>, transpose_lhs_hint = false} : vector<3x3xf32>, vector<2048x3xf32>, vector<3x2048xf32> -> vector<3x2048xf32>
    %swap3A = arith.constant 0 : index
    %swap3A_5 = arith.constant 0 : index
    %swap3A_6 = arith.constant 0 : index
    %swap3A_7 = vector.load %arg13[%swap3A, %swap3A_5, %swap3A_6] : memref<1x3x2048xf32, #tpu.memory_space<vmem>>, vector<1x3x2048xf32>
    %swap3A_8 = vector.shape_cast %swap3A_7 : vector<1x3x2048xf32> to vector<3x2048xf32>
    %swap3A_9 = vector.shape_cast %dot_general3A_4 : vector<3x2048xf32> to vector<1x3x2048xf32>
    tpu.vector_store %arg13[%swap3A, %swap3A_5, %swap3A_6], %swap3A_9 {strides = array<i32>} : memref<1x3x2048xf32, #tpu.memory_space<vmem>>, vector<1x3x2048xf32>,
    %get3A_10 = arith.constant 0 : index
    %get3A_11 = arith.constant 0 : index
    %get3A_12 = vector.load %arg1[%get3A_10, %get3A_11] : memref<2048x3xf32, #tpu.memory_space<vmem>>, vector<2048x3xf32>
    %get3A_13 = arith.constant 0 : index
    %get3A_14 = arith.constant 0 : index
    %get3A_15 = vector.load %arg3[%get3A_13, %get3A_14] : memref<256x3xf32, #tpu.memory_space<vmem>>, vector<256x3xf32>
    %dot_general3A_16 = arith.constant dense<0.000000e+00> : vector<2048x256xf32>
    %dot_general3A_17 = tpu.matmul %get3A_12, %get3A_15, %dot_general3A_16 {dimension_numbers = #tpu.dot_dimension_numbers<[1], [1], [0], [0], [0, 0, 1, 0], [], []>, transpose_lhs_hint = false} : vector<2048x3xf32>, vector<256x3xf32>, vector<2048x256xf32> -> vector<2048x256xf32>
    %swap3A_18 = arith.constant 0 : index
    %swap3A_19 = arith.constant 0 : index
    %swap3A_20 = vector.load %arg10[%swap3A_18, %swap3A_19] : memref<2048x256xf32, #tpu.memory_space<vmem>>, vector<2048x256xf32>
    tpu.vector_store %arg10[%swap3A_18, %swap3A_19], %dot_general3A_17 {strides = array<i32>} : memref<2048x256xf32, #tpu.memory_space<vmem>>, vector<2048x256xf32>,
    %get3A_21 = arith.constant 0 : index
    %get3A_22 = arith.constant 0 : index
    %get3A_23 = vector.load %arg4[%get3A_21, %get3A_22] : memref<256x256xf32, #tpu.memory_space<vmem>>, vector<256x256xf32>
    %dot_general3A_24 = arith.constant dense<0.000000e+00> : vector<2048x256xf32>
    %dot_general3A_25 = tpu.matmul %dot_general3A_17, %get3A_23, %dot_general3A_24 {dimension_numbers = #tpu.dot_dimension_numbers<[1], [1], [0], [0], [0, 0, 1, 0], [], []>, transpose_lhs_hint = false} : vector<2048x256xf32>, vector<256x256xf32>, vector<2048x256xf32> -> vector<2048x256xf32>
    %get3A_26 = arith.constant 0 : index
    %get3A_27 = arith.constant 0 : index
    %get3A_28 = vector.load %arg7[%get3A_26, %get3A_27] : memref<1x256xf32, #tpu.memory_space<vmem>>, vector<1x256xf32>
    %add3A = vector.broadcast %get3A_28 : vector<1x256xf32> to vector<2048x256xf32>
    %add3A_29 = arith.addf %dot_general3A_25, %add3A : vector<2048x256xf32>
    %swap3A_30 = arith.constant 0 : index
    %swap3A_31 = arith.constant 0 : index
    %swap3A_32 = vector.load %arg11[%swap3A_30, %swap3A_31] : memref<2048x256xf32, #tpu.memory_space<vmem>>, vector<2048x256xf32>
    tpu.vector_store %arg11[%swap3A_30, %swap3A_31], %add3A_29 {strides = array<i32>} : memref<2048x256xf32, #tpu.memory_space<vmem>>, vector<2048x256xf32>,
    %get3A_33 = arith.constant 0 : index
    %get3A_34 = arith.constant 0 : index
    %get3A_35 = vector.load %arg5[%get3A_33, %get3A_34] : memref<256x256xf32, #tpu.memory_space<vmem>>, vector<256x256xf32>
    %dot_general3A_36 = arith.constant dense<0.000000e+00> : vector<2048x256xf32>
    %dot_general3A_37 = tpu.matmul %dot_general3A_17, %get3A_35, %dot_general3A_36 {dimension_numbers = #tpu.dot_dimension_numbers<[1], [1], [0], [0], [0, 0, 1, 0], [], []>, transpose_lhs_hint = false} : vector<2048x256xf32>, vector<256x256xf32>, vector<2048x256xf32> -> vector<2048x256xf32>
    %get3A_38 = arith.constant 0 : index
    %get3A_39 = arith.constant 0 : index
    %get3A_40 = vector.load %arg8[%get3A_38, %get3A_39] : memref<1x256xf32, #tpu.memory_space<vmem>>, vector<1x256xf32>
    %add3A_41 = vector.broadcast %get3A_40 : vector<1x256xf32> to vector<2048x256xf32>
    %add3A_42 = arith.addf %dot_general3A_37, %add3A_41 : vector<2048x256xf32>
    %get3A_43 = arith.constant 0 : index
    %get3A_44 = arith.constant 0 : index
    %get3A_45 = vector.load %arg6[%get3A_43, %get3A_44] : memref<256x256xf32, #tpu.memory_space<vmem>>, vector<256x256xf32>
    %dot_general3A_46 = arith.constant dense<0.000000e+00> : vector<2048x256xf32>
    %dot_general3A_47 = tpu.matmul %dot_general3A_17, %get3A_45, %dot_general3A_46 {dimension_numbers = #tpu.dot_dimension_numbers<[1], [1], [0], [0], [0, 0, 1, 0], [], []>, transpose_lhs_hint = false} : vector<2048x256xf32>, vector<256x256xf32>, vector<2048x256xf32> -> vector<2048x256xf32>
    %get3A_48 = arith.constant 0 : index
    %get3A_49 = arith.constant 0 : index
    %get3A_50 = vector.load %arg9[%get3A_48, %get3A_49] : memref<1x256xf32, #tpu.memory_space<vmem>>, vector<1x256xf32>
    %add3A_51 = vector.broadcast %get3A_50 : vector<1x256xf32> to vector<2048x256xf32>
    %add3A_52 = arith.addf %dot_general3A_47, %add3A_51 : vector<2048x256xf32>
    %bitcast_convert_type3A = tpu.bitcast %add3A_42 : vector<2048x256xf32> -> vector<2048x256xi32>
    %add3A_53 = arith.constant 32768 : i32
    %add3A_54 = vector.broadcast %add3A_53 : i32 to vector<2048x256xi32>
    %add3A_55 = arith.addi %bitcast_convert_type3A, %add3A_54 : vector<2048x256xi32>
    %slice3A = vector.extract_strided_slice %add3A_55 {offsets = [0, 0], sizes = [2048, 128], strides = [1, 1]} : vector<2048x256xi32> to vector<2048x128xi32>
    %shift_right_logical3A = arith.constant 16 : i32
    %shift_right_logical3A_56 = vector.broadcast %shift_right_logical3A : i32 to vector<2048x128xi32>
    %shift_right_logical3A_57 = arith.shrui %slice3A, %shift_right_logical3A_56 : vector<2048x128xi32>
    %slice3A_58 = vector.extract_strided_slice %add3A_55 {offsets = [0, 128], sizes = [2048, 128], strides = [1, 1]} : vector<2048x256xi32> to vector<2048x128xi32>
    %and3A = arith.constant -65536 : i32
    %and3A_59 = vector.broadcast %and3A : i32 to vector<2048x128xi32>
    %and3A_60 = arith.andi %slice3A_58, %and3A_59 : vector<2048x128xi32>
    %or3A = arith.ori %shift_right_logical3A_57, %and3A_60 : vector<2048x128xi32>
    %bitcast_convert_type3A_61 = tpu.bitcast %or3A : vector<2048x128xi32> -> vector<2048x128xi32>
    %swap3A_62 = arith.constant 0 : index
    %swap3A_63 = arith.constant 0 : index
    %swap3A_64 = vector.load %arg12[%swap3A_62, %swap3A_63] : memref<2048x256xi32, #tpu.memory_space<vmem>>, vector<2048x128xi32>
    tpu.vector_store %arg12[%swap3A_62, %swap3A_63], %bitcast_convert_type3A_61 {strides = array<i32>} : memref<2048x256xi32, #tpu.memory_space<vmem>>, vector<2048x128xi32>,
    %bitcast_convert_type3A_65 = tpu.bitcast %add3A_52 : vector<2048x256xf32> -> vector<2048x256xi32>
    %add3A_66 = arith.constant 32768 : i32
    %add3A_67 = vector.broadcast %add3A_66 : i32 to vector<2048x256xi32>
    %add3A_68 = arith.addi %bitcast_convert_type3A_65, %add3A_67 : vector<2048x256xi32>
    %slice3A_69 = vector.extract_strided_slice %add3A_68 {offsets = [0, 0], sizes = [2048, 128], strides = [1, 1]} : vector<2048x256xi32> to vector<2048x128xi32>
    %shift_right_logical3A_70 = arith.constant 16 : i32
    %shift_right_logical3A_71 = vector.broadcast %shift_right_logical3A_70 : i32 to vector<2048x128xi32>
    %shift_right_logical3A_72 = arith.shrui %slice3A_69, %shift_right_logical3A_71 : vector<2048x128xi32>
    %slice3A_73 = vector.extract_strided_slice %add3A_68 {offsets = [0, 128], sizes = [2048, 128], strides = [1, 1]} : vector<2048x256xi32> to vector<2048x128xi32>
    %and3A_74 = arith.constant -65536 : i32
    %and3A_75 = vector.broadcast %and3A_74 : i32 to vector<2048x128xi32>
    %and3A_76 = arith.andi %slice3A_73, %and3A_75 : vector<2048x128xi32>
    %or3A_77 = arith.ori %shift_right_logical3A_72, %and3A_76 : vector<2048x128xi32>
    %bitcast_convert_type3A_78 = tpu.bitcast %or3A_77 : vector<2048x128xi32> -> vector<2048x128xi32>
    %swap3A_79 = arith.constant 0 : index
    %swap3A_80 = arith.constant 128 : index
    %swap3A_81 = vector.load %arg12[%swap3A_79, %swap3A_80] : memref<2048x256xi32, #tpu.memory_space<vmem>>, vector<2048x128xi32>
    tpu.vector_store %arg12[%swap3A_79, %swap3A_80], %bitcast_convert_type3A_78 {strides = array<i32>} : memref<2048x256xi32, #tpu.memory_space<vmem>>, vector<2048x128xi32>,
    return
  }
  func.func @transform_0(%arg0: i32) -> (i32, i32) {
    %c0_i32 = arith.constant 0 : i32
    %c0_i32_0 = arith.constant 0 : i32
    return %arg0, %c0_i32 : i32, i32
  }
  func.func @transform_1(%arg0: i32) -> (i32, i32) {
    %c0_i32 = arith.constant 0 : i32
    %c0_i32_0 = arith.constant 0 : i32
    return %arg0, %c0_i32 : i32, i32
  }
  func.func @transform_2(%arg0: i32) -> (i32, i32) {
    %c0_i32 = arith.constant 0 : i32
    %c0_i32_0 = arith.constant 0 : i32
    %c0_i32_1 = arith.constant 0 : i32
    return %c0_i32, %c0_i32_0 : i32, i32
  }
  func.func @transform_3(%arg0: i32) -> (i32, i32) {
    %c0_i32 = arith.constant 0 : i32
    %c0_i32_0 = arith.constant 0 : i32
    %c0_i32_1 = arith.constant 0 : i32
    return %c0_i32, %c0_i32_0 : i32, i32
  }
  func.func @transform_4(%arg0: i32) -> (i32, i32) {
    %c0_i32 = arith.constant 0 : i32
    %c0_i32_0 = arith.constant 0 : i32
    %c0_i32_1 = arith.constant 0 : i32
    return %c0_i32, %c0_i32_0 : i32, i32
  }
  func.func @transform_5(%arg0: i32) -> (i32, i32) {
    %c0_i32 = arith.constant 0 : i32
    %c0_i32_0 = arith.constant 0 : i32
    %c0_i32_1 = arith.constant 0 : i32
    return %c0_i32, %c0_i32_0 : i32, i32
  }
  func.func @transform_6(%arg0: i32) -> (i32, i32) {
    %c0_i32 = arith.constant 0 : i32
    %c0_i32_0 = arith.constant 0 : i32
    %c0_i32_1 = arith.constant 0 : i32
    return %c0_i32, %c0_i32_0 : i32, i32
  }
  func.func @transform_7(%arg0: i32) -> (i32, i32) {
    %c0_i32 = arith.constant 0 : i32
    %c0_i32_0 = arith.constant 0 : i32
    %c0_i32_1 = arith.constant 0 : i32
    return %c0_i32, %c0_i32_0 : i32, i32
  }
  func.func @transform_8(%arg0: i32) -> (i32, i32) {
    %c0_i32 = arith.constant 0 : i32
    %c0_i32_0 = arith.constant 0 : i32
    %c0_i32_1 = arith.constant 0 : i32
    return %c0_i32, %c0_i32_0 : i32, i32
  }
  func.func @transform_9(%arg0: i32) -> (i32, i32) {
    %c0_i32 = arith.constant 0 : i32
    %c0_i32_0 = arith.constant 0 : i32
    return %arg0, %c0_i32 : i32, i32
  }
  func.func @transform_10(%arg0: i32) -> (i32, i32) {
    %c0_i32 = arith.constant 0 : i32
    %c0_i32_0 = arith.constant 0 : i32
    return %arg0, %c0_i32 : i32, i32
  }
  func.func @transform_11(%arg0: i32) -> (i32, i32) {
    %c0_i32 = arith.constant 0 : i32
    %c0_i32_0 = arith.constant 0 : i32
    return %arg0, %c0_i32 : i32, i32
  }
  func.func @transform_12(%arg0: i32) -> (i32, i32, i32) {
    %c0_i32 = arith.constant 0 : i32
    %c0_i32_0 = arith.constant 0 : i32
    %c0_i32_1 = arith.constant 0 : i32
    return %arg0, %c0_i32, %c0_i32_0 : i32, i32, i32
  }
}

module attributes {stable_mosaic.version = 14 : i64} {
  func.func @_attn_body(%arg0: i32, %arg1: memref<256x256xf32, #tpu.memory_space<vmem>>, %arg2: memref<256x256xf32, #tpu.memory_space<vmem>>, %arg3: memref<8192x256xi32, #tpu.memory_space<vmem>>, %arg4: memref<256x256xf32, #tpu.memory_space<vmem>>, %arg5: memref<1x256xf32, #tpu.memory_space<vmem>>, %arg6: memref<1x256xf32, #tpu.memory_space<vmem>>, %arg7: memref<1x256xf32, #tpu.memory_space<vmem>>, %arg8: memref<512x256xf32, #tpu.memory_space<vmem>>, %arg9: memref<1x512xf32, #tpu.memory_space<vmem>>, %arg10: memref<256x512xf32, #tpu.memory_space<vmem>>, %arg11: memref<1x256xf32, #tpu.memory_space<vmem>>, %arg12: memref<1x256xf32, #tpu.memory_space<vmem>>, %arg13: memref<1x256xf32, #tpu.memory_space<vmem>>, %arg14: memref<256x256xf32, #tpu.memory_space<vmem>>, %arg15: memref<256x256xf32, #tpu.memory_space<vmem>>) attributes {dimension_semantics = [#tpu.dimension_semantics<arbitrary>], iteration_bounds = array<i64: 8>, scalar_prefetch = 0 : i64, scratch_operands = 0 : i64, tpu.core_type = #tpu.core_type<tc>, window_params = [{transform_indices = @transform_0, window_bounds = array<i64: 256, 256>}, {transform_indices = @transform_1, window_bounds = array<i64: 256, 256>}, {transform_indices = @transform_2, window_bounds = array<i64: 8192, 256>}, {pipeline_mode = #tpu.pipeline_mode<synchronous>, transform_indices = @transform_3, window_bounds = array<i64: 256, 256>}, {pipeline_mode = #tpu.pipeline_mode<synchronous>, transform_indices = @transform_4, window_bounds = array<i64: 1, 256>}, {pipeline_mode = #tpu.pipeline_mode<synchronous>, transform_indices = @transform_5, window_bounds = array<i64: 1, 256>}, {pipeline_mode = #tpu.pipeline_mode<synchronous>, transform_indices = @transform_6, window_bounds = array<i64: 1, 256>}, {pipeline_mode = #tpu.pipeline_mode<synchronous>, transform_indices = @transform_7, window_bounds = array<i64: 512, 256>}, {pipeline_mode = #tpu.pipeline_mode<synchronous>, transform_indices = @transform_8, window_bounds = array<i64: 1, 512>}, {pipeline_mode = #tpu.pipeline_mode<synchronous>, transform_indices = @transform_9, window_bounds = array<i64: 256, 512>}, {pipeline_mode = #tpu.pipeline_mode<synchronous>, transform_indices = @transform_10, window_bounds = array<i64: 1, 256>}, {pipeline_mode = #tpu.pipeline_mode<synchronous>, transform_indices = @transform_11, window_bounds = array<i64: 1, 256>}, {pipeline_mode = #tpu.pipeline_mode<synchronous>, transform_indices = @transform_12, window_bounds = array<i64: 1, 256>}, {pipeline_mode = #tpu.pipeline_mode<synchronous>, transform_indices = @transform_13, window_bounds = array<i64: 256, 256>}, {transform_indices = @transform_14, window_bounds = array<i64: 256, 256>}]} {
    %get3A = arith.constant 0 : index
    %get3A_0 = arith.constant 0 : index
    %get3A_1 = vector.load %arg1[%get3A, %get3A_0] : memref<256x256xf32, #tpu.memory_space<vmem>>, vector<256x256xf32>
    %get3A_2 = arith.constant 0 : index
    %get3A_3 = arith.constant 0 : index
    %get3A_4 = vector.load %arg3[%get3A_2, %get3A_3] : memref<8192x256xi32, #tpu.memory_space<vmem>>, vector<8192x256xi32>
    %slice3A = vector.extract_strided_slice %get3A_4 {offsets = [0, 0], sizes = [8192, 128], strides = [1, 1]} : vector<8192x256xi32> to vector<8192x128xi32>
    %shift_left3A = arith.constant 16 : i32
    %shift_left3A_5 = vector.broadcast %shift_left3A : i32 to vector<8192x128xi32>
    %shift_left3A_6 = arith.shli %slice3A, %shift_left3A_5 : vector<8192x128xi32>
    %bitcast_convert_type3A = tpu.bitcast %shift_left3A_6 : vector<8192x128xi32> -> vector<8192x128xf32>
    %and3A = arith.constant -65536 : i32
    %and3A_7 = vector.broadcast %and3A : i32 to vector<8192x128xi32>
    %and3A_8 = arith.andi %slice3A, %and3A_7 : vector<8192x128xi32>
    %bitcast_convert_type3A_9 = tpu.bitcast %and3A_8 : vector<8192x128xi32> -> vector<8192x128xf32>
    %slice3A_10 = vector.extract_strided_slice %get3A_4 {offsets = [0, 128], sizes = [8192, 128], strides = [1, 1]} : vector<8192x256xi32> to vector<8192x128xi32>
    %shift_left3A_11 = arith.constant 16 : i32
    %shift_left3A_12 = vector.broadcast %shift_left3A_11 : i32 to vector<8192x128xi32>
    %shift_left3A_13 = arith.shli %slice3A_10, %shift_left3A_12 : vector<8192x128xi32>
    %bitcast_convert_type3A_14 = tpu.bitcast %shift_left3A_13 : vector<8192x128xi32> -> vector<8192x128xf32>
    %and3A_15 = arith.constant -65536 : i32
    %and3A_16 = vector.broadcast %and3A_15 : i32 to vector<8192x128xi32>
    %and3A_17 = arith.andi %slice3A_10, %and3A_16 : vector<8192x128xi32>
    %bitcast_convert_type3A_18 = tpu.bitcast %and3A_17 : vector<8192x128xi32> -> vector<8192x128xf32>
    %iota3A = tpu.iota {dimensions = array<i32: 0>} : vector<128x8xi32>
    %jit3A = arith.constant 32 : i32
    %div3A = vector.broadcast %jit3A : i32 to vector<128x8xi32>
    %div3A_19 = arith.divsi %iota3A, %div3A : vector<128x8xi32>
    %sign3A = arith.constant 0 : i32
    %sign3A_20 = vector.broadcast %sign3A : i32 to vector<128x8xi32>
    %sign3A_21 = arith.cmpi sgt, %iota3A, %sign3A_20 : vector<128x8xi32>
    %sign3A_22 = arith.extui %sign3A_21 : vector<128x8xi1> to vector<128x8xi32>
    %sign3A_23 = arith.constant 0 : i32
    %sign3A_24 = vector.broadcast %sign3A_23 : i32 to vector<128x8xi32>
    %sign3A_25 = arith.cmpi slt, %iota3A, %sign3A_24 : vector<128x8xi32>
    %sign3A_26 = arith.extui %sign3A_25 : vector<128x8xi1> to vector<128x8xi32>
    %sign3A_27 = arith.subi %sign3A_22, %sign3A_26 : vector<128x8xi32>
    %sign3A_28 = arith.constant 0 : i32
    %sign3A_29 = arith.cmpi sgt, %jit3A, %sign3A_28 : i32
    %sign3A_30 = arith.extui %sign3A_29 : i1 to i32
    %sign3A_31 = arith.constant 0 : i32
    %sign3A_32 = arith.cmpi slt, %jit3A, %sign3A_31 : i32
    %sign3A_33 = arith.extui %sign3A_32 : i1 to i32
    %sign3A_34 = arith.subi %sign3A_30, %sign3A_33 : i32
    %ne3A = vector.broadcast %sign3A_34 : i32 to vector<128x8xi32>
    %ne3A_35 = arith.cmpi ne, %sign3A_27, %ne3A : vector<128x8xi32>
    %rem3A = vector.broadcast %jit3A : i32 to vector<128x8xi32>
    %rem3A_36 = arith.remsi %iota3A, %rem3A : vector<128x8xi32>
    %ne3A_37 = arith.constant 0 : i32
    %ne3A_38 = vector.broadcast %ne3A_37 : i32 to vector<128x8xi32>
    %ne3A_39 = arith.cmpi ne, %rem3A_36, %ne3A_38 : vector<128x8xi32>
    %and3A_40 = arith.andi %ne3A_35, %ne3A_39 : vector<128x8xi1>
    %sub3A = arith.constant 1 : i32
    %sub3A_41 = vector.broadcast %sub3A : i32 to vector<128x8xi32>
    %sub3A_42 = arith.subi %div3A_19, %sub3A_41 : vector<128x8xi32>
    %select_n3A = arith.select %and3A_40, %sub3A_42, %div3A_19 : vector<128x8xi1>, vector<128x8xi32>
    %iota3A_43 = tpu.iota {dimensions = array<i32: 1>} : vector<128x8xi32>
    %eq3A = arith.cmpi eq, %select_n3A, %iota3A_43 : vector<128x8xi32>
    %convert_element_type3A = arith.extui %eq3A : vector<128x8xi1> to vector<128x8xi32>
    %convert_element_type3A_44 = arith.sitofp %convert_element_type3A : vector<128x8xi32> to vector<128x8xf32>
    %iota3A_45 = tpu.iota {dimensions = array<i32: 0>} : vector<128x8xi32>
    %jit3A_46 = arith.constant 32 : i32
    %div3A_47 = vector.broadcast %jit3A_46 : i32 to vector<128x8xi32>
    %div3A_48 = arith.divsi %iota3A_45, %div3A_47 : vector<128x8xi32>
    %sign3A_49 = arith.constant 0 : i32
    %sign3A_50 = vector.broadcast %sign3A_49 : i32 to vector<128x8xi32>
    %sign3A_51 = arith.cmpi sgt, %iota3A_45, %sign3A_50 : vector<128x8xi32>
    %sign3A_52 = arith.extui %sign3A_51 : vector<128x8xi1> to vector<128x8xi32>
    %sign3A_53 = arith.constant 0 : i32
    %sign3A_54 = vector.broadcast %sign3A_53 : i32 to vector<128x8xi32>
    %sign3A_55 = arith.cmpi slt, %iota3A_45, %sign3A_54 : vector<128x8xi32>
    %sign3A_56 = arith.extui %sign3A_55 : vector<128x8xi1> to vector<128x8xi32>
    %sign3A_57 = arith.subi %sign3A_52, %sign3A_56 : vector<128x8xi32>
    %sign3A_58 = arith.constant 0 : i32
    %sign3A_59 = arith.cmpi sgt, %jit3A_46, %sign3A_58 : i32
    %sign3A_60 = arith.extui %sign3A_59 : i1 to i32
    %sign3A_61 = arith.constant 0 : i32
    %sign3A_62 = arith.cmpi slt, %jit3A_46, %sign3A_61 : i32
    %sign3A_63 = arith.extui %sign3A_62 : i1 to i32
    %sign3A_64 = arith.subi %sign3A_60, %sign3A_63 : i32
    %ne3A_65 = vector.broadcast %sign3A_64 : i32 to vector<128x8xi32>
    %ne3A_66 = arith.cmpi ne, %sign3A_57, %ne3A_65 : vector<128x8xi32>
    %rem3A_67 = vector.broadcast %jit3A_46 : i32 to vector<128x8xi32>
    %rem3A_68 = arith.remsi %iota3A_45, %rem3A_67 : vector<128x8xi32>
    %ne3A_69 = arith.constant 0 : i32
    %ne3A_70 = vector.broadcast %ne3A_69 : i32 to vector<128x8xi32>
    %ne3A_71 = arith.cmpi ne, %rem3A_68, %ne3A_70 : vector<128x8xi32>
    %and3A_72 = arith.andi %ne3A_66, %ne3A_71 : vector<128x8xi1>
    %sub3A_73 = arith.constant 1 : i32
    %sub3A_74 = vector.broadcast %sub3A_73 : i32 to vector<128x8xi32>
    %sub3A_75 = arith.subi %div3A_48, %sub3A_74 : vector<128x8xi32>
    %select_n3A_76 = arith.select %and3A_72, %sub3A_75, %div3A_48 : vector<128x8xi1>, vector<128x8xi32>
    %add3A = arith.constant 4 : i32
    %add3A_77 = vector.broadcast %add3A : i32 to vector<128x8xi32>
    %add3A_78 = arith.addi %select_n3A_76, %add3A_77 : vector<128x8xi32>
    %iota3A_79 = tpu.iota {dimensions = array<i32: 1>} : vector<128x8xi32>
    %eq3A_80 = arith.cmpi eq, %add3A_78, %iota3A_79 : vector<128x8xi32>
    %convert_element_type3A_81 = arith.extui %eq3A_80 : vector<128x8xi1> to vector<128x8xi32>
    %convert_element_type3A_82 = arith.sitofp %convert_element_type3A_81 : vector<128x8xi32> to vector<128x8xf32>
    %slice3A_83 = vector.extract_strided_slice %get3A_1 {offsets = [0, 0], sizes = [256, 128], strides = [1, 1]} : vector<256x256xf32> to vector<256x128xf32>
    %broadcast_in_dim3A = vector.shape_cast %slice3A_83 : vector<256x128xf32> to vector<256x1x128xf32>
    %broadcast_in_dim3A_84 = vector.shape_cast %broadcast_in_dim3A : vector<256x1x128xf32> to vector<256x1x128xf32>
    %broadcast_in_dim3A_85 = vector.broadcast %broadcast_in_dim3A_84 : vector<256x1x128xf32> to vector<256x32x128xf32>
    %reshape3A = vector.shape_cast %broadcast_in_dim3A_85 : vector<256x32x128xf32> to vector<8192x128xf32>
    %slice3A_86 = vector.extract_strided_slice %get3A_1 {offsets = [0, 128], sizes = [256, 128], strides = [1, 1]} : vector<256x256xf32> to vector<256x128xf32>
    %broadcast_in_dim3A_87 = vector.shape_cast %slice3A_86 : vector<256x128xf32> to vector<256x1x128xf32>
    %broadcast_in_dim3A_88 = vector.shape_cast %broadcast_in_dim3A_87 : vector<256x1x128xf32> to vector<256x1x128xf32>
    %broadcast_in_dim3A_89 = vector.broadcast %broadcast_in_dim3A_88 : vector<256x1x128xf32> to vector<256x32x128xf32>
    %reshape3A_90 = vector.shape_cast %broadcast_in_dim3A_89 : vector<256x32x128xf32> to vector<8192x128xf32>
    %mul3A = arith.mulf %bitcast_convert_type3A, %reshape3A : vector<8192x128xf32>
    %dot_general3A = arith.constant dense<0.000000e+00> : vector<8192x8xf32>
    %dot_general3A_91 = tpu.matmul %mul3A, %convert_element_type3A_44, %dot_general3A {dimension_numbers = #tpu.dot_dimension_numbers<[1], [0], [0], [1], [0, 0, 1, 1], [], []>, transpose_lhs_hint = false} : vector<8192x128xf32>, vector<128x8xf32>, vector<8192x8xf32> -> vector<8192x8xf32>
    %mul3A_92 = arith.mulf %bitcast_convert_type3A_9, %reshape3A_90 : vector<8192x128xf32>
    %dot_general3A_93 = arith.constant dense<0.000000e+00> : vector<8192x8xf32>
    %dot_general3A_94 = tpu.matmul %mul3A_92, %convert_element_type3A_82, %dot_general3A_93 {dimension_numbers = #tpu.dot_dimension_numbers<[1], [0], [0], [1], [0, 0, 1, 1], [], []>, transpose_lhs_hint = false} : vector<8192x128xf32>, vector<128x8xf32>, vector<8192x8xf32> -> vector<8192x8xf32>
    %add3A_95 = arith.addf %dot_general3A_91, %dot_general3A_94 : vector<8192x8xf32>
    %mul3A_96 = arith.constant 0.176776692 : f32
    %mul3A_97 = vector.broadcast %mul3A_96 : f32 to vector<8192x8xf32>
    %mul3A_98 = arith.mulf %add3A_95, %mul3A_97 : vector<8192x8xf32>
    %reshape3A_99 = vector.shape_cast %mul3A_98 : vector<8192x8xf32> to vector<256x32x8xf32>
    %reduce_max3A = arith.constant dense<0xFF800000> : vector<256x8xf32>
    %reduce_max3A_100 = vector.multi_reduction <maximumf>, %reshape3A_99, %reduce_max3A [1] : vector<256x32x8xf32> to vector<256x8xf32>
    %broadcast_in_dim3A_101 = vector.shape_cast %reduce_max3A_100 : vector<256x8xf32> to vector<256x1x8xf32>
    %sub3A_102 = vector.broadcast %broadcast_in_dim3A_101 : vector<256x1x8xf32> to vector<256x32x8xf32>
    %sub3A_103 = arith.subf %reshape3A_99, %sub3A_102 : vector<256x32x8xf32>
    %exp3A = math.exp %sub3A_103 : vector<256x32x8xf32>
    %reduce_sum3A = arith.constant dense<0.000000e+00> : vector<256x8xf32>
    %reduce_sum3A_104 = vector.multi_reduction <add>, %exp3A, %reduce_sum3A [1] : vector<256x32x8xf32> to vector<256x8xf32>
    %broadcast_in_dim3A_105 = vector.shape_cast %reduce_sum3A_104 : vector<256x8xf32> to vector<256x1x8xf32>
    %div3A_106 = vector.broadcast %broadcast_in_dim3A_105 : vector<256x1x8xf32> to vector<256x32x8xf32>
    %div3A_107 = arith.divf %exp3A, %div3A_106 : vector<256x32x8xf32>
    %reshape3A_108 = vector.shape_cast %div3A_107 : vector<256x32x8xf32> to vector<8192x8xf32>
    %dot_general3A_109 = arith.constant dense<0.000000e+00> : vector<8192x128xf32>
    %dot_general3A_110 = tpu.matmul %reshape3A_108, %convert_element_type3A_44, %dot_general3A_109 {dimension_numbers = #tpu.dot_dimension_numbers<[1], [1], [0], [0], [0, 0, 1, 0], [], []>, transpose_lhs_hint = false} : vector<8192x8xf32>, vector<128x8xf32>, vector<8192x128xf32> -> vector<8192x128xf32>
    %dot_general3A_111 = arith.constant dense<0.000000e+00> : vector<8192x128xf32>
    %dot_general3A_112 = tpu.matmul %reshape3A_108, %convert_element_type3A_82, %dot_general3A_111 {dimension_numbers = #tpu.dot_dimension_numbers<[1], [1], [0], [0], [0, 0, 1, 0], [], []>, transpose_lhs_hint = false} : vector<8192x8xf32>, vector<128x8xf32>, vector<8192x128xf32> -> vector<8192x128xf32>
    %mul3A_113 = arith.mulf %dot_general3A_110, %bitcast_convert_type3A_14 : vector<8192x128xf32>
    %reshape3A_114 = vector.shape_cast %mul3A_113 : vector<8192x128xf32> to vector<256x32x128xf32>
    %reduce_sum3A_115 = arith.constant dense<0.000000e+00> : vector<256x128xf32>
    %reduce_sum3A_116 = vector.multi_reduction <add>, %reshape3A_114, %reduce_sum3A_115 [1] : vector<256x32x128xf32> to vector<256x128xf32>
    %mul3A_117 = arith.mulf %dot_general3A_112, %bitcast_convert_type3A_18 : vector<8192x128xf32>
    %reshape3A_118 = vector.shape_cast %mul3A_117 : vector<8192x128xf32> to vector<256x32x128xf32>
    %reduce_sum3A_119 = arith.constant dense<0.000000e+00> : vector<256x128xf32>
    %reduce_sum3A_120 = vector.multi_reduction <add>, %reshape3A_118, %reduce_sum3A_119 [1] : vector<256x32x128xf32> to vector<256x128xf32>
    %concatenate3A = tpu.concatenate %reduce_sum3A_116, %reduce_sum3A_120 in 1 : vector<256x128xf32>, vector<256x128xf32> -> vector<256x256xf32>
    %get3A_121 = arith.constant 0 : index
    %get3A_122 = arith.constant 0 : index
    %get3A_123 = vector.load %arg4[%get3A_121, %get3A_122] : memref<256x256xf32, #tpu.memory_space<vmem>>, vector<256x256xf32>
    %dot_general3A_124 = arith.constant dense<0.000000e+00> : vector<256x256xf32>
    %dot_general3A_125 = tpu.matmul %concatenate3A, %get3A_123, %dot_general3A_124 {dimension_numbers = #tpu.dot_dimension_numbers<[1], [1], [0], [0], [0, 0, 1, 0], [], []>, transpose_lhs_hint = false} : vector<256x256xf32>, vector<256x256xf32>, vector<256x256xf32> -> vector<256x256xf32>
    %get3A_126 = arith.constant 0 : index
    %get3A_127 = arith.constant 0 : index
    %get3A_128 = vector.load %arg5[%get3A_126, %get3A_127] : memref<1x256xf32, #tpu.memory_space<vmem>>, vector<1x256xf32>
    %add3A_129 = vector.broadcast %get3A_128 : vector<1x256xf32> to vector<256x256xf32>
    %add3A_130 = arith.addf %dot_general3A_125, %add3A_129 : vector<256x256xf32>
    %get3A_131 = arith.constant 0 : index
    %get3A_132 = arith.constant 0 : index
    %get3A_133 = vector.load %arg2[%get3A_131, %get3A_132] : memref<256x256xf32, #tpu.memory_space<vmem>>, vector<256x256xf32>
    %add3A_134 = arith.addf %add3A_130, %get3A_133 : vector<256x256xf32>
    %get3A_135 = arith.constant 0 : index
    %get3A_136 = arith.constant 0 : index
    %get3A_137 = vector.load %arg6[%get3A_135, %get3A_136] : memref<1x256xf32, #tpu.memory_space<vmem>>, vector<1x256xf32>
    %get3A_138 = arith.constant 0 : index
    %get3A_139 = arith.constant 0 : index
    %get3A_140 = vector.load %arg7[%get3A_138, %get3A_139] : memref<1x256xf32, #tpu.memory_space<vmem>>, vector<1x256xf32>
    %reduce_sum3A_141 = arith.constant dense<0.000000e+00> : vector<256xf32>
    %reduce_sum3A_142 = vector.multi_reduction <add>, %add3A_134, %reduce_sum3A_141 [1] : vector<256x256xf32> to vector<256xf32>
    %broadcast_in_dim3A_143 = vector.shape_cast %reduce_sum3A_142 : vector<256xf32> to vector<256x1xf32>
    %div3A_144 = arith.constant 2.560000e+02 : f32
    %div3A_145 = vector.broadcast %div3A_144 : f32 to vector<256x1xf32>
    %div3A_146 = arith.divf %broadcast_in_dim3A_143, %div3A_145 : vector<256x1xf32>
    %sub3A_147 = vector.broadcast %div3A_146 : vector<256x1xf32> to vector<256x256xf32>
    %sub3A_148 = arith.subf %add3A_134, %sub3A_147 : vector<256x256xf32>
    %mul3A_149 = arith.mulf %sub3A_148, %sub3A_148 : vector<256x256xf32>
    %reduce_sum3A_150 = arith.constant dense<0.000000e+00> : vector<256xf32>
    %reduce_sum3A_151 = vector.multi_reduction <add>, %mul3A_149, %reduce_sum3A_150 [1] : vector<256x256xf32> to vector<256xf32>
    %broadcast_in_dim3A_152 = vector.shape_cast %reduce_sum3A_151 : vector<256xf32> to vector<256x1xf32>
    %div3A_153 = arith.constant 2.560000e+02 : f32
    %div3A_154 = vector.broadcast %div3A_153 : f32 to vector<256x1xf32>
    %div3A_155 = arith.divf %broadcast_in_dim3A_152, %div3A_154 : vector<256x1xf32>
    %add3A_156 = arith.constant 9.99999974E-6 : f32
    %add3A_157 = vector.broadcast %add3A_156 : f32 to vector<256x1xf32>
    %add3A_158 = arith.addf %div3A_155, %add3A_157 : vector<256x1xf32>
    %rsqrt3A = math.rsqrt %add3A_158 : vector<256x1xf32>
    %mul3A_159 = vector.broadcast %rsqrt3A : vector<256x1xf32> to vector<256x256xf32>
    %mul3A_160 = arith.mulf %sub3A_148, %mul3A_159 : vector<256x256xf32>
    %mul3A_161 = vector.broadcast %get3A_137 : vector<1x256xf32> to vector<256x256xf32>
    %mul3A_162 = arith.mulf %mul3A_160, %mul3A_161 : vector<256x256xf32>
    %add3A_163 = vector.broadcast %get3A_140 : vector<1x256xf32> to vector<256x256xf32>
    %add3A_164 = arith.addf %mul3A_162, %add3A_163 : vector<256x256xf32>
    %get3A_165 = arith.constant 0 : index
    %get3A_166 = arith.constant 0 : index
    %get3A_167 = vector.load %arg8[%get3A_165, %get3A_166] : memref<512x256xf32, #tpu.memory_space<vmem>>, vector<512x256xf32>
    %dot_general3A_168 = arith.constant dense<0.000000e+00> : vector<256x512xf32>
    %dot_general3A_169 = tpu.matmul %add3A_164, %get3A_167, %dot_general3A_168 {dimension_numbers = #tpu.dot_dimension_numbers<[1], [1], [0], [0], [0, 0, 1, 0], [], []>, transpose_lhs_hint = false} : vector<256x256xf32>, vector<512x256xf32>, vector<256x512xf32> -> vector<256x512xf32>
    %get3A_170 = arith.constant 0 : index
    %get3A_171 = arith.constant 0 : index
    %get3A_172 = vector.load %arg9[%get3A_170, %get3A_171] : memref<1x512xf32, #tpu.memory_space<vmem>>, vector<1x512xf32>
    %add3A_173 = vector.broadcast %get3A_172 : vector<1x512xf32> to vector<256x512xf32>
    %add3A_174 = arith.addf %dot_general3A_169, %add3A_173 : vector<256x512xf32>
    %integer_pow3A = arith.mulf %add3A_174, %add3A_174 : vector<256x512xf32>
    %integer_pow3A_175 = arith.mulf %add3A_174, %integer_pow3A : vector<256x512xf32>
    %mul3A_176 = arith.constant 4.471500e-02 : f32
    %mul3A_177 = vector.broadcast %mul3A_176 : f32 to vector<256x512xf32>
    %mul3A_178 = arith.mulf %mul3A_177, %integer_pow3A_175 : vector<256x512xf32>
    %add3A_179 = arith.addf %add3A_174, %mul3A_178 : vector<256x512xf32>
    %mul3A_180 = arith.constant 0.797884583 : f32
    %mul3A_181 = vector.broadcast %mul3A_180 : f32 to vector<256x512xf32>
    %mul3A_182 = arith.mulf %mul3A_181, %add3A_179 : vector<256x512xf32>
    %tanh3A = math.tanh %mul3A_182 : vector<256x512xf32>
    %add3A_183 = arith.constant 1.000000e+00 : f32
    %add3A_184 = vector.broadcast %add3A_183 : f32 to vector<256x512xf32>
    %add3A_185 = arith.addf %add3A_184, %tanh3A : vector<256x512xf32>
    %mul3A_186 = arith.constant 5.000000e-01 : f32
    %mul3A_187 = vector.broadcast %mul3A_186 : f32 to vector<256x512xf32>
    %mul3A_188 = arith.mulf %mul3A_187, %add3A_185 : vector<256x512xf32>
    %mul3A_189 = arith.mulf %add3A_174, %mul3A_188 : vector<256x512xf32>
    %get3A_190 = arith.constant 0 : index
    %get3A_191 = arith.constant 0 : index
    %get3A_192 = vector.load %arg10[%get3A_190, %get3A_191] : memref<256x512xf32, #tpu.memory_space<vmem>>, vector<256x512xf32>
    %dot_general3A_193 = arith.constant dense<0.000000e+00> : vector<256x256xf32>
    %dot_general3A_194 = tpu.matmul %mul3A_189, %get3A_192, %dot_general3A_193 {dimension_numbers = #tpu.dot_dimension_numbers<[1], [1], [0], [0], [0, 0, 1, 0], [], []>, transpose_lhs_hint = false} : vector<256x512xf32>, vector<256x512xf32>, vector<256x256xf32> -> vector<256x256xf32>
    %get3A_195 = arith.constant 0 : index
    %get3A_196 = arith.constant 0 : index
    %get3A_197 = vector.load %arg11[%get3A_195, %get3A_196] : memref<1x256xf32, #tpu.memory_space<vmem>>, vector<1x256xf32>
    %add3A_198 = vector.broadcast %get3A_197 : vector<1x256xf32> to vector<256x256xf32>
    %add3A_199 = arith.addf %dot_general3A_194, %add3A_198 : vector<256x256xf32>
    %add3A_200 = arith.addf %add3A_199, %add3A_164 : vector<256x256xf32>
    %get3A_201 = arith.constant 0 : index
    %get3A_202 = arith.constant 0 : index
    %get3A_203 = vector.load %arg12[%get3A_201, %get3A_202] : memref<1x256xf32, #tpu.memory_space<vmem>>, vector<1x256xf32>
    %get3A_204 = arith.constant 0 : index
    %get3A_205 = arith.constant 0 : index
    %get3A_206 = vector.load %arg13[%get3A_204, %get3A_205] : memref<1x256xf32, #tpu.memory_space<vmem>>, vector<1x256xf32>
    %reduce_sum3A_207 = arith.constant dense<0.000000e+00> : vector<256xf32>
    %reduce_sum3A_208 = vector.multi_reduction <add>, %add3A_200, %reduce_sum3A_207 [1] : vector<256x256xf32> to vector<256xf32>
    %broadcast_in_dim3A_209 = vector.shape_cast %reduce_sum3A_208 : vector<256xf32> to vector<256x1xf32>
    %div3A_210 = arith.constant 2.560000e+02 : f32
    %div3A_211 = vector.broadcast %div3A_210 : f32 to vector<256x1xf32>
    %div3A_212 = arith.divf %broadcast_in_dim3A_209, %div3A_211 : vector<256x1xf32>
    %sub3A_213 = vector.broadcast %div3A_212 : vector<256x1xf32> to vector<256x256xf32>
    %sub3A_214 = arith.subf %add3A_200, %sub3A_213 : vector<256x256xf32>
    %mul3A_215 = arith.mulf %sub3A_214, %sub3A_214 : vector<256x256xf32>
    %reduce_sum3A_216 = arith.constant dense<0.000000e+00> : vector<256xf32>
    %reduce_sum3A_217 = vector.multi_reduction <add>, %mul3A_215, %reduce_sum3A_216 [1] : vector<256x256xf32> to vector<256xf32>
    %broadcast_in_dim3A_218 = vector.shape_cast %reduce_sum3A_217 : vector<256xf32> to vector<256x1xf32>
    %div3A_219 = arith.constant 2.560000e+02 : f32
    %div3A_220 = vector.broadcast %div3A_219 : f32 to vector<256x1xf32>
    %div3A_221 = arith.divf %broadcast_in_dim3A_218, %div3A_220 : vector<256x1xf32>
    %add3A_222 = arith.constant 9.99999974E-6 : f32
    %add3A_223 = vector.broadcast %add3A_222 : f32 to vector<256x1xf32>
    %add3A_224 = arith.addf %div3A_221, %add3A_223 : vector<256x1xf32>
    %rsqrt3A_225 = math.rsqrt %add3A_224 : vector<256x1xf32>
    %mul3A_226 = vector.broadcast %rsqrt3A_225 : vector<256x1xf32> to vector<256x256xf32>
    %mul3A_227 = arith.mulf %sub3A_214, %mul3A_226 : vector<256x256xf32>
    %mul3A_228 = vector.broadcast %get3A_203 : vector<1x256xf32> to vector<256x256xf32>
    %mul3A_229 = arith.mulf %mul3A_227, %mul3A_228 : vector<256x256xf32>
    %add3A_230 = vector.broadcast %get3A_206 : vector<1x256xf32> to vector<256x256xf32>
    %add3A_231 = arith.addf %mul3A_229, %add3A_230 : vector<256x256xf32>
    %get3A_232 = arith.constant 0 : index
    %get3A_233 = arith.constant 0 : index
    %get3A_234 = vector.load %arg14[%get3A_232, %get3A_233] : memref<256x256xf32, #tpu.memory_space<vmem>>, vector<256x256xf32>
    %dot_general3A_235 = arith.constant dense<0.000000e+00> : vector<256x256xf32>
    %dot_general3A_236 = tpu.matmul %add3A_231, %get3A_234, %dot_general3A_235 {dimension_numbers = #tpu.dot_dimension_numbers<[1], [1], [0], [0], [0, 0, 1, 0], [], []>, transpose_lhs_hint = false} : vector<256x256xf32>, vector<256x256xf32>, vector<256x256xf32> -> vector<256x256xf32>
    %swap3A = arith.constant 0 : index
    %swap3A_237 = arith.constant 0 : index
    %swap3A_238 = vector.load %arg15[%swap3A, %swap3A_237] : memref<256x256xf32, #tpu.memory_space<vmem>>, vector<256x256xf32>
    tpu.vector_store %arg15[%swap3A, %swap3A_237], %dot_general3A_236 {strides = array<i32>} : memref<256x256xf32, #tpu.memory_space<vmem>>, vector<256x256xf32>,
    return
  }
  func.func @transform_0(%arg0: i32) -> (i32, i32) {
    %add3A = arith.constant 8 : i32
    %add3A_0 = arith.addi %add3A, %arg0 : i32
    %c0_i32 = arith.constant 0 : i32
    %c0_i32_1 = arith.constant 0 : i32
    return %add3A_0, %c0_i32 : i32, i32
  }
  func.func @transform_1(%arg0: i32) -> (i32, i32) {
    %add3A = arith.constant 8 : i32
    %add3A_0 = arith.addi %add3A, %arg0 : i32
    %c0_i32 = arith.constant 0 : i32
    %c0_i32_1 = arith.constant 0 : i32
    return %add3A_0, %c0_i32 : i32, i32
  }
  func.func @transform_2(%arg0: i32) -> (i32, i32) {
    %c0_i32 = arith.constant 0 : i32
    %c0_i32_0 = arith.constant 0 : i32
    return %arg0, %c0_i32 : i32, i32
  }
  func.func @transform_3(%arg0: i32) -> (i32, i32) {
    %c0_i32 = arith.constant 0 : i32
    %c0_i32_0 = arith.constant 0 : i32
    %c0_i32_1 = arith.constant 0 : i32
    return %c0_i32, %c0_i32_0 : i32, i32
  }
  func.func @transform_4(%arg0: i32) -> (i32, i32) {
    %c0_i32 = arith.constant 0 : i32
    %c0_i32_0 = arith.constant 0 : i32
    %c0_i32_1 = arith.constant 0 : i32
    return %c0_i32, %c0_i32_0 : i32, i32
  }
  func.func @transform_5(%arg0: i32) -> (i32, i32) {
    %c0_i32 = arith.constant 0 : i32
    %c0_i32_0 = arith.constant 0 : i32
    %c0_i32_1 = arith.constant 0 : i32
    return %c0_i32, %c0_i32_0 : i32, i32
  }
  func.func @transform_6(%arg0: i32) -> (i32, i32) {
    %c0_i32 = arith.constant 0 : i32
    %c0_i32_0 = arith.constant 0 : i32
    %c0_i32_1 = arith.constant 0 : i32
    return %c0_i32, %c0_i32_0 : i32, i32
  }
  func.func @transform_7(%arg0: i32) -> (i32, i32) {
    %c0_i32 = arith.constant 0 : i32
    %c0_i32_0 = arith.constant 0 : i32
    %c0_i32_1 = arith.constant 0 : i32
    return %c0_i32, %c0_i32_0 : i32, i32
  }
  func.func @transform_8(%arg0: i32) -> (i32, i32) {
    %c0_i32 = arith.constant 0 : i32
    %c0_i32_0 = arith.constant 0 : i32
    %c0_i32_1 = arith.constant 0 : i32
    return %c0_i32, %c0_i32_0 : i32, i32
  }
  func.func @transform_9(%arg0: i32) -> (i32, i32) {
    %c0_i32 = arith.constant 0 : i32
    %c0_i32_0 = arith.constant 0 : i32
    %c0_i32_1 = arith.constant 0 : i32
    return %c0_i32, %c0_i32_0 : i32, i32
  }
  func.func @transform_10(%arg0: i32) -> (i32, i32) {
    %c0_i32 = arith.constant 0 : i32
    %c0_i32_0 = arith.constant 0 : i32
    %c0_i32_1 = arith.constant 0 : i32
    return %c0_i32, %c0_i32_0 : i32, i32
  }
  func.func @transform_11(%arg0: i32) -> (i32, i32) {
    %c0_i32 = arith.constant 0 : i32
    %c0_i32_0 = arith.constant 0 : i32
    %c0_i32_1 = arith.constant 0 : i32
    return %c0_i32, %c0_i32_0 : i32, i32
  }
  func.func @transform_12(%arg0: i32) -> (i32, i32) {
    %c0_i32 = arith.constant 0 : i32
    %c0_i32_0 = arith.constant 0 : i32
    %c0_i32_1 = arith.constant 0 : i32
    return %c0_i32, %c0_i32_0 : i32, i32
  }
  func.func @transform_13(%arg0: i32) -> (i32, i32) {
    %c0_i32 = arith.constant 0 : i32
    %c0_i32_0 = arith.constant 0 : i32
    %c0_i32_1 = arith.constant 0 : i32
    return %c0_i32, %c0_i32_0 : i32, i32
  }
  func.func @transform_14(%arg0: i32) -> (i32, i32) {
    %c0_i32 = arith.constant 0 : i32
    %c0_i32_0 = arith.constant 0 : i32
    return %arg0, %c0_i32 : i32, i32
  }
}

module attributes {stable_mosaic.version = 14 : i64} {
  func.func @body(%arg0: i32, %arg1: memref<256x3xf32, #tpu.memory_space<vmem>>, %arg2: memref<1x3x2048xf32, #tpu.memory_space<vmem>>, %arg3: memref<256x32xi32, #tpu.memory_space<vmem>>) attributes {dimension_semantics = [#tpu.dimension_semantics<arbitrary>], iteration_bounds = array<i64: 8>, scalar_prefetch = 0 : i64, scratch_operands = 0 : i64, tpu.core_type = #tpu.core_type<tc>, window_params = [{transform_indices = @transform_0, window_bounds = array<i64: 256, 3>}, {transform_indices = @transform_1, window_bounds = array<i64: 1, 3, 2048>}, {transform_indices = @transform_2, window_bounds = array<i64: 256, 32>}]} {
    %get3A = arith.constant 0 : index
    %get3A_0 = arith.constant 0 : index
    %get3A_1 = vector.load %arg1[%get3A, %get3A_0] : memref<256x3xf32, #tpu.memory_space<vmem>>, vector<256x3xf32>
    %get3A_2 = arith.constant 0 : index
    %get3A_3 = arith.constant 0 : index
    %get3A_4 = arith.constant 0 : index
    %get3A_5 = vector.load %arg2[%get3A_2, %get3A_3, %get3A_4] : memref<1x3x2048xf32, #tpu.memory_space<vmem>>, vector<1x3x2048xf32>
    %get3A_6 = vector.shape_cast %get3A_5 : vector<1x3x2048xf32> to vector<3x2048xf32>
    %slice3A = vector.extract_strided_slice %get3A_1 {offsets = [0, 0], sizes = [256, 1], strides = [1, 1]} : vector<256x3xf32> to vector<256x1xf32>
    %slice3A_7 = vector.extract_strided_slice %get3A_6 {offsets = [0, 0], sizes = [1, 2048], strides = [1, 1]} : vector<3x2048xf32> to vector<1x2048xf32>
    %sub3A = vector.broadcast %slice3A : vector<256x1xf32> to vector<256x2048xf32>
    %sub3A_8 = vector.broadcast %slice3A_7 : vector<1x2048xf32> to vector<256x2048xf32>
    %sub3A_9 = arith.subf %sub3A, %sub3A_8 : vector<256x2048xf32>
    %mul3A = arith.mulf %sub3A_9, %sub3A_9 : vector<256x2048xf32>
    %slice3A_10 = vector.extract_strided_slice %get3A_1 {offsets = [0, 1], sizes = [256, 1], strides = [1, 1]} : vector<256x3xf32> to vector<256x1xf32>
    %slice3A_11 = vector.extract_strided_slice %get3A_6 {offsets = [1, 0], sizes = [1, 2048], strides = [1, 1]} : vector<3x2048xf32> to vector<1x2048xf32>
    %sub3A_12 = vector.broadcast %slice3A_10 : vector<256x1xf32> to vector<256x2048xf32>
    %sub3A_13 = vector.broadcast %slice3A_11 : vector<1x2048xf32> to vector<256x2048xf32>
    %sub3A_14 = arith.subf %sub3A_12, %sub3A_13 : vector<256x2048xf32>
    %mul3A_15 = arith.mulf %sub3A_14, %sub3A_14 : vector<256x2048xf32>
    %add3A = arith.addf %mul3A, %mul3A_15 : vector<256x2048xf32>
    %slice3A_16 = vector.extract_strided_slice %get3A_1 {offsets = [0, 2], sizes = [256, 1], strides = [1, 1]} : vector<256x3xf32> to vector<256x1xf32>
    %slice3A_17 = vector.extract_strided_slice %get3A_6 {offsets = [2, 0], sizes = [1, 2048], strides = [1, 1]} : vector<3x2048xf32> to vector<1x2048xf32>
    %sub3A_18 = vector.broadcast %slice3A_16 : vector<256x1xf32> to vector<256x2048xf32>
    %sub3A_19 = vector.broadcast %slice3A_17 : vector<1x2048xf32> to vector<256x2048xf32>
    %sub3A_20 = arith.subf %sub3A_18, %sub3A_19 : vector<256x2048xf32>
    %mul3A_21 = arith.mulf %sub3A_20, %sub3A_20 : vector<256x2048xf32>
    %add3A_22 = arith.addf %add3A, %mul3A_21 : vector<256x2048xf32>
    %iota3A = tpu.iota {dimensions = array<i32: 1>} : vector<256x2048xi32>
    %bitcast_convert_type3A = tpu.bitcast %add3A_22 : vector<256x2048xf32> -> vector<256x2048xi32>
    %not3A = arith.constant 2047 : i32
    %not3A_23 = arith.constant -1 : i32
    %not3A_24 = arith.xori %not3A, %not3A_23 : i32
    %and3A = vector.broadcast %not3A_24 : i32 to vector<256x2048xi32>
    %and3A_25 = arith.andi %bitcast_convert_type3A, %and3A : vector<256x2048xi32>
    %or3A = arith.ori %and3A_25, %iota3A : vector<256x2048xi32>
    %iota3A_26 = tpu.iota {dimensions = array<i32: 0>} : vector<256x1xi32>
    %add3A_27 = arith.constant 0 : i32
    %add3A_28 = vector.broadcast %add3A_27 : i32 to vector<256x1xi32>
    %add3A_29 = arith.addi %iota3A_26, %add3A_28 : vector<256x1xi32>
    %mul3A_30 = arith.constant 256 : i32
    %mul3A_31 = arith.muli %arg0, %mul3A_30 : i32
    %add3A_32 = vector.broadcast %mul3A_31 : i32 to vector<256x1xi32>
    %add3A_33 = arith.addi %add3A_29, %add3A_32 : vector<256x1xi32>
    %eq3A = vector.broadcast %add3A_33 : vector<256x1xi32> to vector<256x2048xi32>
    %eq3A_34 = arith.cmpi eq, %iota3A, %eq3A : vector<256x2048xi32>
    %jit3A = arith.constant 2147483647 : i32
    %broadcast_in_dim3A = vector.broadcast %jit3A : i32 to vector<256x2048xi32>
    %select_n3A = arith.select %eq3A_34, %broadcast_in_dim3A, %or3A : vector<256x2048xi1>, vector<256x2048xi32>
    %slice3A_35 = vector.extract_strided_slice %select_n3A {offsets = [0, 0], sizes = [256, 512], strides = [1, 1]} : vector<256x2048xi32> to vector<256x512xi32>
    %slice3A_36 = vector.extract_strided_slice %select_n3A {offsets = [0, 512], sizes = [256, 512], strides = [1, 1]} : vector<256x2048xi32> to vector<256x512xi32>
    %slice3A_37 = vector.extract_strided_slice %select_n3A {offsets = [0, 1024], sizes = [256, 512], strides = [1, 1]} : vector<256x2048xi32> to vector<256x512xi32>
    %slice3A_38 = vector.extract_strided_slice %select_n3A {offsets = [0, 1536], sizes = [256, 512], strides = [1, 1]} : vector<256x2048xi32> to vector<256x512xi32>
    %min3A = arith.minsi %slice3A_35, %slice3A_36 : vector<256x512xi32>
    %max3A = arith.maxsi %slice3A_35, %slice3A_36 : vector<256x512xi32>
    %min3A_39 = arith.minsi %slice3A_37, %slice3A_38 : vector<256x512xi32>
    %max3A_40 = arith.maxsi %slice3A_37, %slice3A_38 : vector<256x512xi32>
    %min3A_41 = arith.minsi %min3A, %min3A_39 : vector<256x512xi32>
    %max3A_42 = arith.maxsi %min3A, %min3A_39 : vector<256x512xi32>
    %min3A_43 = arith.minsi %max3A, %max3A_40 : vector<256x512xi32>
    %max3A_44 = arith.maxsi %max3A, %max3A_40 : vector<256x512xi32>
    %min3A_45 = arith.minsi %min3A_43, %max3A_42 : vector<256x512xi32>
    %max3A_46 = arith.maxsi %min3A_43, %max3A_42 : vector<256x512xi32>
    %reduce_min3A = arith.constant dense<2147483647> : vector<256xi32>
    %reduce_min3A_47 = vector.multi_reduction <minsi>, %min3A_41, %reduce_min3A [1] : vector<256x512xi32> to vector<256xi32>
    %broadcast_in_dim3A_48 = vector.shape_cast %reduce_min3A_47 : vector<256xi32> to vector<256x1xi32>
    %and3A_49 = arith.constant 2047 : i32
    %and3A_50 = vector.broadcast %and3A_49 : i32 to vector<256x1xi32>
    %and3A_51 = arith.andi %broadcast_in_dim3A_48, %and3A_50 : vector<256x1xi32>
    %eq3A_52 = vector.broadcast %broadcast_in_dim3A_48 : vector<256x1xi32> to vector<256x512xi32>
    %eq3A_53 = arith.cmpi eq, %min3A_41, %eq3A_52 : vector<256x512xi32>
    %select_n3A_54 = arith.select %eq3A_53, %min3A_45, %min3A_41 : vector<256x512xi1>, vector<256x512xi32>
    %select_n3A_55 = arith.select %eq3A_53, %max3A_46, %min3A_45 : vector<256x512xi1>, vector<256x512xi32>
    %select_n3A_56 = arith.select %eq3A_53, %max3A_44, %max3A_46 : vector<256x512xi1>, vector<256x512xi32>
    %jit3A_57 = arith.constant 2147483647 : i32
    %broadcast_in_dim3A_58 = vector.broadcast %jit3A_57 : i32 to vector<256x512xi32>
    %select_n3A_59 = arith.select %eq3A_53, %broadcast_in_dim3A_58, %max3A_44 : vector<256x512xi1>, vector<256x512xi32>
    %reduce_min3A_60 = arith.constant dense<2147483647> : vector<256xi32>
    %reduce_min3A_61 = vector.multi_reduction <minsi>, %select_n3A_54, %reduce_min3A_60 [1] : vector<256x512xi32> to vector<256xi32>
    %broadcast_in_dim3A_62 = vector.shape_cast %reduce_min3A_61 : vector<256xi32> to vector<256x1xi32>
    %and3A_63 = arith.constant 2047 : i32
    %and3A_64 = vector.broadcast %and3A_63 : i32 to vector<256x1xi32>
    %and3A_65 = arith.andi %broadcast_in_dim3A_62, %and3A_64 : vector<256x1xi32>
    %eq3A_66 = vector.broadcast %broadcast_in_dim3A_62 : vector<256x1xi32> to vector<256x512xi32>
    %eq3A_67 = arith.cmpi eq, %select_n3A_54, %eq3A_66 : vector<256x512xi32>
    %select_n3A_68 = arith.select %eq3A_67, %select_n3A_55, %select_n3A_54 : vector<256x512xi1>, vector<256x512xi32>
    %select_n3A_69 = arith.select %eq3A_67, %select_n3A_56, %select_n3A_55 : vector<256x512xi1>, vector<256x512xi32>
    %select_n3A_70 = arith.select %eq3A_67, %select_n3A_59, %select_n3A_56 : vector<256x512xi1>, vector<256x512xi32>
    %jit3A_71 = arith.constant 2147483647 : i32
    %broadcast_in_dim3A_72 = vector.broadcast %jit3A_71 : i32 to vector<256x512xi32>
    %select_n3A_73 = arith.select %eq3A_67, %broadcast_in_dim3A_72, %select_n3A_59 : vector<256x512xi1>, vector<256x512xi32>
    %reduce_min3A_74 = arith.constant dense<2147483647> : vector<256xi32>
    %reduce_min3A_75 = vector.multi_reduction <minsi>, %select_n3A_68, %reduce_min3A_74 [1] : vector<256x512xi32> to vector<256xi32>
    %broadcast_in_dim3A_76 = vector.shape_cast %reduce_min3A_75 : vector<256xi32> to vector<256x1xi32>
    %and3A_77 = arith.constant 2047 : i32
    %and3A_78 = vector.broadcast %and3A_77 : i32 to vector<256x1xi32>
    %and3A_79 = arith.andi %broadcast_in_dim3A_76, %and3A_78 : vector<256x1xi32>
    %eq3A_80 = vector.broadcast %broadcast_in_dim3A_76 : vector<256x1xi32> to vector<256x512xi32>
    %eq3A_81 = arith.cmpi eq, %select_n3A_68, %eq3A_80 : vector<256x512xi32>
    %select_n3A_82 = arith.select %eq3A_81, %select_n3A_69, %select_n3A_68 : vector<256x512xi1>, vector<256x512xi32>
    %select_n3A_83 = arith.select %eq3A_81, %select_n3A_70, %select_n3A_69 : vector<256x512xi1>, vector<256x512xi32>
    %select_n3A_84 = arith.select %eq3A_81, %select_n3A_73, %select_n3A_70 : vector<256x512xi1>, vector<256x512xi32>
    %jit3A_85 = arith.constant 2147483647 : i32
    %broadcast_in_dim3A_86 = vector.broadcast %jit3A_85 : i32 to vector<256x512xi32>
    %select_n3A_87 = arith.select %eq3A_81, %broadcast_in_dim3A_86, %select_n3A_73 : vector<256x512xi1>, vector<256x512xi32>
    %reduce_min3A_88 = arith.constant dense<2147483647> : vector<256xi32>
    %reduce_min3A_89 = vector.multi_reduction <minsi>, %select_n3A_82, %reduce_min3A_88 [1] : vector<256x512xi32> to vector<256xi32>
    %broadcast_in_dim3A_90 = vector.shape_cast %reduce_min3A_89 : vector<256xi32> to vector<256x1xi32>
    %and3A_91 = arith.constant 2047 : i32
    %and3A_92 = vector.broadcast %and3A_91 : i32 to vector<256x1xi32>
    %and3A_93 = arith.andi %broadcast_in_dim3A_90, %and3A_92 : vector<256x1xi32>
    %eq3A_94 = vector.broadcast %broadcast_in_dim3A_90 : vector<256x1xi32> to vector<256x512xi32>
    %eq3A_95 = arith.cmpi eq, %select_n3A_82, %eq3A_94 : vector<256x512xi32>
    %select_n3A_96 = arith.select %eq3A_95, %select_n3A_83, %select_n3A_82 : vector<256x512xi1>, vector<256x512xi32>
    %select_n3A_97 = arith.select %eq3A_95, %select_n3A_84, %select_n3A_83 : vector<256x512xi1>, vector<256x512xi32>
    %select_n3A_98 = arith.select %eq3A_95, %select_n3A_87, %select_n3A_84 : vector<256x512xi1>, vector<256x512xi32>
    %jit3A_99 = arith.constant 2147483647 : i32
    %broadcast_in_dim3A_100 = vector.broadcast %jit3A_99 : i32 to vector<256x512xi32>
    %select_n3A_101 = arith.select %eq3A_95, %broadcast_in_dim3A_100, %select_n3A_87 : vector<256x512xi1>, vector<256x512xi32>
    %reduce_min3A_102 = arith.constant dense<2147483647> : vector<256xi32>
    %reduce_min3A_103 = vector.multi_reduction <minsi>, %select_n3A_96, %reduce_min3A_102 [1] : vector<256x512xi32> to vector<256xi32>
    %broadcast_in_dim3A_104 = vector.shape_cast %reduce_min3A_103 : vector<256xi32> to vector<256x1xi32>
    %and3A_105 = arith.constant 2047 : i32
    %and3A_106 = vector.broadcast %and3A_105 : i32 to vector<256x1xi32>
    %and3A_107 = arith.andi %broadcast_in_dim3A_104, %and3A_106 : vector<256x1xi32>
    %eq3A_108 = vector.broadcast %broadcast_in_dim3A_104 : vector<256x1xi32> to vector<256x512xi32>
    %eq3A_109 = arith.cmpi eq, %select_n3A_96, %eq3A_108 : vector<256x512xi32>
    %select_n3A_110 = arith.select %eq3A_109, %select_n3A_97, %select_n3A_96 : vector<256x512xi1>, vector<256x512xi32>
    %select_n3A_111 = arith.select %eq3A_109, %select_n3A_98, %select_n3A_97 : vector<256x512xi1>, vector<256x512xi32>
    %select_n3A_112 = arith.select %eq3A_109, %select_n3A_101, %select_n3A_98 : vector<256x512xi1>, vector<256x512xi32>
    %jit3A_113 = arith.constant 2147483647 : i32
    %broadcast_in_dim3A_114 = vector.broadcast %jit3A_113 : i32 to vector<256x512xi32>
    %select_n3A_115 = arith.select %eq3A_109, %broadcast_in_dim3A_114, %select_n3A_101 : vector<256x512xi1>, vector<256x512xi32>
    %reduce_min3A_116 = arith.constant dense<2147483647> : vector<256xi32>
    %reduce_min3A_117 = vector.multi_reduction <minsi>, %select_n3A_110, %reduce_min3A_116 [1] : vector<256x512xi32> to vector<256xi32>
    %broadcast_in_dim3A_118 = vector.shape_cast %reduce_min3A_117 : vector<256xi32> to vector<256x1xi32>
    %and3A_119 = arith.constant 2047 : i32
    %and3A_120 = vector.broadcast %and3A_119 : i32 to vector<256x1xi32>
    %and3A_121 = arith.andi %broadcast_in_dim3A_118, %and3A_120 : vector<256x1xi32>
    %eq3A_122 = vector.broadcast %broadcast_in_dim3A_118 : vector<256x1xi32> to vector<256x512xi32>
    %eq3A_123 = arith.cmpi eq, %select_n3A_110, %eq3A_122 : vector<256x512xi32>
    %select_n3A_124 = arith.select %eq3A_123, %select_n3A_111, %select_n3A_110 : vector<256x512xi1>, vector<256x512xi32>
    %select_n3A_125 = arith.select %eq3A_123, %select_n3A_112, %select_n3A_111 : vector<256x512xi1>, vector<256x512xi32>
    %select_n3A_126 = arith.select %eq3A_123, %select_n3A_115, %select_n3A_112 : vector<256x512xi1>, vector<256x512xi32>
    %jit3A_127 = arith.constant 2147483647 : i32
    %broadcast_in_dim3A_128 = vector.broadcast %jit3A_127 : i32 to vector<256x512xi32>
    %select_n3A_129 = arith.select %eq3A_123, %broadcast_in_dim3A_128, %select_n3A_115 : vector<256x512xi1>, vector<256x512xi32>
    %reduce_min3A_130 = arith.constant dense<2147483647> : vector<256xi32>
    %reduce_min3A_131 = vector.multi_reduction <minsi>, %select_n3A_124, %reduce_min3A_130 [1] : vector<256x512xi32> to vector<256xi32>
    %broadcast_in_dim3A_132 = vector.shape_cast %reduce_min3A_131 : vector<256xi32> to vector<256x1xi32>
    %and3A_133 = arith.constant 2047 : i32
    %and3A_134 = vector.broadcast %and3A_133 : i32 to vector<256x1xi32>
    %and3A_135 = arith.andi %broadcast_in_dim3A_132, %and3A_134 : vector<256x1xi32>
    %eq3A_136 = vector.broadcast %broadcast_in_dim3A_132 : vector<256x1xi32> to vector<256x512xi32>
    %eq3A_137 = arith.cmpi eq, %select_n3A_124, %eq3A_136 : vector<256x512xi32>
    %select_n3A_138 = arith.select %eq3A_137, %select_n3A_125, %select_n3A_124 : vector<256x512xi1>, vector<256x512xi32>
    %select_n3A_139 = arith.select %eq3A_137, %select_n3A_126, %select_n3A_125 : vector<256x512xi1>, vector<256x512xi32>
    %select_n3A_140 = arith.select %eq3A_137, %select_n3A_129, %select_n3A_126 : vector<256x512xi1>, vector<256x512xi32>
    %jit3A_141 = arith.constant 2147483647 : i32
    %broadcast_in_dim3A_142 = vector.broadcast %jit3A_141 : i32 to vector<256x512xi32>
    %select_n3A_143 = arith.select %eq3A_137, %broadcast_in_dim3A_142, %select_n3A_129 : vector<256x512xi1>, vector<256x512xi32>
    %reduce_min3A_144 = arith.constant dense<2147483647> : vector<256xi32>
    %reduce_min3A_145 = vector.multi_reduction <minsi>, %select_n3A_138, %reduce_min3A_144 [1] : vector<256x512xi32> to vector<256xi32>
    %broadcast_in_dim3A_146 = vector.shape_cast %reduce_min3A_145 : vector<256xi32> to vector<256x1xi32>
    %and3A_147 = arith.constant 2047 : i32
    %and3A_148 = vector.broadcast %and3A_147 : i32 to vector<256x1xi32>
    %and3A_149 = arith.andi %broadcast_in_dim3A_146, %and3A_148 : vector<256x1xi32>
    %eq3A_150 = vector.broadcast %broadcast_in_dim3A_146 : vector<256x1xi32> to vector<256x512xi32>
    %eq3A_151 = arith.cmpi eq, %select_n3A_138, %eq3A_150 : vector<256x512xi32>
    %select_n3A_152 = arith.select %eq3A_151, %select_n3A_139, %select_n3A_138 : vector<256x512xi1>, vector<256x512xi32>
    %select_n3A_153 = arith.select %eq3A_151, %select_n3A_140, %select_n3A_139 : vector<256x512xi1>, vector<256x512xi32>
    %select_n3A_154 = arith.select %eq3A_151, %select_n3A_143, %select_n3A_140 : vector<256x512xi1>, vector<256x512xi32>
    %jit3A_155 = arith.constant 2147483647 : i32
    %broadcast_in_dim3A_156 = vector.broadcast %jit3A_155 : i32 to vector<256x512xi32>
    %select_n3A_157 = arith.select %eq3A_151, %broadcast_in_dim3A_156, %select_n3A_143 : vector<256x512xi1>, vector<256x512xi32>
    %reduce_min3A_158 = arith.constant dense<2147483647> : vector<256xi32>
    %reduce_min3A_159 = vector.multi_reduction <minsi>, %select_n3A_152, %reduce_min3A_158 [1] : vector<256x512xi32> to vector<256xi32>
    %broadcast_in_dim3A_160 = vector.shape_cast %reduce_min3A_159 : vector<256xi32> to vector<256x1xi32>
    %and3A_161 = arith.constant 2047 : i32
    %and3A_162 = vector.broadcast %and3A_161 : i32 to vector<256x1xi32>
    %and3A_163 = arith.andi %broadcast_in_dim3A_160, %and3A_162 : vector<256x1xi32>
    %eq3A_164 = vector.broadcast %broadcast_in_dim3A_160 : vector<256x1xi32> to vector<256x512xi32>
    %eq3A_165 = arith.cmpi eq, %select_n3A_152, %eq3A_164 : vector<256x512xi32>
    %select_n3A_166 = arith.select %eq3A_165, %select_n3A_153, %select_n3A_152 : vector<256x512xi1>, vector<256x512xi32>
    %select_n3A_167 = arith.select %eq3A_165, %select_n3A_154, %select_n3A_153 : vector<256x512xi1>, vector<256x512xi32>
    %select_n3A_168 = arith.select %eq3A_165, %select_n3A_157, %select_n3A_154 : vector<256x512xi1>, vector<256x512xi32>
    %jit3A_169 = arith.constant 2147483647 : i32
    %broadcast_in_dim3A_170 = vector.broadcast %jit3A_169 : i32 to vector<256x512xi32>
    %select_n3A_171 = arith.select %eq3A_165, %broadcast_in_dim3A_170, %select_n3A_157 : vector<256x512xi1>, vector<256x512xi32>
    %reduce_min3A_172 = arith.constant dense<2147483647> : vector<256xi32>
    %reduce_min3A_173 = vector.multi_reduction <minsi>, %select_n3A_166, %reduce_min3A_172 [1] : vector<256x512xi32> to vector<256xi32>
    %broadcast_in_dim3A_174 = vector.shape_cast %reduce_min3A_173 : vector<256xi32> to vector<256x1xi32>
    %and3A_175 = arith.constant 2047 : i32
    %and3A_176 = vector.broadcast %and3A_175 : i32 to vector<256x1xi32>
    %and3A_177 = arith.andi %broadcast_in_dim3A_174, %and3A_176 : vector<256x1xi32>
    %eq3A_178 = vector.broadcast %broadcast_in_dim3A_174 : vector<256x1xi32> to vector<256x512xi32>
    %eq3A_179 = arith.cmpi eq, %select_n3A_166, %eq3A_178 : vector<256x512xi32>
    %select_n3A_180 = arith.select %eq3A_179, %select_n3A_167, %select_n3A_166 : vector<256x512xi1>, vector<256x512xi32>
    %select_n3A_181 = arith.select %eq3A_179, %select_n3A_168, %select_n3A_167 : vector<256x512xi1>, vector<256x512xi32>
    %select_n3A_182 = arith.select %eq3A_179, %select_n3A_171, %select_n3A_168 : vector<256x512xi1>, vector<256x512xi32>
    %jit3A_183 = arith.constant 2147483647 : i32
    %broadcast_in_dim3A_184 = vector.broadcast %jit3A_183 : i32 to vector<256x512xi32>
    %select_n3A_185 = arith.select %eq3A_179, %broadcast_in_dim3A_184, %select_n3A_171 : vector<256x512xi1>, vector<256x512xi32>
    %reduce_min3A_186 = arith.constant dense<2147483647> : vector<256xi32>
    %reduce_min3A_187 = vector.multi_reduction <minsi>, %select_n3A_180, %reduce_min3A_186 [1] : vector<256x512xi32> to vector<256xi32>
    %broadcast_in_dim3A_188 = vector.shape_cast %reduce_min3A_187 : vector<256xi32> to vector<256x1xi32>
    %and3A_189 = arith.constant 2047 : i32
    %and3A_190 = vector.broadcast %and3A_189 : i32 to vector<256x1xi32>
    %and3A_191 = arith.andi %broadcast_in_dim3A_188, %and3A_190 : vector<256x1xi32>
    %eq3A_192 = vector.broadcast %broadcast_in_dim3A_188 : vector<256x1xi32> to vector<256x512xi32>
    %eq3A_193 = arith.cmpi eq, %select_n3A_180, %eq3A_192 : vector<256x512xi32>
    %select_n3A_194 = arith.select %eq3A_193, %select_n3A_181, %select_n3A_180 : vector<256x512xi1>, vector<256x512xi32>
    %select_n3A_195 = arith.select %eq3A_193, %select_n3A_182, %select_n3A_181 : vector<256x512xi1>, vector<256x512xi32>
    %select_n3A_196 = arith.select %eq3A_193, %select_n3A_185, %select_n3A_182 : vector<256x512xi1>, vector<256x512xi32>
    %jit3A_197 = arith.constant 2147483647 : i32
    %broadcast_in_dim3A_198 = vector.broadcast %jit3A_197 : i32 to vector<256x512xi32>
    %select_n3A_199 = arith.select %eq3A_193, %broadcast_in_dim3A_198, %select_n3A_185 : vector<256x512xi1>, vector<256x512xi32>
    %reduce_min3A_200 = arith.constant dense<2147483647> : vector<256xi32>
    %reduce_min3A_201 = vector.multi_reduction <minsi>, %select_n3A_194, %reduce_min3A_200 [1] : vector<256x512xi32> to vector<256xi32>
    %broadcast_in_dim3A_202 = vector.shape_cast %reduce_min3A_201 : vector<256xi32> to vector<256x1xi32>
    %and3A_203 = arith.constant 2047 : i32
    %and3A_204 = vector.broadcast %and3A_203 : i32 to vector<256x1xi32>
    %and3A_205 = arith.andi %broadcast_in_dim3A_202, %and3A_204 : vector<256x1xi32>
    %eq3A_206 = vector.broadcast %broadcast_in_dim3A_202 : vector<256x1xi32> to vector<256x512xi32>
    %eq3A_207 = arith.cmpi eq, %select_n3A_194, %eq3A_206 : vector<256x512xi32>
    %select_n3A_208 = arith.select %eq3A_207, %select_n3A_195, %select_n3A_194 : vector<256x512xi1>, vector<256x512xi32>
    %select_n3A_209 = arith.select %eq3A_207, %select_n3A_196, %select_n3A_195 : vector<256x512xi1>, vector<256x512xi32>
    %select_n3A_210 = arith.select %eq3A_207, %select_n3A_199, %select_n3A_196 : vector<256x512xi1>, vector<256x512xi32>
    %jit3A_211 = arith.constant 2147483647 : i32
    %broadcast_in_dim3A_212 = vector.broadcast %jit3A_211 : i32 to vector<256x512xi32>
    %select_n3A_213 = arith.select %eq3A_207, %broadcast_in_dim3A_212, %select_n3A_199 : vector<256x512xi1>, vector<256x512xi32>
    %reduce_min3A_214 = arith.constant dense<2147483647> : vector<256xi32>
    %reduce_min3A_215 = vector.multi_reduction <minsi>, %select_n3A_208, %reduce_min3A_214 [1] : vector<256x512xi32> to vector<256xi32>
    %broadcast_in_dim3A_216 = vector.shape_cast %reduce_min3A_215 : vector<256xi32> to vector<256x1xi32>
    %and3A_217 = arith.constant 2047 : i32
    %and3A_218 = vector.broadcast %and3A_217 : i32 to vector<256x1xi32>
    %and3A_219 = arith.andi %broadcast_in_dim3A_216, %and3A_218 : vector<256x1xi32>
    %eq3A_220 = vector.broadcast %broadcast_in_dim3A_216 : vector<256x1xi32> to vector<256x512xi32>
    %eq3A_221 = arith.cmpi eq, %select_n3A_208, %eq3A_220 : vector<256x512xi32>
    %select_n3A_222 = arith.select %eq3A_221, %select_n3A_209, %select_n3A_208 : vector<256x512xi1>, vector<256x512xi32>
    %select_n3A_223 = arith.select %eq3A_221, %select_n3A_210, %select_n3A_209 : vector<256x512xi1>, vector<256x512xi32>
    %select_n3A_224 = arith.select %eq3A_221, %select_n3A_213, %select_n3A_210 : vector<256x512xi1>, vector<256x512xi32>
    %jit3A_225 = arith.constant 2147483647 : i32
    %broadcast_in_dim3A_226 = vector.broadcast %jit3A_225 : i32 to vector<256x512xi32>
    %select_n3A_227 = arith.select %eq3A_221, %broadcast_in_dim3A_226, %select_n3A_213 : vector<256x512xi1>, vector<256x512xi32>
    %reduce_min3A_228 = arith.constant dense<2147483647> : vector<256xi32>
    %reduce_min3A_229 = vector.multi_reduction <minsi>, %select_n3A_222, %reduce_min3A_228 [1] : vector<256x512xi32> to vector<256xi32>
    %broadcast_in_dim3A_230 = vector.shape_cast %reduce_min3A_229 : vector<256xi32> to vector<256x1xi32>
    %and3A_231 = arith.constant 2047 : i32
    %and3A_232 = vector.broadcast %and3A_231 : i32 to vector<256x1xi32>
    %and3A_233 = arith.andi %broadcast_in_dim3A_230, %and3A_232 : vector<256x1xi32>
    %eq3A_234 = vector.broadcast %broadcast_in_dim3A_230 : vector<256x1xi32> to vector<256x512xi32>
    %eq3A_235 = arith.cmpi eq, %select_n3A_222, %eq3A_234 : vector<256x512xi32>
    %select_n3A_236 = arith.select %eq3A_235, %select_n3A_223, %select_n3A_222 : vector<256x512xi1>, vector<256x512xi32>
    %select_n3A_237 = arith.select %eq3A_235, %select_n3A_224, %select_n3A_223 : vector<256x512xi1>, vector<256x512xi32>
    %select_n3A_238 = arith.select %eq3A_235, %select_n3A_227, %select_n3A_224 : vector<256x512xi1>, vector<256x512xi32>
    %jit3A_239 = arith.constant 2147483647 : i32
    %broadcast_in_dim3A_240 = vector.broadcast %jit3A_239 : i32 to vector<256x512xi32>
    %select_n3A_241 = arith.select %eq3A_235, %broadcast_in_dim3A_240, %select_n3A_227 : vector<256x512xi1>, vector<256x512xi32>
    %reduce_min3A_242 = arith.constant dense<2147483647> : vector<256xi32>
    %reduce_min3A_243 = vector.multi_reduction <minsi>, %select_n3A_236, %reduce_min3A_242 [1] : vector<256x512xi32> to vector<256xi32>
    %broadcast_in_dim3A_244 = vector.shape_cast %reduce_min3A_243 : vector<256xi32> to vector<256x1xi32>
    %and3A_245 = arith.constant 2047 : i32
    %and3A_246 = vector.broadcast %and3A_245 : i32 to vector<256x1xi32>
    %and3A_247 = arith.andi %broadcast_in_dim3A_244, %and3A_246 : vector<256x1xi32>
    %eq3A_248 = vector.broadcast %broadcast_in_dim3A_244 : vector<256x1xi32> to vector<256x512xi32>
    %eq3A_249 = arith.cmpi eq, %select_n3A_236, %eq3A_248 : vector<256x512xi32>
    %select_n3A_250 = arith.select %eq3A_249, %select_n3A_237, %select_n3A_236 : vector<256x512xi1>, vector<256x512xi32>
    %select_n3A_251 = arith.select %eq3A_249, %select_n3A_238, %select_n3A_237 : vector<256x512xi1>, vector<256x512xi32>
    %select_n3A_252 = arith.select %eq3A_249, %select_n3A_241, %select_n3A_238 : vector<256x512xi1>, vector<256x512xi32>
    %jit3A_253 = arith.constant 2147483647 : i32
    %broadcast_in_dim3A_254 = vector.broadcast %jit3A_253 : i32 to vector<256x512xi32>
    %select_n3A_255 = arith.select %eq3A_249, %broadcast_in_dim3A_254, %select_n3A_241 : vector<256x512xi1>, vector<256x512xi32>
    %reduce_min3A_256 = arith.constant dense<2147483647> : vector<256xi32>
    %reduce_min3A_257 = vector.multi_reduction <minsi>, %select_n3A_250, %reduce_min3A_256 [1] : vector<256x512xi32> to vector<256xi32>
    %broadcast_in_dim3A_258 = vector.shape_cast %reduce_min3A_257 : vector<256xi32> to vector<256x1xi32>
    %and3A_259 = arith.constant 2047 : i32
    %and3A_260 = vector.broadcast %and3A_259 : i32 to vector<256x1xi32>
    %and3A_261 = arith.andi %broadcast_in_dim3A_258, %and3A_260 : vector<256x1xi32>
    %eq3A_262 = vector.broadcast %broadcast_in_dim3A_258 : vector<256x1xi32> to vector<256x512xi32>
    %eq3A_263 = arith.cmpi eq, %select_n3A_250, %eq3A_262 : vector<256x512xi32>
    %select_n3A_264 = arith.select %eq3A_263, %select_n3A_251, %select_n3A_250 : vector<256x512xi1>, vector<256x512xi32>
    %select_n3A_265 = arith.select %eq3A_263, %select_n3A_252, %select_n3A_251 : vector<256x512xi1>, vector<256x512xi32>
    %select_n3A_266 = arith.select %eq3A_263, %select_n3A_255, %select_n3A_252 : vector<256x512xi1>, vector<256x512xi32>
    %jit3A_267 = arith.constant 2147483647 : i32
    %broadcast_in_dim3A_268 = vector.broadcast %jit3A_267 : i32 to vector<256x512xi32>
    %select_n3A_269 = arith.select %eq3A_263, %broadcast_in_dim3A_268, %select_n3A_255 : vector<256x512xi1>, vector<256x512xi32>
    %reduce_min3A_270 = arith.constant dense<2147483647> : vector<256xi32>
    %reduce_min3A_271 = vector.multi_reduction <minsi>, %select_n3A_264, %reduce_min3A_270 [1] : vector<256x512xi32> to vector<256xi32>
    %broadcast_in_dim3A_272 = vector.shape_cast %reduce_min3A_271 : vector<256xi32> to vector<256x1xi32>
    %and3A_273 = arith.constant 2047 : i32
    %and3A_274 = vector.broadcast %and3A_273 : i32 to vector<256x1xi32>
    %and3A_275 = arith.andi %broadcast_in_dim3A_272, %and3A_274 : vector<256x1xi32>
    %eq3A_276 = vector.broadcast %broadcast_in_dim3A_272 : vector<256x1xi32> to vector<256x512xi32>
    %eq3A_277 = arith.cmpi eq, %select_n3A_264, %eq3A_276 : vector<256x512xi32>
    %select_n3A_278 = arith.select %eq3A_277, %select_n3A_265, %select_n3A_264 : vector<256x512xi1>, vector<256x512xi32>
    %select_n3A_279 = arith.select %eq3A_277, %select_n3A_266, %select_n3A_265 : vector<256x512xi1>, vector<256x512xi32>
    %select_n3A_280 = arith.select %eq3A_277, %select_n3A_269, %select_n3A_266 : vector<256x512xi1>, vector<256x512xi32>
    %jit3A_281 = arith.constant 2147483647 : i32
    %broadcast_in_dim3A_282 = vector.broadcast %jit3A_281 : i32 to vector<256x512xi32>
    %select_n3A_283 = arith.select %eq3A_277, %broadcast_in_dim3A_282, %select_n3A_269 : vector<256x512xi1>, vector<256x512xi32>
    %reduce_min3A_284 = arith.constant dense<2147483647> : vector<256xi32>
    %reduce_min3A_285 = vector.multi_reduction <minsi>, %select_n3A_278, %reduce_min3A_284 [1] : vector<256x512xi32> to vector<256xi32>
    %broadcast_in_dim3A_286 = vector.shape_cast %reduce_min3A_285 : vector<256xi32> to vector<256x1xi32>
    %and3A_287 = arith.constant 2047 : i32
    %and3A_288 = vector.broadcast %and3A_287 : i32 to vector<256x1xi32>
    %and3A_289 = arith.andi %broadcast_in_dim3A_286, %and3A_288 : vector<256x1xi32>
    %eq3A_290 = vector.broadcast %broadcast_in_dim3A_286 : vector<256x1xi32> to vector<256x512xi32>
    %eq3A_291 = arith.cmpi eq, %select_n3A_278, %eq3A_290 : vector<256x512xi32>
    %select_n3A_292 = arith.select %eq3A_291, %select_n3A_279, %select_n3A_278 : vector<256x512xi1>, vector<256x512xi32>
    %select_n3A_293 = arith.select %eq3A_291, %select_n3A_280, %select_n3A_279 : vector<256x512xi1>, vector<256x512xi32>
    %select_n3A_294 = arith.select %eq3A_291, %select_n3A_283, %select_n3A_280 : vector<256x512xi1>, vector<256x512xi32>
    %jit3A_295 = arith.constant 2147483647 : i32
    %broadcast_in_dim3A_296 = vector.broadcast %jit3A_295 : i32 to vector<256x512xi32>
    %select_n3A_297 = arith.select %eq3A_291, %broadcast_in_dim3A_296, %select_n3A_283 : vector<256x512xi1>, vector<256x512xi32>
    %reduce_min3A_298 = arith.constant dense<2147483647> : vector<256xi32>
    %reduce_min3A_299 = vector.multi_reduction <minsi>, %select_n3A_292, %reduce_min3A_298 [1] : vector<256x512xi32> to vector<256xi32>
    %broadcast_in_dim3A_300 = vector.shape_cast %reduce_min3A_299 : vector<256xi32> to vector<256x1xi32>
    %and3A_301 = arith.constant 2047 : i32
    %and3A_302 = vector.broadcast %and3A_301 : i32 to vector<256x1xi32>
    %and3A_303 = arith.andi %broadcast_in_dim3A_300, %and3A_302 : vector<256x1xi32>
    %eq3A_304 = vector.broadcast %broadcast_in_dim3A_300 : vector<256x1xi32> to vector<256x512xi32>
    %eq3A_305 = arith.cmpi eq, %select_n3A_292, %eq3A_304 : vector<256x512xi32>
    %select_n3A_306 = arith.select %eq3A_305, %select_n3A_293, %select_n3A_292 : vector<256x512xi1>, vector<256x512xi32>
    %select_n3A_307 = arith.select %eq3A_305, %select_n3A_294, %select_n3A_293 : vector<256x512xi1>, vector<256x512xi32>
    %select_n3A_308 = arith.select %eq3A_305, %select_n3A_297, %select_n3A_294 : vector<256x512xi1>, vector<256x512xi32>
    %jit3A_309 = arith.constant 2147483647 : i32
    %broadcast_in_dim3A_310 = vector.broadcast %jit3A_309 : i32 to vector<256x512xi32>
    %select_n3A_311 = arith.select %eq3A_305, %broadcast_in_dim3A_310, %select_n3A_297 : vector<256x512xi1>, vector<256x512xi32>
    %reduce_min3A_312 = arith.constant dense<2147483647> : vector<256xi32>
    %reduce_min3A_313 = vector.multi_reduction <minsi>, %select_n3A_306, %reduce_min3A_312 [1] : vector<256x512xi32> to vector<256xi32>
    %broadcast_in_dim3A_314 = vector.shape_cast %reduce_min3A_313 : vector<256xi32> to vector<256x1xi32>
    %and3A_315 = arith.constant 2047 : i32
    %and3A_316 = vector.broadcast %and3A_315 : i32 to vector<256x1xi32>
    %and3A_317 = arith.andi %broadcast_in_dim3A_314, %and3A_316 : vector<256x1xi32>
    %eq3A_318 = vector.broadcast %broadcast_in_dim3A_314 : vector<256x1xi32> to vector<256x512xi32>
    %eq3A_319 = arith.cmpi eq, %select_n3A_306, %eq3A_318 : vector<256x512xi32>
    %select_n3A_320 = arith.select %eq3A_319, %select_n3A_307, %select_n3A_306 : vector<256x512xi1>, vector<256x512xi32>
    %select_n3A_321 = arith.select %eq3A_319, %select_n3A_308, %select_n3A_307 : vector<256x512xi1>, vector<256x512xi32>
    %select_n3A_322 = arith.select %eq3A_319, %select_n3A_311, %select_n3A_308 : vector<256x512xi1>, vector<256x512xi32>
    %jit3A_323 = arith.constant 2147483647 : i32
    %broadcast_in_dim3A_324 = vector.broadcast %jit3A_323 : i32 to vector<256x512xi32>
    %select_n3A_325 = arith.select %eq3A_319, %broadcast_in_dim3A_324, %select_n3A_311 : vector<256x512xi1>, vector<256x512xi32>
    %reduce_min3A_326 = arith.constant dense<2147483647> : vector<256xi32>
    %reduce_min3A_327 = vector.multi_reduction <minsi>, %select_n3A_320, %reduce_min3A_326 [1] : vector<256x512xi32> to vector<256xi32>
    %broadcast_in_dim3A_328 = vector.shape_cast %reduce_min3A_327 : vector<256xi32> to vector<256x1xi32>
    %and3A_329 = arith.constant 2047 : i32
    %and3A_330 = vector.broadcast %and3A_329 : i32 to vector<256x1xi32>
    %and3A_331 = arith.andi %broadcast_in_dim3A_328, %and3A_330 : vector<256x1xi32>
    %eq3A_332 = vector.broadcast %broadcast_in_dim3A_328 : vector<256x1xi32> to vector<256x512xi32>
    %eq3A_333 = arith.cmpi eq, %select_n3A_320, %eq3A_332 : vector<256x512xi32>
    %select_n3A_334 = arith.select %eq3A_333, %select_n3A_321, %select_n3A_320 : vector<256x512xi1>, vector<256x512xi32>
    %select_n3A_335 = arith.select %eq3A_333, %select_n3A_322, %select_n3A_321 : vector<256x512xi1>, vector<256x512xi32>
    %select_n3A_336 = arith.select %eq3A_333, %select_n3A_325, %select_n3A_322 : vector<256x512xi1>, vector<256x512xi32>
    %jit3A_337 = arith.constant 2147483647 : i32
    %broadcast_in_dim3A_338 = vector.broadcast %jit3A_337 : i32 to vector<256x512xi32>
    %select_n3A_339 = arith.select %eq3A_333, %broadcast_in_dim3A_338, %select_n3A_325 : vector<256x512xi1>, vector<256x512xi32>
    %reduce_min3A_340 = arith.constant dense<2147483647> : vector<256xi32>
    %reduce_min3A_341 = vector.multi_reduction <minsi>, %select_n3A_334, %reduce_min3A_340 [1] : vector<256x512xi32> to vector<256xi32>
    %broadcast_in_dim3A_342 = vector.shape_cast %reduce_min3A_341 : vector<256xi32> to vector<256x1xi32>
    %and3A_343 = arith.constant 2047 : i32
    %and3A_344 = vector.broadcast %and3A_343 : i32 to vector<256x1xi32>
    %and3A_345 = arith.andi %broadcast_in_dim3A_342, %and3A_344 : vector<256x1xi32>
    %eq3A_346 = vector.broadcast %broadcast_in_dim3A_342 : vector<256x1xi32> to vector<256x512xi32>
    %eq3A_347 = arith.cmpi eq, %select_n3A_334, %eq3A_346 : vector<256x512xi32>
    %select_n3A_348 = arith.select %eq3A_347, %select_n3A_335, %select_n3A_334 : vector<256x512xi1>, vector<256x512xi32>
    %select_n3A_349 = arith.select %eq3A_347, %select_n3A_336, %select_n3A_335 : vector<256x512xi1>, vector<256x512xi32>
    %select_n3A_350 = arith.select %eq3A_347, %select_n3A_339, %select_n3A_336 : vector<256x512xi1>, vector<256x512xi32>
    %jit3A_351 = arith.constant 2147483647 : i32
    %broadcast_in_dim3A_352 = vector.broadcast %jit3A_351 : i32 to vector<256x512xi32>
    %select_n3A_353 = arith.select %eq3A_347, %broadcast_in_dim3A_352, %select_n3A_339 : vector<256x512xi1>, vector<256x512xi32>
    %reduce_min3A_354 = arith.constant dense<2147483647> : vector<256xi32>
    %reduce_min3A_355 = vector.multi_reduction <minsi>, %select_n3A_348, %reduce_min3A_354 [1] : vector<256x512xi32> to vector<256xi32>
    %broadcast_in_dim3A_356 = vector.shape_cast %reduce_min3A_355 : vector<256xi32> to vector<256x1xi32>
    %and3A_357 = arith.constant 2047 : i32
    %and3A_358 = vector.broadcast %and3A_357 : i32 to vector<256x1xi32>
    %and3A_359 = arith.andi %broadcast_in_dim3A_356, %and3A_358 : vector<256x1xi32>
    %eq3A_360 = vector.broadcast %broadcast_in_dim3A_356 : vector<256x1xi32> to vector<256x512xi32>
    %eq3A_361 = arith.cmpi eq, %select_n3A_348, %eq3A_360 : vector<256x512xi32>
    %select_n3A_362 = arith.select %eq3A_361, %select_n3A_349, %select_n3A_348 : vector<256x512xi1>, vector<256x512xi32>
    %select_n3A_363 = arith.select %eq3A_361, %select_n3A_350, %select_n3A_349 : vector<256x512xi1>, vector<256x512xi32>
    %select_n3A_364 = arith.select %eq3A_361, %select_n3A_353, %select_n3A_350 : vector<256x512xi1>, vector<256x512xi32>
    %jit3A_365 = arith.constant 2147483647 : i32
    %broadcast_in_dim3A_366 = vector.broadcast %jit3A_365 : i32 to vector<256x512xi32>
    %select_n3A_367 = arith.select %eq3A_361, %broadcast_in_dim3A_366, %select_n3A_353 : vector<256x512xi1>, vector<256x512xi32>
    %reduce_min3A_368 = arith.constant dense<2147483647> : vector<256xi32>
    %reduce_min3A_369 = vector.multi_reduction <minsi>, %select_n3A_362, %reduce_min3A_368 [1] : vector<256x512xi32> to vector<256xi32>
    %broadcast_in_dim3A_370 = vector.shape_cast %reduce_min3A_369 : vector<256xi32> to vector<256x1xi32>
    %and3A_371 = arith.constant 2047 : i32
    %and3A_372 = vector.broadcast %and3A_371 : i32 to vector<256x1xi32>
    %and3A_373 = arith.andi %broadcast_in_dim3A_370, %and3A_372 : vector<256x1xi32>
    %eq3A_374 = vector.broadcast %broadcast_in_dim3A_370 : vector<256x1xi32> to vector<256x512xi32>
    %eq3A_375 = arith.cmpi eq, %select_n3A_362, %eq3A_374 : vector<256x512xi32>
    %select_n3A_376 = arith.select %eq3A_375, %select_n3A_363, %select_n3A_362 : vector<256x512xi1>, vector<256x512xi32>
    %select_n3A_377 = arith.select %eq3A_375, %select_n3A_364, %select_n3A_363 : vector<256x512xi1>, vector<256x512xi32>
    %select_n3A_378 = arith.select %eq3A_375, %select_n3A_367, %select_n3A_364 : vector<256x512xi1>, vector<256x512xi32>
    %jit3A_379 = arith.constant 2147483647 : i32
    %broadcast_in_dim3A_380 = vector.broadcast %jit3A_379 : i32 to vector<256x512xi32>
    %select_n3A_381 = arith.select %eq3A_375, %broadcast_in_dim3A_380, %select_n3A_367 : vector<256x512xi1>, vector<256x512xi32>
    %reduce_min3A_382 = arith.constant dense<2147483647> : vector<256xi32>
    %reduce_min3A_383 = vector.multi_reduction <minsi>, %select_n3A_376, %reduce_min3A_382 [1] : vector<256x512xi32> to vector<256xi32>
    %broadcast_in_dim3A_384 = vector.shape_cast %reduce_min3A_383 : vector<256xi32> to vector<256x1xi32>
    %and3A_385 = arith.constant 2047 : i32
    %and3A_386 = vector.broadcast %and3A_385 : i32 to vector<256x1xi32>
    %and3A_387 = arith.andi %broadcast_in_dim3A_384, %and3A_386 : vector<256x1xi32>
    %eq3A_388 = vector.broadcast %broadcast_in_dim3A_384 : vector<256x1xi32> to vector<256x512xi32>
    %eq3A_389 = arith.cmpi eq, %select_n3A_376, %eq3A_388 : vector<256x512xi32>
    %select_n3A_390 = arith.select %eq3A_389, %select_n3A_377, %select_n3A_376 : vector<256x512xi1>, vector<256x512xi32>
    %select_n3A_391 = arith.select %eq3A_389, %select_n3A_378, %select_n3A_377 : vector<256x512xi1>, vector<256x512xi32>
    %select_n3A_392 = arith.select %eq3A_389, %select_n3A_381, %select_n3A_378 : vector<256x512xi1>, vector<256x512xi32>
    %jit3A_393 = arith.constant 2147483647 : i32
    %broadcast_in_dim3A_394 = vector.broadcast %jit3A_393 : i32 to vector<256x512xi32>
    %select_n3A_395 = arith.select %eq3A_389, %broadcast_in_dim3A_394, %select_n3A_381 : vector<256x512xi1>, vector<256x512xi32>
    %reduce_min3A_396 = arith.constant dense<2147483647> : vector<256xi32>
    %reduce_min3A_397 = vector.multi_reduction <minsi>, %select_n3A_390, %reduce_min3A_396 [1] : vector<256x512xi32> to vector<256xi32>
    %broadcast_in_dim3A_398 = vector.shape_cast %reduce_min3A_397 : vector<256xi32> to vector<256x1xi32>
    %and3A_399 = arith.constant 2047 : i32
    %and3A_400 = vector.broadcast %and3A_399 : i32 to vector<256x1xi32>
    %and3A_401 = arith.andi %broadcast_in_dim3A_398, %and3A_400 : vector<256x1xi32>
    %eq3A_402 = vector.broadcast %broadcast_in_dim3A_398 : vector<256x1xi32> to vector<256x512xi32>
    %eq3A_403 = arith.cmpi eq, %select_n3A_390, %eq3A_402 : vector<256x512xi32>
    %select_n3A_404 = arith.select %eq3A_403, %select_n3A_391, %select_n3A_390 : vector<256x512xi1>, vector<256x512xi32>
    %select_n3A_405 = arith.select %eq3A_403, %select_n3A_392, %select_n3A_391 : vector<256x512xi1>, vector<256x512xi32>
    %select_n3A_406 = arith.select %eq3A_403, %select_n3A_395, %select_n3A_392 : vector<256x512xi1>, vector<256x512xi32>
    %jit3A_407 = arith.constant 2147483647 : i32
    %broadcast_in_dim3A_408 = vector.broadcast %jit3A_407 : i32 to vector<256x512xi32>
    %select_n3A_409 = arith.select %eq3A_403, %broadcast_in_dim3A_408, %select_n3A_395 : vector<256x512xi1>, vector<256x512xi32>
    %reduce_min3A_410 = arith.constant dense<2147483647> : vector<256xi32>
    %reduce_min3A_411 = vector.multi_reduction <minsi>, %select_n3A_404, %reduce_min3A_410 [1] : vector<256x512xi32> to vector<256xi32>
    %broadcast_in_dim3A_412 = vector.shape_cast %reduce_min3A_411 : vector<256xi32> to vector<256x1xi32>
    %and3A_413 = arith.constant 2047 : i32
    %and3A_414 = vector.broadcast %and3A_413 : i32 to vector<256x1xi32>
    %and3A_415 = arith.andi %broadcast_in_dim3A_412, %and3A_414 : vector<256x1xi32>
    %eq3A_416 = vector.broadcast %broadcast_in_dim3A_412 : vector<256x1xi32> to vector<256x512xi32>
    %eq3A_417 = arith.cmpi eq, %select_n3A_404, %eq3A_416 : vector<256x512xi32>
    %select_n3A_418 = arith.select %eq3A_417, %select_n3A_405, %select_n3A_404 : vector<256x512xi1>, vector<256x512xi32>
    %select_n3A_419 = arith.select %eq3A_417, %select_n3A_406, %select_n3A_405 : vector<256x512xi1>, vector<256x512xi32>
    %select_n3A_420 = arith.select %eq3A_417, %select_n3A_409, %select_n3A_406 : vector<256x512xi1>, vector<256x512xi32>
    %jit3A_421 = arith.constant 2147483647 : i32
    %broadcast_in_dim3A_422 = vector.broadcast %jit3A_421 : i32 to vector<256x512xi32>
    %select_n3A_423 = arith.select %eq3A_417, %broadcast_in_dim3A_422, %select_n3A_409 : vector<256x512xi1>, vector<256x512xi32>
    %reduce_min3A_424 = arith.constant dense<2147483647> : vector<256xi32>
    %reduce_min3A_425 = vector.multi_reduction <minsi>, %select_n3A_418, %reduce_min3A_424 [1] : vector<256x512xi32> to vector<256xi32>
    %broadcast_in_dim3A_426 = vector.shape_cast %reduce_min3A_425 : vector<256xi32> to vector<256x1xi32>
    %and3A_427 = arith.constant 2047 : i32
    %and3A_428 = vector.broadcast %and3A_427 : i32 to vector<256x1xi32>
    %and3A_429 = arith.andi %broadcast_in_dim3A_426, %and3A_428 : vector<256x1xi32>
    %eq3A_430 = vector.broadcast %broadcast_in_dim3A_426 : vector<256x1xi32> to vector<256x512xi32>
    %eq3A_431 = arith.cmpi eq, %select_n3A_418, %eq3A_430 : vector<256x512xi32>
    %select_n3A_432 = arith.select %eq3A_431, %select_n3A_419, %select_n3A_418 : vector<256x512xi1>, vector<256x512xi32>
    %select_n3A_433 = arith.select %eq3A_431, %select_n3A_420, %select_n3A_419 : vector<256x512xi1>, vector<256x512xi32>
    %select_n3A_434 = arith.select %eq3A_431, %select_n3A_423, %select_n3A_420 : vector<256x512xi1>, vector<256x512xi32>
    %reduce_min3A_435 = arith.constant dense<2147483647> : vector<256xi32>
    %reduce_min3A_436 = vector.multi_reduction <minsi>, %select_n3A_432, %reduce_min3A_435 [1] : vector<256x512xi32> to vector<256xi32>
    %broadcast_in_dim3A_437 = vector.shape_cast %reduce_min3A_436 : vector<256xi32> to vector<256x1xi32>
    %and3A_438 = arith.constant 2047 : i32
    %and3A_439 = vector.broadcast %and3A_438 : i32 to vector<256x1xi32>
    %and3A_440 = arith.andi %broadcast_in_dim3A_437, %and3A_439 : vector<256x1xi32>
    %eq3A_441 = vector.broadcast %broadcast_in_dim3A_437 : vector<256x1xi32> to vector<256x512xi32>
    %eq3A_442 = arith.cmpi eq, %select_n3A_432, %eq3A_441 : vector<256x512xi32>
    %select_n3A_443 = arith.select %eq3A_442, %select_n3A_433, %select_n3A_432 : vector<256x512xi1>, vector<256x512xi32>
    %select_n3A_444 = arith.select %eq3A_442, %select_n3A_434, %select_n3A_433 : vector<256x512xi1>, vector<256x512xi32>
    %reduce_min3A_445 = arith.constant dense<2147483647> : vector<256xi32>
    %reduce_min3A_446 = vector.multi_reduction <minsi>, %select_n3A_443, %reduce_min3A_445 [1] : vector<256x512xi32> to vector<256xi32>
    %broadcast_in_dim3A_447 = vector.shape_cast %reduce_min3A_446 : vector<256xi32> to vector<256x1xi32>
    %and3A_448 = arith.constant 2047 : i32
    %and3A_449 = vector.broadcast %and3A_448 : i32 to vector<256x1xi32>
    %and3A_450 = arith.andi %broadcast_in_dim3A_447, %and3A_449 : vector<256x1xi32>
    %eq3A_451 = vector.broadcast %broadcast_in_dim3A_447 : vector<256x1xi32> to vector<256x512xi32>
    %eq3A_452 = arith.cmpi eq, %select_n3A_443, %eq3A_451 : vector<256x512xi32>
    %select_n3A_453 = arith.select %eq3A_452, %select_n3A_444, %select_n3A_443 : vector<256x512xi1>, vector<256x512xi32>
    %reduce_min3A_454 = arith.constant dense<2147483647> : vector<256xi32>
    %reduce_min3A_455 = vector.multi_reduction <minsi>, %select_n3A_453, %reduce_min3A_454 [1] : vector<256x512xi32> to vector<256xi32>
    %broadcast_in_dim3A_456 = vector.shape_cast %reduce_min3A_455 : vector<256xi32> to vector<256x1xi32>
    %and3A_457 = arith.constant 2047 : i32
    %and3A_458 = vector.broadcast %and3A_457 : i32 to vector<256x1xi32>
    %and3A_459 = arith.andi %broadcast_in_dim3A_456, %and3A_458 : vector<256x1xi32>
    %concatenate3A = tpu.concatenate %add3A_33, %and3A_51, %and3A_65, %and3A_79, %and3A_93, %and3A_107, %and3A_121, %and3A_135, %and3A_149, %and3A_163, %and3A_177, %and3A_191, %and3A_205, %and3A_219, %and3A_233, %and3A_247, %and3A_261, %and3A_275, %and3A_289, %and3A_303, %and3A_317, %and3A_331, %and3A_345, %and3A_359, %and3A_373, %and3A_387, %and3A_401, %and3A_415, %and3A_429, %and3A_440, %and3A_450, %and3A_459 in 1 : vector<256x1xi32>, vector<256x1xi32>, vector<256x1xi32>, vector<256x1xi32>, vector<256x1xi32>, vector<256x1xi32>, vector<256x1xi32>, vector<256x1xi32>, vector<256x1xi32>, vector<256x1xi32>, vector<256x1xi32>, vector<256x1xi32>, vector<256x1xi32>, vector<256x1xi32>, vector<256x1xi32>, vector<256x1xi32>, vector<256x1xi32>, vector<256x1xi32>, vector<256x1xi32>, vector<256x1xi32>, vector<256x1xi32>, vector<256x1xi32>, vector<256x1xi32>, vector<256x1xi32>, vector<256x1xi32>, vector<256x1xi32>, vector<256x1xi32>, vector<256x1xi32>, vector<256x1xi32>, vector<256x1xi32>, vector<256x1xi32>, vector<256x1xi32> -> vector<256x32xi32>
    %add3A_460 = arith.constant 0 : i32
    %add3A_461 = vector.broadcast %add3A_460 : i32 to vector<256x32xi32>
    %add3A_462 = arith.addi %concatenate3A, %add3A_461 : vector<256x32xi32>
    %swap3A = arith.constant 0 : index
    %swap3A_463 = arith.constant 0 : index
    %swap3A_464 = vector.load %arg3[%swap3A, %swap3A_463] : memref<256x32xi32, #tpu.memory_space<vmem>>, vector<256x32xi32>
    tpu.vector_store %arg3[%swap3A, %swap3A_463], %add3A_462 {strides = array<i32>} : memref<256x32xi32, #tpu.memory_space<vmem>>, vector<256x32xi32>,
    return
  }
  func.func @transform_0(%arg0: i32) -> (i32, i32) {
    %add3A = arith.constant 0 : i32
    %add3A_0 = arith.addi %add3A, %arg0 : i32
    %c0_i32 = arith.constant 0 : i32
    %c0_i32_1 = arith.constant 0 : i32
    return %add3A_0, %c0_i32 : i32, i32
  }
  func.func @transform_1(%arg0: i32) -> (i32, i32, i32) {
    %c0_i32 = arith.constant 0 : i32
    %c0_i32_0 = arith.constant 0 : i32
    %c0_i32_1 = arith.constant 0 : i32
    %c0_i32_2 = arith.constant 0 : i32
    return %c0_i32, %c0_i32_0, %c0_i32_1 : i32, i32, i32
  }
  func.func @transform_2(%arg0: i32) -> (i32, i32) {
    %c0_i32 = arith.constant 0 : i32
    %c0_i32_0 = arith.constant 0 : i32
    return %arg0, %c0_i32 : i32, i32
  }
}

module attributes {stable_mosaic.version = 14 : i64} {
  func.func @_attn_body(%arg0: i32, %arg1: memref<256x256xf32, #tpu.memory_space<vmem>>, %arg2: memref<256x256xf32, #tpu.memory_space<vmem>>, %arg3: memref<8192x256xi32, #tpu.memory_space<vmem>>, %arg4: memref<256x256xf32, #tpu.memory_space<vmem>>, %arg5: memref<1x256xf32, #tpu.memory_space<vmem>>, %arg6: memref<1x256xf32, #tpu.memory_space<vmem>>, %arg7: memref<1x256xf32, #tpu.memory_space<vmem>>, %arg8: memref<512x256xf32, #tpu.memory_space<vmem>>, %arg9: memref<1x512xf32, #tpu.memory_space<vmem>>, %arg10: memref<256x512xf32, #tpu.memory_space<vmem>>, %arg11: memref<1x256xf32, #tpu.memory_space<vmem>>, %arg12: memref<1x256xf32, #tpu.memory_space<vmem>>, %arg13: memref<1x256xf32, #tpu.memory_space<vmem>>, %arg14: memref<256x256xf32, #tpu.memory_space<vmem>>, %arg15: memref<256x256xf32, #tpu.memory_space<vmem>>) attributes {dimension_semantics = [#tpu.dimension_semantics<arbitrary>], iteration_bounds = array<i64: 8>, scalar_prefetch = 0 : i64, scratch_operands = 0 : i64, tpu.core_type = #tpu.core_type<tc>, window_params = [{transform_indices = @transform_0, window_bounds = array<i64: 256, 256>}, {transform_indices = @transform_1, window_bounds = array<i64: 256, 256>}, {transform_indices = @transform_2, window_bounds = array<i64: 8192, 256>}, {pipeline_mode = #tpu.pipeline_mode<synchronous>, transform_indices = @transform_3, window_bounds = array<i64: 256, 256>}, {pipeline_mode = #tpu.pipeline_mode<synchronous>, transform_indices = @transform_4, window_bounds = array<i64: 1, 256>}, {pipeline_mode = #tpu.pipeline_mode<synchronous>, transform_indices = @transform_5, window_bounds = array<i64: 1, 256>}, {pipeline_mode = #tpu.pipeline_mode<synchronous>, transform_indices = @transform_6, window_bounds = array<i64: 1, 256>}, {pipeline_mode = #tpu.pipeline_mode<synchronous>, transform_indices = @transform_7, window_bounds = array<i64: 512, 256>}, {pipeline_mode = #tpu.pipeline_mode<synchronous>, transform_indices = @transform_8, window_bounds = array<i64: 1, 512>}, {pipeline_mode = #tpu.pipeline_mode<synchronous>, transform_indices = @transform_9, window_bounds = array<i64: 256, 512>}, {pipeline_mode = #tpu.pipeline_mode<synchronous>, transform_indices = @transform_10, window_bounds = array<i64: 1, 256>}, {pipeline_mode = #tpu.pipeline_mode<synchronous>, transform_indices = @transform_11, window_bounds = array<i64: 1, 256>}, {pipeline_mode = #tpu.pipeline_mode<synchronous>, transform_indices = @transform_12, window_bounds = array<i64: 1, 256>}, {pipeline_mode = #tpu.pipeline_mode<synchronous>, transform_indices = @transform_13, window_bounds = array<i64: 256, 256>}, {transform_indices = @transform_14, window_bounds = array<i64: 256, 256>}]} {
    %get3A = arith.constant 0 : index
    %get3A_0 = arith.constant 0 : index
    %get3A_1 = vector.load %arg1[%get3A, %get3A_0] : memref<256x256xf32, #tpu.memory_space<vmem>>, vector<256x256xf32>
    %get3A_2 = arith.constant 0 : index
    %get3A_3 = arith.constant 0 : index
    %get3A_4 = vector.load %arg3[%get3A_2, %get3A_3] : memref<8192x256xi32, #tpu.memory_space<vmem>>, vector<8192x256xi32>
    %slice3A = vector.extract_strided_slice %get3A_4 {offsets = [0, 0], sizes = [8192, 128], strides = [1, 1]} : vector<8192x256xi32> to vector<8192x128xi32>
    %shift_left3A = arith.constant 16 : i32
    %shift_left3A_5 = vector.broadcast %shift_left3A : i32 to vector<8192x128xi32>
    %shift_left3A_6 = arith.shli %slice3A, %shift_left3A_5 : vector<8192x128xi32>
    %bitcast_convert_type3A = tpu.bitcast %shift_left3A_6 : vector<8192x128xi32> -> vector<8192x128xf32>
    %and3A = arith.constant -65536 : i32
    %and3A_7 = vector.broadcast %and3A : i32 to vector<8192x128xi32>
    %and3A_8 = arith.andi %slice3A, %and3A_7 : vector<8192x128xi32>
    %bitcast_convert_type3A_9 = tpu.bitcast %and3A_8 : vector<8192x128xi32> -> vector<8192x128xf32>
    %slice3A_10 = vector.extract_strided_slice %get3A_4 {offsets = [0, 128], sizes = [8192, 128], strides = [1, 1]} : vector<8192x256xi32> to vector<8192x128xi32>
    %shift_left3A_11 = arith.constant 16 : i32
    %shift_left3A_12 = vector.broadcast %shift_left3A_11 : i32 to vector<8192x128xi32>
    %shift_left3A_13 = arith.shli %slice3A_10, %shift_left3A_12 : vector<8192x128xi32>
    %bitcast_convert_type3A_14 = tpu.bitcast %shift_left3A_13 : vector<8192x128xi32> -> vector<8192x128xf32>
    %and3A_15 = arith.constant -65536 : i32
    %and3A_16 = vector.broadcast %and3A_15 : i32 to vector<8192x128xi32>
    %and3A_17 = arith.andi %slice3A_10, %and3A_16 : vector<8192x128xi32>
    %bitcast_convert_type3A_18 = tpu.bitcast %and3A_17 : vector<8192x128xi32> -> vector<8192x128xf32>
    %iota3A = tpu.iota {dimensions = array<i32: 0>} : vector<128x8xi32>
    %jit3A = arith.constant 32 : i32
    %div3A = vector.broadcast %jit3A : i32 to vector<128x8xi32>
    %div3A_19 = arith.divsi %iota3A, %div3A : vector<128x8xi32>
    %sign3A = arith.constant 0 : i32
    %sign3A_20 = vector.broadcast %sign3A : i32 to vector<128x8xi32>
    %sign3A_21 = arith.cmpi sgt, %iota3A, %sign3A_20 : vector<128x8xi32>
    %sign3A_22 = arith.extui %sign3A_21 : vector<128x8xi1> to vector<128x8xi32>
    %sign3A_23 = arith.constant 0 : i32
    %sign3A_24 = vector.broadcast %sign3A_23 : i32 to vector<128x8xi32>
    %sign3A_25 = arith.cmpi slt, %iota3A, %sign3A_24 : vector<128x8xi32>
    %sign3A_26 = arith.extui %sign3A_25 : vector<128x8xi1> to vector<128x8xi32>
    %sign3A_27 = arith.subi %sign3A_22, %sign3A_26 : vector<128x8xi32>
    %sign3A_28 = arith.constant 0 : i32
    %sign3A_29 = arith.cmpi sgt, %jit3A, %sign3A_28 : i32
    %sign3A_30 = arith.extui %sign3A_29 : i1 to i32
    %sign3A_31 = arith.constant 0 : i32
    %sign3A_32 = arith.cmpi slt, %jit3A, %sign3A_31 : i32
    %sign3A_33 = arith.extui %sign3A_32 : i1 to i32
    %sign3A_34 = arith.subi %sign3A_30, %sign3A_33 : i32
    %ne3A = vector.broadcast %sign3A_34 : i32 to vector<128x8xi32>
    %ne3A_35 = arith.cmpi ne, %sign3A_27, %ne3A : vector<128x8xi32>
    %rem3A = vector.broadcast %jit3A : i32 to vector<128x8xi32>
    %rem3A_36 = arith.remsi %iota3A, %rem3A : vector<128x8xi32>
    %ne3A_37 = arith.constant 0 : i32
    %ne3A_38 = vector.broadcast %ne3A_37 : i32 to vector<128x8xi32>
    %ne3A_39 = arith.cmpi ne, %rem3A_36, %ne3A_38 : vector<128x8xi32>
    %and3A_40 = arith.andi %ne3A_35, %ne3A_39 : vector<128x8xi1>
    %sub3A = arith.constant 1 : i32
    %sub3A_41 = vector.broadcast %sub3A : i32 to vector<128x8xi32>
    %sub3A_42 = arith.subi %div3A_19, %sub3A_41 : vector<128x8xi32>
    %select_n3A = arith.select %and3A_40, %sub3A_42, %div3A_19 : vector<128x8xi1>, vector<128x8xi32>
    %iota3A_43 = tpu.iota {dimensions = array<i32: 1>} : vector<128x8xi32>
    %eq3A = arith.cmpi eq, %select_n3A, %iota3A_43 : vector<128x8xi32>
    %convert_element_type3A = arith.extui %eq3A : vector<128x8xi1> to vector<128x8xi32>
    %convert_element_type3A_44 = arith.sitofp %convert_element_type3A : vector<128x8xi32> to vector<128x8xf32>
    %iota3A_45 = tpu.iota {dimensions = array<i32: 0>} : vector<128x8xi32>
    %jit3A_46 = arith.constant 32 : i32
    %div3A_47 = vector.broadcast %jit3A_46 : i32 to vector<128x8xi32>
    %div3A_48 = arith.divsi %iota3A_45, %div3A_47 : vector<128x8xi32>
    %sign3A_49 = arith.constant 0 : i32
    %sign3A_50 = vector.broadcast %sign3A_49 : i32 to vector<128x8xi32>
    %sign3A_51 = arith.cmpi sgt, %iota3A_45, %sign3A_50 : vector<128x8xi32>
    %sign3A_52 = arith.extui %sign3A_51 : vector<128x8xi1> to vector<128x8xi32>
    %sign3A_53 = arith.constant 0 : i32
    %sign3A_54 = vector.broadcast %sign3A_53 : i32 to vector<128x8xi32>
    %sign3A_55 = arith.cmpi slt, %iota3A_45, %sign3A_54 : vector<128x8xi32>
    %sign3A_56 = arith.extui %sign3A_55 : vector<128x8xi1> to vector<128x8xi32>
    %sign3A_57 = arith.subi %sign3A_52, %sign3A_56 : vector<128x8xi32>
    %sign3A_58 = arith.constant 0 : i32
    %sign3A_59 = arith.cmpi sgt, %jit3A_46, %sign3A_58 : i32
    %sign3A_60 = arith.extui %sign3A_59 : i1 to i32
    %sign3A_61 = arith.constant 0 : i32
    %sign3A_62 = arith.cmpi slt, %jit3A_46, %sign3A_61 : i32
    %sign3A_63 = arith.extui %sign3A_62 : i1 to i32
    %sign3A_64 = arith.subi %sign3A_60, %sign3A_63 : i32
    %ne3A_65 = vector.broadcast %sign3A_64 : i32 to vector<128x8xi32>
    %ne3A_66 = arith.cmpi ne, %sign3A_57, %ne3A_65 : vector<128x8xi32>
    %rem3A_67 = vector.broadcast %jit3A_46 : i32 to vector<128x8xi32>
    %rem3A_68 = arith.remsi %iota3A_45, %rem3A_67 : vector<128x8xi32>
    %ne3A_69 = arith.constant 0 : i32
    %ne3A_70 = vector.broadcast %ne3A_69 : i32 to vector<128x8xi32>
    %ne3A_71 = arith.cmpi ne, %rem3A_68, %ne3A_70 : vector<128x8xi32>
    %and3A_72 = arith.andi %ne3A_66, %ne3A_71 : vector<128x8xi1>
    %sub3A_73 = arith.constant 1 : i32
    %sub3A_74 = vector.broadcast %sub3A_73 : i32 to vector<128x8xi32>
    %sub3A_75 = arith.subi %div3A_48, %sub3A_74 : vector<128x8xi32>
    %select_n3A_76 = arith.select %and3A_72, %sub3A_75, %div3A_48 : vector<128x8xi1>, vector<128x8xi32>
    %add3A = arith.constant 4 : i32
    %add3A_77 = vector.broadcast %add3A : i32 to vector<128x8xi32>
    %add3A_78 = arith.addi %select_n3A_76, %add3A_77 : vector<128x8xi32>
    %iota3A_79 = tpu.iota {dimensions = array<i32: 1>} : vector<128x8xi32>
    %eq3A_80 = arith.cmpi eq, %add3A_78, %iota3A_79 : vector<128x8xi32>
    %convert_element_type3A_81 = arith.extui %eq3A_80 : vector<128x8xi1> to vector<128x8xi32>
    %convert_element_type3A_82 = arith.sitofp %convert_element_type3A_81 : vector<128x8xi32> to vector<128x8xf32>
    %slice3A_83 = vector.extract_strided_slice %get3A_1 {offsets = [0, 0], sizes = [256, 128], strides = [1, 1]} : vector<256x256xf32> to vector<256x128xf32>
    %broadcast_in_dim3A = vector.shape_cast %slice3A_83 : vector<256x128xf32> to vector<256x1x128xf32>
    %broadcast_in_dim3A_84 = vector.shape_cast %broadcast_in_dim3A : vector<256x1x128xf32> to vector<256x1x128xf32>
    %broadcast_in_dim3A_85 = vector.broadcast %broadcast_in_dim3A_84 : vector<256x1x128xf32> to vector<256x32x128xf32>
    %reshape3A = vector.shape_cast %broadcast_in_dim3A_85 : vector<256x32x128xf32> to vector<8192x128xf32>
    %slice3A_86 = vector.extract_strided_slice %get3A_1 {offsets = [0, 128], sizes = [256, 128], strides = [1, 1]} : vector<256x256xf32> to vector<256x128xf32>
    %broadcast_in_dim3A_87 = vector.shape_cast %slice3A_86 : vector<256x128xf32> to vector<256x1x128xf32>
    %broadcast_in_dim3A_88 = vector.shape_cast %broadcast_in_dim3A_87 : vector<256x1x128xf32> to vector<256x1x128xf32>
    %broadcast_in_dim3A_89 = vector.broadcast %broadcast_in_dim3A_88 : vector<256x1x128xf32> to vector<256x32x128xf32>
    %reshape3A_90 = vector.shape_cast %broadcast_in_dim3A_89 : vector<256x32x128xf32> to vector<8192x128xf32>
    %mul3A = arith.mulf %bitcast_convert_type3A, %reshape3A : vector<8192x128xf32>
    %dot_general3A = arith.constant dense<0.000000e+00> : vector<8192x8xf32>
    %dot_general3A_91 = tpu.matmul %mul3A, %convert_element_type3A_44, %dot_general3A {dimension_numbers = #tpu.dot_dimension_numbers<[1], [0], [0], [1], [0, 0, 1, 1], [], []>, transpose_lhs_hint = false} : vector<8192x128xf32>, vector<128x8xf32>, vector<8192x8xf32> -> vector<8192x8xf32>
    %mul3A_92 = arith.mulf %bitcast_convert_type3A_9, %reshape3A_90 : vector<8192x128xf32>
    %dot_general3A_93 = arith.constant dense<0.000000e+00> : vector<8192x8xf32>
    %dot_general3A_94 = tpu.matmul %mul3A_92, %convert_element_type3A_82, %dot_general3A_93 {dimension_numbers = #tpu.dot_dimension_numbers<[1], [0], [0], [1], [0, 0, 1, 1], [], []>, transpose_lhs_hint = false} : vector<8192x128xf32>, vector<128x8xf32>, vector<8192x8xf32> -> vector<8192x8xf32>
    %add3A_95 = arith.addf %dot_general3A_91, %dot_general3A_94 : vector<8192x8xf32>
    %mul3A_96 = arith.constant 0.176776692 : f32
    %mul3A_97 = vector.broadcast %mul3A_96 : f32 to vector<8192x8xf32>
    %mul3A_98 = arith.mulf %add3A_95, %mul3A_97 : vector<8192x8xf32>
    %reshape3A_99 = vector.shape_cast %mul3A_98 : vector<8192x8xf32> to vector<256x32x8xf32>
    %reduce_max3A = arith.constant dense<0xFF800000> : vector<256x8xf32>
    %reduce_max3A_100 = vector.multi_reduction <maximumf>, %reshape3A_99, %reduce_max3A [1] : vector<256x32x8xf32> to vector<256x8xf32>
    %broadcast_in_dim3A_101 = vector.shape_cast %reduce_max3A_100 : vector<256x8xf32> to vector<256x1x8xf32>
    %sub3A_102 = vector.broadcast %broadcast_in_dim3A_101 : vector<256x1x8xf32> to vector<256x32x8xf32>
    %sub3A_103 = arith.subf %reshape3A_99, %sub3A_102 : vector<256x32x8xf32>
    %exp3A = math.exp %sub3A_103 : vector<256x32x8xf32>
    %reduce_sum3A = arith.constant dense<0.000000e+00> : vector<256x8xf32>
    %reduce_sum3A_104 = vector.multi_reduction <add>, %exp3A, %reduce_sum3A [1] : vector<256x32x8xf32> to vector<256x8xf32>
    %broadcast_in_dim3A_105 = vector.shape_cast %reduce_sum3A_104 : vector<256x8xf32> to vector<256x1x8xf32>
    %div3A_106 = vector.broadcast %broadcast_in_dim3A_105 : vector<256x1x8xf32> to vector<256x32x8xf32>
    %div3A_107 = arith.divf %exp3A, %div3A_106 : vector<256x32x8xf32>
    %reshape3A_108 = vector.shape_cast %div3A_107 : vector<256x32x8xf32> to vector<8192x8xf32>
    %dot_general3A_109 = arith.constant dense<0.000000e+00> : vector<8192x128xf32>
    %dot_general3A_110 = tpu.matmul %reshape3A_108, %convert_element_type3A_44, %dot_general3A_109 {dimension_numbers = #tpu.dot_dimension_numbers<[1], [1], [0], [0], [0, 0, 1, 0], [], []>, transpose_lhs_hint = false} : vector<8192x8xf32>, vector<128x8xf32>, vector<8192x128xf32> -> vector<8192x128xf32>
    %dot_general3A_111 = arith.constant dense<0.000000e+00> : vector<8192x128xf32>
    %dot_general3A_112 = tpu.matmul %reshape3A_108, %convert_element_type3A_82, %dot_general3A_111 {dimension_numbers = #tpu.dot_dimension_numbers<[1], [1], [0], [0], [0, 0, 1, 0], [], []>, transpose_lhs_hint = false} : vector<8192x8xf32>, vector<128x8xf32>, vector<8192x128xf32> -> vector<8192x128xf32>
    %mul3A_113 = arith.mulf %dot_general3A_110, %bitcast_convert_type3A_14 : vector<8192x128xf32>
    %reshape3A_114 = vector.shape_cast %mul3A_113 : vector<8192x128xf32> to vector<256x32x128xf32>
    %reduce_sum3A_115 = arith.constant dense<0.000000e+00> : vector<256x128xf32>
    %reduce_sum3A_116 = vector.multi_reduction <add>, %reshape3A_114, %reduce_sum3A_115 [1] : vector<256x32x128xf32> to vector<256x128xf32>
    %mul3A_117 = arith.mulf %dot_general3A_112, %bitcast_convert_type3A_18 : vector<8192x128xf32>
    %reshape3A_118 = vector.shape_cast %mul3A_117 : vector<8192x128xf32> to vector<256x32x128xf32>
    %reduce_sum3A_119 = arith.constant dense<0.000000e+00> : vector<256x128xf32>
    %reduce_sum3A_120 = vector.multi_reduction <add>, %reshape3A_118, %reduce_sum3A_119 [1] : vector<256x32x128xf32> to vector<256x128xf32>
    %concatenate3A = tpu.concatenate %reduce_sum3A_116, %reduce_sum3A_120 in 1 : vector<256x128xf32>, vector<256x128xf32> -> vector<256x256xf32>
    %get3A_121 = arith.constant 0 : index
    %get3A_122 = arith.constant 0 : index
    %get3A_123 = vector.load %arg4[%get3A_121, %get3A_122] : memref<256x256xf32, #tpu.memory_space<vmem>>, vector<256x256xf32>
    %dot_general3A_124 = arith.constant dense<0.000000e+00> : vector<256x256xf32>
    %dot_general3A_125 = tpu.matmul %concatenate3A, %get3A_123, %dot_general3A_124 {dimension_numbers = #tpu.dot_dimension_numbers<[1], [1], [0], [0], [0, 0, 1, 0], [], []>, transpose_lhs_hint = false} : vector<256x256xf32>, vector<256x256xf32>, vector<256x256xf32> -> vector<256x256xf32>
    %get3A_126 = arith.constant 0 : index
    %get3A_127 = arith.constant 0 : index
    %get3A_128 = vector.load %arg5[%get3A_126, %get3A_127] : memref<1x256xf32, #tpu.memory_space<vmem>>, vector<1x256xf32>
    %add3A_129 = vector.broadcast %get3A_128 : vector<1x256xf32> to vector<256x256xf32>
    %add3A_130 = arith.addf %dot_general3A_125, %add3A_129 : vector<256x256xf32>
    %get3A_131 = arith.constant 0 : index
    %get3A_132 = arith.constant 0 : index
    %get3A_133 = vector.load %arg2[%get3A_131, %get3A_132] : memref<256x256xf32, #tpu.memory_space<vmem>>, vector<256x256xf32>
    %add3A_134 = arith.addf %add3A_130, %get3A_133 : vector<256x256xf32>
    %get3A_135 = arith.constant 0 : index
    %get3A_136 = arith.constant 0 : index
    %get3A_137 = vector.load %arg6[%get3A_135, %get3A_136] : memref<1x256xf32, #tpu.memory_space<vmem>>, vector<1x256xf32>
    %get3A_138 = arith.constant 0 : index
    %get3A_139 = arith.constant 0 : index
    %get3A_140 = vector.load %arg7[%get3A_138, %get3A_139] : memref<1x256xf32, #tpu.memory_space<vmem>>, vector<1x256xf32>
    %reduce_sum3A_141 = arith.constant dense<0.000000e+00> : vector<256xf32>
    %reduce_sum3A_142 = vector.multi_reduction <add>, %add3A_134, %reduce_sum3A_141 [1] : vector<256x256xf32> to vector<256xf32>
    %broadcast_in_dim3A_143 = vector.shape_cast %reduce_sum3A_142 : vector<256xf32> to vector<256x1xf32>
    %div3A_144 = arith.constant 2.560000e+02 : f32
    %div3A_145 = vector.broadcast %div3A_144 : f32 to vector<256x1xf32>
    %div3A_146 = arith.divf %broadcast_in_dim3A_143, %div3A_145 : vector<256x1xf32>
    %sub3A_147 = vector.broadcast %div3A_146 : vector<256x1xf32> to vector<256x256xf32>
    %sub3A_148 = arith.subf %add3A_134, %sub3A_147 : vector<256x256xf32>
    %mul3A_149 = arith.mulf %sub3A_148, %sub3A_148 : vector<256x256xf32>
    %reduce_sum3A_150 = arith.constant dense<0.000000e+00> : vector<256xf32>
    %reduce_sum3A_151 = vector.multi_reduction <add>, %mul3A_149, %reduce_sum3A_150 [1] : vector<256x256xf32> to vector<256xf32>
    %broadcast_in_dim3A_152 = vector.shape_cast %reduce_sum3A_151 : vector<256xf32> to vector<256x1xf32>
    %div3A_153 = arith.constant 2.560000e+02 : f32
    %div3A_154 = vector.broadcast %div3A_153 : f32 to vector<256x1xf32>
    %div3A_155 = arith.divf %broadcast_in_dim3A_152, %div3A_154 : vector<256x1xf32>
    %add3A_156 = arith.constant 9.99999974E-6 : f32
    %add3A_157 = vector.broadcast %add3A_156 : f32 to vector<256x1xf32>
    %add3A_158 = arith.addf %div3A_155, %add3A_157 : vector<256x1xf32>
    %rsqrt3A = math.rsqrt %add3A_158 : vector<256x1xf32>
    %mul3A_159 = vector.broadcast %rsqrt3A : vector<256x1xf32> to vector<256x256xf32>
    %mul3A_160 = arith.mulf %sub3A_148, %mul3A_159 : vector<256x256xf32>
    %mul3A_161 = vector.broadcast %get3A_137 : vector<1x256xf32> to vector<256x256xf32>
    %mul3A_162 = arith.mulf %mul3A_160, %mul3A_161 : vector<256x256xf32>
    %add3A_163 = vector.broadcast %get3A_140 : vector<1x256xf32> to vector<256x256xf32>
    %add3A_164 = arith.addf %mul3A_162, %add3A_163 : vector<256x256xf32>
    %get3A_165 = arith.constant 0 : index
    %get3A_166 = arith.constant 0 : index
    %get3A_167 = vector.load %arg8[%get3A_165, %get3A_166] : memref<512x256xf32, #tpu.memory_space<vmem>>, vector<512x256xf32>
    %dot_general3A_168 = arith.constant dense<0.000000e+00> : vector<256x512xf32>
    %dot_general3A_169 = tpu.matmul %add3A_164, %get3A_167, %dot_general3A_168 {dimension_numbers = #tpu.dot_dimension_numbers<[1], [1], [0], [0], [0, 0, 1, 0], [], []>, transpose_lhs_hint = false} : vector<256x256xf32>, vector<512x256xf32>, vector<256x512xf32> -> vector<256x512xf32>
    %get3A_170 = arith.constant 0 : index
    %get3A_171 = arith.constant 0 : index
    %get3A_172 = vector.load %arg9[%get3A_170, %get3A_171] : memref<1x512xf32, #tpu.memory_space<vmem>>, vector<1x512xf32>
    %add3A_173 = vector.broadcast %get3A_172 : vector<1x512xf32> to vector<256x512xf32>
    %add3A_174 = arith.addf %dot_general3A_169, %add3A_173 : vector<256x512xf32>
    %integer_pow3A = arith.mulf %add3A_174, %add3A_174 : vector<256x512xf32>
    %integer_pow3A_175 = arith.mulf %add3A_174, %integer_pow3A : vector<256x512xf32>
    %mul3A_176 = arith.constant 4.471500e-02 : f32
    %mul3A_177 = vector.broadcast %mul3A_176 : f32 to vector<256x512xf32>
    %mul3A_178 = arith.mulf %mul3A_177, %integer_pow3A_175 : vector<256x512xf32>
    %add3A_179 = arith.addf %add3A_174, %mul3A_178 : vector<256x512xf32>
    %mul3A_180 = arith.constant 0.797884583 : f32
    %mul3A_181 = vector.broadcast %mul3A_180 : f32 to vector<256x512xf32>
    %mul3A_182 = arith.mulf %mul3A_181, %add3A_179 : vector<256x512xf32>
    %tanh3A = math.tanh %mul3A_182 : vector<256x512xf32>
    %add3A_183 = arith.constant 1.000000e+00 : f32
    %add3A_184 = vector.broadcast %add3A_183 : f32 to vector<256x512xf32>
    %add3A_185 = arith.addf %add3A_184, %tanh3A : vector<256x512xf32>
    %mul3A_186 = arith.constant 5.000000e-01 : f32
    %mul3A_187 = vector.broadcast %mul3A_186 : f32 to vector<256x512xf32>
    %mul3A_188 = arith.mulf %mul3A_187, %add3A_185 : vector<256x512xf32>
    %mul3A_189 = arith.mulf %add3A_174, %mul3A_188 : vector<256x512xf32>
    %get3A_190 = arith.constant 0 : index
    %get3A_191 = arith.constant 0 : index
    %get3A_192 = vector.load %arg10[%get3A_190, %get3A_191] : memref<256x512xf32, #tpu.memory_space<vmem>>, vector<256x512xf32>
    %dot_general3A_193 = arith.constant dense<0.000000e+00> : vector<256x256xf32>
    %dot_general3A_194 = tpu.matmul %mul3A_189, %get3A_192, %dot_general3A_193 {dimension_numbers = #tpu.dot_dimension_numbers<[1], [1], [0], [0], [0, 0, 1, 0], [], []>, transpose_lhs_hint = false} : vector<256x512xf32>, vector<256x512xf32>, vector<256x256xf32> -> vector<256x256xf32>
    %get3A_195 = arith.constant 0 : index
    %get3A_196 = arith.constant 0 : index
    %get3A_197 = vector.load %arg11[%get3A_195, %get3A_196] : memref<1x256xf32, #tpu.memory_space<vmem>>, vector<1x256xf32>
    %add3A_198 = vector.broadcast %get3A_197 : vector<1x256xf32> to vector<256x256xf32>
    %add3A_199 = arith.addf %dot_general3A_194, %add3A_198 : vector<256x256xf32>
    %add3A_200 = arith.addf %add3A_199, %add3A_164 : vector<256x256xf32>
    %get3A_201 = arith.constant 0 : index
    %get3A_202 = arith.constant 0 : index
    %get3A_203 = vector.load %arg12[%get3A_201, %get3A_202] : memref<1x256xf32, #tpu.memory_space<vmem>>, vector<1x256xf32>
    %get3A_204 = arith.constant 0 : index
    %get3A_205 = arith.constant 0 : index
    %get3A_206 = vector.load %arg13[%get3A_204, %get3A_205] : memref<1x256xf32, #tpu.memory_space<vmem>>, vector<1x256xf32>
    %reduce_sum3A_207 = arith.constant dense<0.000000e+00> : vector<256xf32>
    %reduce_sum3A_208 = vector.multi_reduction <add>, %add3A_200, %reduce_sum3A_207 [1] : vector<256x256xf32> to vector<256xf32>
    %broadcast_in_dim3A_209 = vector.shape_cast %reduce_sum3A_208 : vector<256xf32> to vector<256x1xf32>
    %div3A_210 = arith.constant 2.560000e+02 : f32
    %div3A_211 = vector.broadcast %div3A_210 : f32 to vector<256x1xf32>
    %div3A_212 = arith.divf %broadcast_in_dim3A_209, %div3A_211 : vector<256x1xf32>
    %sub3A_213 = vector.broadcast %div3A_212 : vector<256x1xf32> to vector<256x256xf32>
    %sub3A_214 = arith.subf %add3A_200, %sub3A_213 : vector<256x256xf32>
    %mul3A_215 = arith.mulf %sub3A_214, %sub3A_214 : vector<256x256xf32>
    %reduce_sum3A_216 = arith.constant dense<0.000000e+00> : vector<256xf32>
    %reduce_sum3A_217 = vector.multi_reduction <add>, %mul3A_215, %reduce_sum3A_216 [1] : vector<256x256xf32> to vector<256xf32>
    %broadcast_in_dim3A_218 = vector.shape_cast %reduce_sum3A_217 : vector<256xf32> to vector<256x1xf32>
    %div3A_219 = arith.constant 2.560000e+02 : f32
    %div3A_220 = vector.broadcast %div3A_219 : f32 to vector<256x1xf32>
    %div3A_221 = arith.divf %broadcast_in_dim3A_218, %div3A_220 : vector<256x1xf32>
    %add3A_222 = arith.constant 9.99999974E-6 : f32
    %add3A_223 = vector.broadcast %add3A_222 : f32 to vector<256x1xf32>
    %add3A_224 = arith.addf %div3A_221, %add3A_223 : vector<256x1xf32>
    %rsqrt3A_225 = math.rsqrt %add3A_224 : vector<256x1xf32>
    %mul3A_226 = vector.broadcast %rsqrt3A_225 : vector<256x1xf32> to vector<256x256xf32>
    %mul3A_227 = arith.mulf %sub3A_214, %mul3A_226 : vector<256x256xf32>
    %mul3A_228 = vector.broadcast %get3A_203 : vector<1x256xf32> to vector<256x256xf32>
    %mul3A_229 = arith.mulf %mul3A_227, %mul3A_228 : vector<256x256xf32>
    %add3A_230 = vector.broadcast %get3A_206 : vector<1x256xf32> to vector<256x256xf32>
    %add3A_231 = arith.addf %mul3A_229, %add3A_230 : vector<256x256xf32>
    %get3A_232 = arith.constant 0 : index
    %get3A_233 = arith.constant 0 : index
    %get3A_234 = vector.load %arg14[%get3A_232, %get3A_233] : memref<256x256xf32, #tpu.memory_space<vmem>>, vector<256x256xf32>
    %dot_general3A_235 = arith.constant dense<0.000000e+00> : vector<256x256xf32>
    %dot_general3A_236 = tpu.matmul %add3A_231, %get3A_234, %dot_general3A_235 {dimension_numbers = #tpu.dot_dimension_numbers<[1], [1], [0], [0], [0, 0, 1, 0], [], []>, transpose_lhs_hint = false} : vector<256x256xf32>, vector<256x256xf32>, vector<256x256xf32> -> vector<256x256xf32>
    %swap3A = arith.constant 0 : index
    %swap3A_237 = arith.constant 0 : index
    %swap3A_238 = vector.load %arg15[%swap3A, %swap3A_237] : memref<256x256xf32, #tpu.memory_space<vmem>>, vector<256x256xf32>
    tpu.vector_store %arg15[%swap3A, %swap3A_237], %dot_general3A_236 {strides = array<i32>} : memref<256x256xf32, #tpu.memory_space<vmem>>, vector<256x256xf32>,
    return
  }
  func.func @transform_0(%arg0: i32) -> (i32, i32) {
    %add3A = arith.constant 0 : i32
    %add3A_0 = arith.addi %add3A, %arg0 : i32
    %c0_i32 = arith.constant 0 : i32
    %c0_i32_1 = arith.constant 0 : i32
    return %add3A_0, %c0_i32 : i32, i32
  }
  func.func @transform_1(%arg0: i32) -> (i32, i32) {
    %add3A = arith.constant 0 : i32
    %add3A_0 = arith.addi %add3A, %arg0 : i32
    %c0_i32 = arith.constant 0 : i32
    %c0_i32_1 = arith.constant 0 : i32
    return %add3A_0, %c0_i32 : i32, i32
  }
  func.func @transform_2(%arg0: i32) -> (i32, i32) {
    %c0_i32 = arith.constant 0 : i32
    %c0_i32_0 = arith.constant 0 : i32
    return %arg0, %c0_i32 : i32, i32
  }
  func.func @transform_3(%arg0: i32) -> (i32, i32) {
    %c0_i32 = arith.constant 0 : i32
    %c0_i32_0 = arith.constant 0 : i32
    %c0_i32_1 = arith.constant 0 : i32
    return %c0_i32, %c0_i32_0 : i32, i32
  }
  func.func @transform_4(%arg0: i32) -> (i32, i32) {
    %c0_i32 = arith.constant 0 : i32
    %c0_i32_0 = arith.constant 0 : i32
    %c0_i32_1 = arith.constant 0 : i32
    return %c0_i32, %c0_i32_0 : i32, i32
  }
  func.func @transform_5(%arg0: i32) -> (i32, i32) {
    %c0_i32 = arith.constant 0 : i32
    %c0_i32_0 = arith.constant 0 : i32
    %c0_i32_1 = arith.constant 0 : i32
    return %c0_i32, %c0_i32_0 : i32, i32
  }
  func.func @transform_6(%arg0: i32) -> (i32, i32) {
    %c0_i32 = arith.constant 0 : i32
    %c0_i32_0 = arith.constant 0 : i32
    %c0_i32_1 = arith.constant 0 : i32
    return %c0_i32, %c0_i32_0 : i32, i32
  }
  func.func @transform_7(%arg0: i32) -> (i32, i32) {
    %c0_i32 = arith.constant 0 : i32
    %c0_i32_0 = arith.constant 0 : i32
    %c0_i32_1 = arith.constant 0 : i32
    return %c0_i32, %c0_i32_0 : i32, i32
  }
  func.func @transform_8(%arg0: i32) -> (i32, i32) {
    %c0_i32 = arith.constant 0 : i32
    %c0_i32_0 = arith.constant 0 : i32
    %c0_i32_1 = arith.constant 0 : i32
    return %c0_i32, %c0_i32_0 : i32, i32
  }
  func.func @transform_9(%arg0: i32) -> (i32, i32) {
    %c0_i32 = arith.constant 0 : i32
    %c0_i32_0 = arith.constant 0 : i32
    %c0_i32_1 = arith.constant 0 : i32
    return %c0_i32, %c0_i32_0 : i32, i32
  }
  func.func @transform_10(%arg0: i32) -> (i32, i32) {
    %c0_i32 = arith.constant 0 : i32
    %c0_i32_0 = arith.constant 0 : i32
    %c0_i32_1 = arith.constant 0 : i32
    return %c0_i32, %c0_i32_0 : i32, i32
  }
  func.func @transform_11(%arg0: i32) -> (i32, i32) {
    %c0_i32 = arith.constant 0 : i32
    %c0_i32_0 = arith.constant 0 : i32
    %c0_i32_1 = arith.constant 0 : i32
    return %c0_i32, %c0_i32_0 : i32, i32
  }
  func.func @transform_12(%arg0: i32) -> (i32, i32) {
    %c0_i32 = arith.constant 0 : i32
    %c0_i32_0 = arith.constant 0 : i32
    %c0_i32_1 = arith.constant 0 : i32
    return %c0_i32, %c0_i32_0 : i32, i32
  }
  func.func @transform_13(%arg0: i32) -> (i32, i32) {
    %c0_i32 = arith.constant 0 : i32
    %c0_i32_0 = arith.constant 0 : i32
    %c0_i32_1 = arith.constant 0 : i32
    return %c0_i32, %c0_i32_0 : i32, i32
  }
  func.func @transform_14(%arg0: i32) -> (i32, i32) {
    %c0_i32 = arith.constant 0 : i32
    %c0_i32_0 = arith.constant 0 : i32
    return %arg0, %c0_i32 : i32, i32
  }
}

</mosaic_0001>

<sc_bundles>
// kernel: kernel.12.cloned.1.call-start
scs
__scs_entry_jumppad:
0x0: {  	(pc) =	sbr.rel $0x88, $3  }
0x1: {  	(tag) =	ssettag $0x0;
	lr =	simm.s32 $0x1  }
0x2: {  	[smem:$0x3F91] =	sst lr;
	_ =	strace $0xD0000000  }
0x3: {  	_ = 	snop  }
0x4: {  	_ = 	snop  }
0x5: {  	_ = 	snop  }
0x6: {  	_ = 	snop  }
0x7: {  	_ = 	snop  }
__scs_overlays_trampoline_lowered:
0x8: {  	[smem:$0x3FA0] =	sst s0  }
0x9: {  	[smem:$0x3FA1] =	sst s1  }
0xa: {  	[smem:$0x3FA2] =	sst s2  }
0xb: {  	[smem:$0x3FA3] =	sst s3  }
0xc: {  	[smem:$0x3FA4] =	sst s4  }
0xd: {  	[smem:$0x3FA5] =	sst s5  }
0xe: {  	[smem:$0x3FA6] =	sst s6  }
0xf: {  	[smem:$0x3FA7] =	sst s7  }
0x10: {  	[smem:$0x3FA8] =	sst s8  }
0x11: {  	[smem:$0x3FA9] =	sst s9;
	s0 =	simm.s32 @!p0 $0x0  }
0x12: {  	s1 =	sld [smem:$0x3F8F];
	s0 =	simm.s32 @p0 $0x1  }
0x13: {  	[smem:$0x3FAA] =	sst s0;
	s0 =	simm.s32 @!p1 $0x0  }
0x14: {  	s2 =	sld [smem:$0x3F8E];
	s0 =	simm.s32 @p1 $0x1  }
0x15: {  	[smem:$0x3FAB] =	sst s0;
	s0 =	simm.s32 @!p2 $0x0  }
0x16: {  	s3 =	sld [smem:$0x3FDB];
	s0 =	simm.s32 @p2 $0x1  }
0x17: {  	s4 =	simm.s32 $0x1BF5;
	[smem:$0x3FAD] =	sst s0  }
0x18: {  	s0 =	sld [smem:$0x3F90];
	_ =	swait.ge [sflag:s4], $0x0  }
0x19: {  	s7 =	sld [smem:$0x3F91]  }
0x1a: {  	s8 =	sadd.s32 $0xFFFFE003, lr  }
0x1b: {  	s9 =	sadd.s32 $0xFFFFFEF7, lr;
	s5 =	simm.s32 $0xFFFFFFFF;
	p2 =	slt.u32 s8, $0xFFFFF086  }
0x1c: {  	p1 =	slt.u32 s9, $0xF7A;
	s5 =	simm.s32 @!p2 $0x0  }
0x1d: {  	s5 =	simm.s32 @p1 $0x1;
	p0 =	seq.s32 s7, s2  }
0x1e: {  	s7 =	smul.u32 @!p0 $0xF7A, s2;
	p2 =	seq.s32 @!p0 s5, $0x0  }
0x1f: {  	s9 =	smul.u32 $0xF7A, s1;
	s8 =	simm.s32 @!p0 $0x1BF5;
	p2 =	por !p2, p0  }
0x20: {  	[sflag:s8] =	ssyncset.s32 @!p0 $0xFFFFF086;
	s6 =	sadd.s32 @!p0 s3, s7;
	s7 =	simm.s32 @!p0 $0x108  }
0x21: {  	s3 =	sadd.s32 s3, s9;
	s6 =	sadd.s32 @!p0 $0x88, s6;
	s7 =	simm.s32 @p2 $0x1082  }
0x22: {  	[simem:s7], [sflag:s8] =	dma.local @!p0 [hbm:s6], $0xF7A  }
0x23: {  	s9 =	sor.u32 $0xD0000000, s2;
	s6 =	simm.s32 $0x108;
	_ =	swait.ge @!p0 [sflag:s8], $0x0  }
0x24: {  	s3 =	sadd.s32 $0x88, s3;
	s6 =	simm.s32 @!p1 $0x1082;
	[sflag:s4] =	ssyncset.s32 $0xFFFFF086  }
0x25: {  	[simem:s6], [sflag:s4] =	dma.local [hbm:s3], $0xF7A  }
0x26: {  	[smem:$0x3F91] =	sst s1;
	(tag) =	ssettag s2;
	_ =	strace s9  }
0x27: {  	s1 =	sld [smem:$0x3FA1]  }
0x28: {  	s2 =	sld [smem:$0x3FA2]  }
0x29: {  	s4 =	sld [smem:$0x3FA4]  }
0x2a: {  	p0 =	seq.s32 s5, $0x0;
	s5 =	sld [smem:$0x3FA5]  }
0x2b: {  	s6 =	sld [smem:$0x3FA6]  }
0x2c: {  	s7 =	sld [smem:$0x3FA7]  }
0x2d: {  	s3 =	simm.s32 $0x108;
	s8 =	sld [smem:$0x3FA8]  }
0x2e: {  	s3 =	simm.s32 @!p0 $0x1082;
	s9 =	sld [smem:$0x3FA9]  }
0x2f: {  	lr =	sadd.s32 s0, s3;
	s0 =	sld [smem:$0x3FA0]  }
0x30: {  	s3 =	sld [smem:$0x3FA3]  }
0x31: {  	[smem:$0x3FAC] =	sst s10  }
0x32: {  	s10 =	sld [smem:$0x3FAA];
	_ =	sdelay $0x3  }
0x33: {  	p0 =	seq.s32 s10, $0x1;
	s10 =	sld [smem:$0x3FAC];
	_ =	sdelay $0x3  }
0x34: {  	[smem:$0x3FAC] =	sst s10  }
0x35: {  	s10 =	sld [smem:$0x3FAB];
	_ =	sdelay $0x3  }
0x36: {  	p1 =	seq.s32 s10, $0x1;
	s10 =	sld [smem:$0x3FAC];
	_ =	sdelay $0x3  }
0x37: {  	[smem:$0x3FAC] =	sst s10  }
0x38: {  	s10 =	sld [smem:$0x3FAD]  }
0x39: {  	_ = 	snop;
	(pc) =	sbr.ind lr, $3  }
0x3a: {  	_ = 	snop  }
0x3b: {  	_ = 	snop  }
0x3c: {  	p2 =	seq.s32 s10, $0x1;
	s10 =	sld [smem:$0x3FAC]  }
0x3d: {  	_ =	shalt  }
0x3e: {  	_ =	shalt  }
0x3f: {  	_ =	shalt  }
0x40: {  	_ =	shalt  }
0x41: {  	_ =	shalt  }
0x42: {  	_ =	shalt  }
0x43: {  	_ =	shalt  }
0x44: {  	_ =	shalt  }
0x45: {  	_ =	shalt  }
0x46: {  	_ =	shalt  }
0x47: {  	_ =	shalt  }
0x48: {  	_ =	shalt  }
0x49: {  	_ =	shalt  }
0x4a: {  	_ =	shalt  }
0x4b: {  	_ =	shalt  }
0x4c: {  	_ =	shalt  }
0x4d: {  	_ =	shalt  }
0x4e: {  	_ =	shalt  }
0x4f: {  	_ =	shalt  }
0x50: {  	_ =	shalt  }
0x51: {  	_ =	shalt  }
0x52: {  	_ =	shalt  }
0x53: {  	_ =	shalt  }
0x54: {  	_ =	shalt  }
0x55: {  	_ =	shalt  }
0x56: {  	_ =	shalt  }
0x57: {  	_ =	shalt  }
0x58: {  	_ =	shalt  }
0x59: {  	_ =	shalt  }
0x5a: {  	_ =	shalt  }
0x5b: {  	_ =	shalt  }
0x5c: {  	_ =	shalt  }
0x5d: {  	_ =	shalt  }
0x5e: {  	_ =	shalt  }
0x5f: {  	_ =	shalt  }
0x60: {  	_ =	shalt  }
0x61: {  	_ =	shalt  }
0x62: {  	_ =	shalt  }
0x63: {  	_ =	shalt  }
0x64: {  	_ =	shalt  }
0x65: {  	_ =	shalt  }
0x66: {  	_ =	shalt  }
0x67: {  	_ =	shalt  }
0x68: {  	_ =	shalt  }
0x69: {  	_ =	shalt  }
0x6a: {  	_ =	shalt  }
0x6b: {  	_ =	shalt  }
0x6c: {  	_ =	shalt  }
0x6d: {  	_ =	shalt  }
0x6e: {  	_ =	shalt  }
0x6f: {  	_ =	shalt  }
0x70: {  	_ =	shalt  }
0x71: {  	_ =	shalt  }
0x72: {  	_ =	shalt  }
0x73: {  	_ =	shalt  }
0x74: {  	_ =	shalt  }
0x75: {  	_ =	shalt  }
0x76: {  	_ =	shalt  }
0x77: {  	_ =	shalt  }
0x78: {  	_ =	shalt  }
0x79: {  	_ =	shalt  }
0x7a: {  	_ =	shalt  }
0x7b: {  	_ =	shalt  }
0x7c: {  	_ =	shalt  }
0x7d: {  	_ =	shalt  }
0x7e: {  	_ =	shalt  }
0x7f: {  	_ =	shalt  }
0x80: {  	_ =	shalt  }
0x81: {  	_ =	shalt  }
0x82: {  	_ =	shalt  }
0x83: {  	_ =	shalt  }
0x84: {  	_ =	shalt  }
0x85: {  	_ =	shalt  }
0x86: {  	_ =	shalt  }
0x87: {  	_ =	shalt  }
.Lfunc_end0:
.L_simem_size_0:
called_computation.1_lowered:
.L_overlay_start_0:
0x88: {  	s2 =	sld [smem:$0x3FD9]  }
0x89: {  	s3 =	sld [smem:$0x3FFE];
	_ =	sdelay $0x1  }
0x8a: {  	s1 =	srdreg.scid  }
0x8b: {  	s0 =	sand.u32 $0x1, s1  }
0x8c: {  	s16 =	sshll.u32 s0, $0xA;
	s2 =	sadd.s32 s3, s2  }
0x8d: {  	s2 =	sadd.s32 s2, s16  }
0x8e: {  	[smem:$0x3FB8] =	sst s2  }
0x8f: {  	_ = 	snop  }
0x90: {  	(tm) =	ssettm $0x1  }
0x91: {  	s17 =	sld [smem:$0x3FFB];
	_ =	sdelay $0x3  }
0x92: {  	_ =	strace s17  }
0x93: {  	s2 =	sld [smem:$0x3FFC];
	_ =	sdelay $0x3  }
0x94: {  	_ =	strace s2  }
0x95: {  	s2 =	sld [smem:$0x3FFD];
	_ =	sdelay $0x3  }
0x96: {  	_ =	strace s2  }
0x97: {  	_ =	strace $0x8FFFFFFF  }
0x98: {  	s18 =	sld [smem:$0x3FDB];
	_ =	sdelay $0x1  }
0x99: {  	s19 =	simm.s32 $_scs_section_size  }
0x9a: {  	s4 =	simm.s32 $_size__tile_overlayer_lowered;
	s5 =	simm.s32 $_tile_overlayer_lowered  }
0x9b: {  	s22 =	simm.s32 $0x1BFF;
	s21 =	sshll.u32 s5, $0x1;
	s2 =	sadd.s32 s19, s18  }
0x9c: {  	s6 =	simm.s32 $0x0;
	s20 =	sshll.u32 s4, $0x1;
	s4 =	sadd.s32 s21, s2  }
0x9d: {  	[timem:s6], [sflag:s22] =	dma.local [hbm:s4], s20  }
0x9e: {  	_ =	swait.ge [sflag:s22], s20  }
0x9f: {  	s3 =	ssub.s32 $0x0, s20;
	[sflag:s22] =	ssyncset.done $0x0  }
0xa0: {  	[sflag:s22] =	ssyncadd.s32 s3;
	_ =	sdelay $0x1  }
0xa1: {  	s23 =	simm.s32 $0x1B8B  }
0xa2: {  	_ =	swait.ge [sflag:s23], $0x1  }
0xa3: {  	[sflag:s23] =	ssyncset.done $0x0  }
0xa4: {  	s25 =	simm.s32 $0x1B8E;
	s24 =	sld [smem:$0x3FFE];
	[sflag:s23] =	ssyncadd.s32 $0xFFFFFFFF  }
0xa5: {  	s26 =	simm.s32 $execute0_lowered;
	[smem:$0x3FD2] =	sst s25  }
0xa6: {  	s4 =	sshll.u32 s26, $0x1;
	_ =	strace $0x80000046;
	[dreg:$0x1] =	wrdreg $0xFFFFFFFF  }
0xa7: {  	s28 =	simm.s32 $_size_execute0_lowered;
	s2 =	sadd.s32 s2, s4;
	[dreg:$0x0] =	wrdreg $0x0  }
0xa8: {  	s4 =	sshll.u32 s28, $0x1;
	[dreg:$0x2] =	wrdreg s2  }
0xa9: {  	[dreg:$0x3] =	wrdreg s4  }
0xaa: {  	[dreg:$0x4] =	wrdreg $0xC0  }
0xab: {  	_ =	task [dreg:s6], $0x5FFFF  }
0xac: {  	[dreg:$0x1] =	wrdreg $0xFFFFFFFF  }
0xad: {  	[dreg:$0x0] =	wrdreg $0x60  }
0xae: {  	[dreg:$0x2] =	wrdreg s24  }
0xaf: {  	[dreg:$0x3] =	wrdreg $0xA  }
0xb0: {  	_ =	task.clear_ibuf [dreg:s6], $0x4FFFF;
	_ =	strace $0x90000046  }
0xb1: {  	s29 =	simm.s32 $0xA;
	_ =	strace $0x80000048  }
0xb2: {  	_ =	swait.ge [sflag:s29], $0x1  }
0xb3: {  	[sflag:s29] =	ssyncadd.s32 $0xFFFFFFFF  }
0xb4: {  	_ =	strace $0x90000048  }
0xb5: {  	_ =	sfence  }
0xb6: {  	s30 =	sld [smem:$0x0];
	_ =	sdelay $0x2  }
0xb7: {  	s31 =	sshll.u32 s1, $0xD;
	s1 =	sshrl.u32 s1, $0x2  }
0xb8: {  	s3 =	sand.u32 $0x4000, s31;
	s1 =	sadd.s32 s1, s30  }
0xb9: {  	s0 =	sor.u32 s3, s0;
	s1 =	sshll.u32 s1, $0x11  }
0xba: {  	s0 =	sor.u32 s1, s0  }
0xbb: {  	s0 =	sadd.s32 $0x8F2B, s0  }
0xbc: {  	[sflag:s0] =	ssyncadd.remote.s32 $0x1  }
0xbd: {  	_ =	sfence.sel $0xFFFF  }
0xbe: {  	[dreg:$0x0] =	wrdreg $0xFFFFFFFF;
	(pc) =	sbr.abs _section_cstart, $3  }
0xbf: {  	[dreg:$0x1] =	wrdreg $0xFFFFFFFF  }
0xc0: {  	_ =	task.clear_ibuf [dreg:s6], $0x2FFFF;
	_ =	strace $0x9FFFFFFF  }
0xc1: {  	(tm) =	ssettm $0x7FFFFFFF  }
tec
execute0_lowered:
.L_overlay_start_1:
0x0: {  	(tag) =	ssettag $0x1  }
0x1: {  	s0 =	rddreg [dreg:$0x0];
	s2 =	simm.s32 $0x0  }
0x2: {  	s1 =	srdreg.scid;
	s6 =	stileid.u32;
	s8 =	simm.s32 $0x800  }
0x3: {  	s21 =	simm.s32 $0x7000;
	s22 =	simm.s32 $0x7800;
	s23 =	simm.s32 $0x8000  }
0x4: {  	s24 =	simm.s32 $0x8800;
	s28 =	simm.s32 $0xA000;
	s29 =	simm.s32 $0xA800  }
0x5: {  	s30 =	simm.s32 $0xB000;
	s31 =	simm.s32 $0xB800;
	s9 =	simm.s32 $0xE800  }
0x6: {  	s10 =	simm.s32 $0xF000;
	s11 =	simm.s32 $0xF800;
	s12 =	simm.s32 $0x10000  }
0x7: {  	s13 =	simm.s32 $0x1;
	s14 =	simm.s32 $0x3;
	s15 =	simm.s32 $0x2  }
0x8: {  	s16 =	simm.s32 $0x4;
	s18 =	simm.s32 $0x0;
	[smem:$0x7FF] =	sst s2  }
0x9: {  	s1 =	sand.u32 $0x1, s1;
	s4 =	sshll.u32 s6, $0x9;
	s3 =	sadd.s32 $0x3000, s0  }
0xa: {  	s6 =	sshll.u32 s6, $0x11;
	_ =	strace $0x80000047;
	s5 =	sshll.u32 s1, $0x8  }
0xb: {  	s25 =	ssub.s32 $0x2, s1;
	s1 =	sshll.u32 s1, $0x10;
	s4 =	sor.u32 s5, s4  }
0xc: {  	s7 =	sshrl.u32 s25, $0x1;
	s4 =	sadd.s32 s4, s0;
	s0 =	sadd.s32 s6, s0  }
.Ltmp0:
0xd: {  	s5 =	ssub.s32 s25, s7;
	s25 =	simm.s32 $0x9000;
	(pc) =	sbr.rel .LBB2_1-.Ltmp0, $4  }
0xe: {  	s7 =	simm.s32 $0xE000;
	s4 =	sadd.s32 $0x43000, s4;
	s26 =	smax.u32 s5, $0x1  }
0xf: {  	v2 =	vlaneseq.u32;
	s0 =	sadd.s32 s1, s0;
	s1 =	simm.s32 $0xC800;
	[dreg:$0x2] =	wrdreg s4  }
0x10: {  	vm0 =	vmmov $0xffff;
	v1 =	vshrl.u32 v2, $0x3;
	s5 =	simm.s32 $0xD800;
	[dreg:$0x3] =	wrdreg s26;
	s6 =	sadd.s32 $0x45000, s0  }
0x11: {  	v0 =	vand.u32 $0x7, v2;
	v2 =	vor.u32 $0x8, v2;
	v1 =	vmul.u32 $0x8, v1;
	s26 =	simm.s32 $0x9800;
	s0 =	simm.s32 $0xC000;
	s4 =	simm.s32 $0xD000  }
.LBB2_6:
0x12: {  	s18 =	rddreg [dreg:$0x4]  }
0x13: {  	s17 =	rddreg [dreg:$0x3];
	s18 =	sadd.s32 $0x1, s18  }
0x14: {  	p0 =	sne.s32 s18, s17  }
.Ltmp1:
0x15: {  	_ = 	snop;
	(pc) =	sbr.rel @!p0 .LBB2_7-.Ltmp1, $1  }
0x16: {  	_ =	sdelay $0x3  }
.LBB2_1:
0x17: {  	[dreg:$0x4] =	wrdreg s18  }
0x18: {  	s17 =	rddreg [dreg:$0x2];
	s20 =	simm.s32 $0x5  }
0x19: {  	[tilespmem:s2], [sflag:$0x5] =	stream.linear.gather [hbm4b:s17+s2], $0x800, $0x38;
	[tilespmem:$0x10800] =	vst v63  }
0x1a: {  	_ =	swait.ge [sflag:s20], $0x800  }
0x1b: {  	[sflag:s20] =	ssyncset.done $0x0  }
0x1c: {  	[sflag:s20] =	ssyncadd.s32 $0xFFFFF800  }
0x1d: {  	v3 =	vld [tilespmem:$0x0];
	_ =	sdelay $0x4  }
0x1e: {  	v4 =	vshll.u32 v3, $0x1  }
0x1f: {  	v3 =	vand.u32 $0x7, v3;
	v4 =	vand.u32 $0xFFFFFFF0, v4  }
0x20: {  	v3 =	vor.u32 v3, v4  }
0x21: {  	v4 =	vperm.xlane v3, v0;
	_ =	sdelay $0x1  }
0x22: {  	v3 =	vperm.xlane v3, v2;
	v4 =	vadd.s32 v1, v4;
	_ =	sdelay $0x1  }
0x23: {  	v3 =	vadd.s32 v1, v3;
	_ =	sdelay $0x2  }
0x24: {  	[tilespmem:s8], [sflag:$0x1] =	stream.indirect_vreg.gather [hbm4b:s3+s2], $0x80, v4, vm0, $0xb8;
	[tilespmem:$0x10800] =	vst v63  }
0x25: {  	s18 =	simm.s32 $0x1000  }
0x26: {  	[tilespmem:s18], [sflag:$0x1] =	stream.indirect_vreg.gather [hbm4b:s3+s2], $0x80, v3, vm0, $0xb8;
	[tilespmem:$0x10800] =	vst v63  }
0x27: {  	v3 =	vld [tilespmem:$0x10];
	_ =	sdelay $0x4  }
0x28: {  	v49 =	vshll.u32 v3, $0x1  }
0x29: {  	v3 =	vand.u32 $0x7, v3;
	v4 =	vand.u32 $0xFFFFFFF0, v49  }
0x2a: {  	v3 =	vor.u32 v3, v4  }
0x2b: {  	v4 =	vperm.xlane v3, v0;
	_ =	sdelay $0x1  }
0x2c: {  	v3 =	vperm.xlane v3, v2;
	v4 =	vadd.s32 v1, v4;
	_ =	sdelay $0x1  }
0x2d: {  	v3 =	vadd.s32 v1, v3;
	_ =	sdelay $0x1  }
0x2e: {  	s19 =	simm.s32 $0x1800  }
0x2f: {  	[tilespmem:s19], [sflag:$0x1] =	stream.indirect_vreg.gather [hbm4b:s3+s2], $0x80, v4, vm0, $0xb8;
	[tilespmem:$0x10800] =	vst v63  }
0x30: {  	s20 =	simm.s32 $0x2000  }
0x31: {  	[tilespmem:s20], [sflag:$0x1] =	stream.indirect_vreg.gather [hbm4b:s3+s2], $0x80, v3, vm0, $0xb8;
	[tilespmem:$0x10800] =	vst v63  }
0x32: {  	v3 =	vld [tilespmem:$0x20];
	_ =	sdelay $0x4  }
0x33: {  	v50 =	vshll.u32 v3, $0x1  }
0x34: {  	v3 =	vand.u32 $0x7, v3;
	v4 =	vand.u32 $0xFFFFFFF0, v50  }
0x35: {  	v3 =	vor.u32 v3, v4  }
0x36: {  	v4 =	vperm.xlane v3, v0;
	_ =	sdelay $0x1  }
0x37: {  	v3 =	vperm.xlane v3, v2;
	v4 =	vadd.s32 v1, v4;
	_ =	sdelay $0x1  }
0x38: {  	v3 =	vadd.s32 v1, v3;
	_ =	sdelay $0x1  }
0x39: {  	s18 =	simm.s32 $0x2800  }
0x3a: {  	[tilespmem:s18], [sflag:$0x1] =	stream.indirect_vreg.gather [hbm4b:s3+s2], $0x80, v4, vm0, $0xb8;
	[tilespmem:$0x10800] =	vst v63  }
0x3b: {  	s19 =	simm.s32 $0x3000  }
0x3c: {  	[tilespmem:s19], [sflag:$0x1] =	stream.indirect_vreg.gather [hbm4b:s3+s2], $0x80, v3, vm0, $0xb8;
	[tilespmem:$0x10800] =	vst v63  }
0x3d: {  	v3 =	vld [tilespmem:$0x30];
	_ =	sdelay $0x4  }
0x3e: {  	v51 =	vshll.u32 v3, $0x1  }
0x3f: {  	v3 =	vand.u32 $0x7, v3;
	v4 =	vand.u32 $0xFFFFFFF0, v51  }
0x40: {  	v3 =	vor.u32 v3, v4  }
0x41: {  	v4 =	vperm.xlane v3, v0;
	_ =	sdelay $0x1  }
0x42: {  	v3 =	vperm.xlane v3, v2;
	v4 =	vadd.s32 v1, v4;
	_ =	sdelay $0x1  }
0x43: {  	v3 =	vadd.s32 v1, v3;
	_ =	sdelay $0x1  }
0x44: {  	s20 =	simm.s32 $0x3800  }
0x45: {  	[tilespmem:s20], [sflag:$0x1] =	stream.indirect_vreg.gather [hbm4b:s3+s2], $0x80, v4, vm0, $0xb8;
	[tilespmem:$0x10800] =	vst v63  }
0x46: {  	s18 =	simm.s32 $0x4000  }
0x47: {  	[tilespmem:s18], [sflag:$0x1] =	stream.indirect_vreg.gather [hbm4b:s3+s2], $0x80, v3, vm0, $0xb8;
	[tilespmem:$0x10800] =	vst v63  }
0x48: {  	v3 =	vld [tilespmem:$0x40];
	_ =	sdelay $0x4  }
0x49: {  	v52 =	vshll.u32 v3, $0x1  }
0x4a: {  	v3 =	vand.u32 $0x7, v3;
	v4 =	vand.u32 $0xFFFFFFF0, v52  }
0x4b: {  	v3 =	vor.u32 v3, v4  }
0x4c: {  	v4 =	vperm.xlane v3, v0;
	_ =	sdelay $0x1  }
0x4d: {  	v3 =	vperm.xlane v3, v2;
	v4 =	vadd.s32 v1, v4;
	_ =	sdelay $0x1  }
0x4e: {  	v3 =	vadd.s32 v1, v3;
	_ =	sdelay $0x1  }
0x4f: {  	s19 =	simm.s32 $0x4800  }
0x50: {  	[tilespmem:s19], [sflag:$0x1] =	stream.indirect_vreg.gather [hbm4b:s3+s2], $0x80, v4, vm0, $0xb8;
	[tilespmem:$0x10800] =	vst v63  }
0x51: {  	s20 =	simm.s32 $0x5000  }
0x52: {  	[tilespmem:s20], [sflag:$0x1] =	stream.indirect_vreg.gather [hbm4b:s3+s2], $0x80, v3, vm0, $0xb8;
	[tilespmem:$0x10800] =	vst v63  }
0x53: {  	v3 =	vld [tilespmem:$0x50];
	_ =	sdelay $0x4  }
0x54: {  	v53 =	vshll.u32 v3, $0x1  }
0x55: {  	v3 =	vand.u32 $0x7, v3;
	v4 =	vand.u32 $0xFFFFFFF0, v53  }
0x56: {  	v3 =	vor.u32 v3, v4  }
0x57: {  	v4 =	vperm.xlane v3, v0;
	_ =	sdelay $0x1  }
0x58: {  	v3 =	vperm.xlane v3, v2;
	v4 =	vadd.s32 v1, v4;
	_ =	sdelay $0x1  }
0x59: {  	v3 =	vadd.s32 v1, v3;
	_ =	sdelay $0x1  }
0x5a: {  	s18 =	simm.s32 $0x5800  }
0x5b: {  	[tilespmem:s18], [sflag:$0x1] =	stream.indirect_vreg.gather [hbm4b:s3+s2], $0x80, v4, vm0, $0xb8;
	[tilespmem:$0x10800] =	vst v63  }
0x5c: {  	s19 =	simm.s32 $0x6000  }
0x5d: {  	[tilespmem:s19], [sflag:$0x1] =	stream.indirect_vreg.gather [hbm4b:s3+s2], $0x80, v3, vm0, $0xb8;
	[tilespmem:$0x10800] =	vst v63  }
0x5e: {  	v3 =	vld [tilespmem:$0x60];
	_ =	sdelay $0x4  }
0x5f: {  	v54 =	vshll.u32 v3, $0x1  }
0x60: {  	v3 =	vand.u32 $0x7, v3;
	v4 =	vand.u32 $0xFFFFFFF0, v54  }
0x61: {  	v3 =	vor.u32 v3, v4  }
0x62: {  	v4 =	vperm.xlane v3, v0;
	_ =	sdelay $0x1  }
0x63: {  	v3 =	vperm.xlane v3, v2;
	v4 =	vadd.s32 v1, v4;
	_ =	sdelay $0x1  }
0x64: {  	v3 =	vadd.s32 v1, v3;
	_ =	sdelay $0x1  }
0x65: {  	s20 =	simm.s32 $0x6800  }
0x66: {  	[tilespmem:s20], [sflag:$0x1] =	stream.indirect_vreg.gather [hbm4b:s3+s2], $0x80, v4, vm0, $0xb8;
	[tilespmem:$0x10800] =	vst v63  }
0x67: {  	_ = 	snop  }
0x68: {  	[tilespmem:s21], [sflag:$0x1] =	stream.indirect_vreg.gather [hbm4b:s3+s2], $0x80, v3, vm0, $0xb8;
	[tilespmem:$0x10800] =	vst v63  }
0x69: {  	v3 =	vld [tilespmem:$0x70];
	_ =	sdelay $0x4  }
0x6a: {  	v55 =	vshll.u32 v3, $0x1  }
0x6b: {  	v3 =	vand.u32 $0x7, v3;
	v4 =	vand.u32 $0xFFFFFFF0, v55  }
0x6c: {  	v3 =	vor.u32 v3, v4  }
0x6d: {  	v4 =	vperm.xlane v3, v0;
	_ =	sdelay $0x1  }
0x6e: {  	v3 =	vperm.xlane v3, v2;
	v4 =	vadd.s32 v1, v4;
	_ =	sdelay $0x1  }
0x6f: {  	v3 =	vadd.s32 v1, v3;
	_ =	sdelay $0x2  }
0x70: {  	[tilespmem:s22], [sflag:$0x1] =	stream.indirect_vreg.gather [hbm4b:s3+s2], $0x80, v4, vm0, $0xb8;
	[tilespmem:$0x10800] =	vst v63  }
0x71: {  	_ = 	snop  }
0x72: {  	[tilespmem:s23], [sflag:$0x1] =	stream.indirect_vreg.gather [hbm4b:s3+s2], $0x80, v3, vm0, $0xb8;
	[tilespmem:$0x10800] =	vst v63  }
0x73: {  	v3 =	vld [tilespmem:$0x80];
	_ =	sdelay $0x4  }
0x74: {  	v56 =	vshll.u32 v3, $0x1  }
0x75: {  	v3 =	vand.u32 $0x7, v3;
	v4 =	vand.u32 $0xFFFFFFF0, v56  }
0x76: {  	v3 =	vor.u32 v3, v4  }
0x77: {  	v4 =	vperm.xlane v3, v0;
	_ =	sdelay $0x1  }
0x78: {  	v3 =	vperm.xlane v3, v2;
	v4 =	vadd.s32 v1, v4;
	_ =	sdelay $0x1  }
0x79: {  	v3 =	vadd.s32 v1, v3;
	_ =	sdelay $0x2  }
0x7a: {  	[tilespmem:s24], [sflag:$0x2] =	stream.indirect_vreg.gather [hbm4b:s3+s2], $0x80, v4, vm0, $0xb8;
	[tilespmem:$0x10800] =	vst v63  }
0x7b: {  	_ = 	snop  }
0x7c: {  	[tilespmem:s25], [sflag:$0x2] =	stream.indirect_vreg.gather [hbm4b:s3+s2], $0x80, v3, vm0, $0xb8;
	[tilespmem:$0x10800] =	vst v63  }
0x7d: {  	v3 =	vld [tilespmem:$0x90];
	_ =	sdelay $0x4  }
0x7e: {  	v57 =	vshll.u32 v3, $0x1  }
0x7f: {  	v3 =	vand.u32 $0x7, v3;
	v4 =	vand.u32 $0xFFFFFFF0, v57  }
0x80: {  	v3 =	vor.u32 v3, v4  }
0x81: {  	v4 =	vperm.xlane v3, v0;
	_ =	sdelay $0x1  }
0x82: {  	v3 =	vperm.xlane v3, v2;
	v4 =	vadd.s32 v1, v4;
	_ =	sdelay $0x1  }
0x83: {  	v3 =	vadd.s32 v1, v3;
	_ =	sdelay $0x2  }
0x84: {  	[tilespmem:s26], [sflag:$0x2] =	stream.indirect_vreg.gather [hbm4b:s3+s2], $0x80, v4, vm0, $0xb8;
	[tilespmem:$0x10800] =	vst v63  }
0x85: {  	_ = 	snop  }
0x86: {  	[tilespmem:s28], [sflag:$0x2] =	stream.indirect_vreg.gather [hbm4b:s3+s2], $0x80, v3, vm0, $0xb8;
	[tilespmem:$0x10800] =	vst v63  }
0x87: {  	v3 =	vld [tilespmem:$0xA0];
	_ =	sdelay $0x4  }
0x88: {  	v58 =	vshll.u32 v3, $0x1  }
0x89: {  	v3 =	vand.u32 $0x7, v3;
	v4 =	vand.u32 $0xFFFFFFF0, v58  }
0x8a: {  	v3 =	vor.u32 v3, v4  }
0x8b: {  	v4 =	vperm.xlane v3, v0;
	_ =	sdelay $0x1  }
0x8c: {  	v3 =	vperm.xlane v3, v2;
	v4 =	vadd.s32 v1, v4;
	_ =	sdelay $0x1  }
0x8d: {  	v3 =	vadd.s32 v1, v3;
	_ =	sdelay $0x2  }
0x8e: {  	[tilespmem:s29], [sflag:$0x2] =	stream.indirect_vreg.gather [hbm4b:s3+s2], $0x80, v4, vm0, $0xb8;
	[tilespmem:$0x10800] =	vst v63  }
0x8f: {  	_ = 	snop  }
0x90: {  	[tilespmem:s30], [sflag:$0x2] =	stream.indirect_vreg.gather [hbm4b:s3+s2], $0x80, v3, vm0, $0xb8;
	[tilespmem:$0x10800] =	vst v63  }
0x91: {  	v3 =	vld [tilespmem:$0xB0];
	_ =	sdelay $0x4  }
0x92: {  	v59 =	vshll.u32 v3, $0x1  }
0x93: {  	v3 =	vand.u32 $0x7, v3;
	v4 =	vand.u32 $0xFFFFFFF0, v59  }
0x94: {  	v3 =	vor.u32 v3, v4  }
0x95: {  	v4 =	vperm.xlane v3, v0;
	_ =	sdelay $0x1  }
0x96: {  	v3 =	vperm.xlane v3, v2;
	v4 =	vadd.s32 v1, v4;
	_ =	sdelay $0x1  }
0x97: {  	v3 =	vadd.s32 v1, v3;
	_ =	sdelay $0x2  }
0x98: {  	[tilespmem:s31], [sflag:$0x2] =	stream.indirect_vreg.gather [hbm4b:s3+s2], $0x80, v4, vm0, $0xb8;
	[tilespmem:$0x10800] =	vst v63  }
0x99: {  	_ = 	snop  }
0x9a: {  	[tilespmem:s0], [sflag:$0x2] =	stream.indirect_vreg.gather [hbm4b:s3+s2], $0x80, v3, vm0, $0xb8;
	[tilespmem:$0x10800] =	vst v63  }
0x9b: {  	v3 =	vld [tilespmem:$0xC0];
	_ =	sdelay $0x4  }
0x9c: {  	v60 =	vshll.u32 v3, $0x1  }
0x9d: {  	v3 =	vand.u32 $0x7, v3;
	v4 =	vand.u32 $0xFFFFFFF0, v60  }
0x9e: {  	v3 =	vor.u32 v3, v4  }
0x9f: {  	v4 =	vperm.xlane v3, v0;
	_ =	sdelay $0x1  }
0xa0: {  	v3 =	vperm.xlane v3, v2;
	v4 =	vadd.s32 v1, v4;
	_ =	sdelay $0x1  }
0xa1: {  	v3 =	vadd.s32 v1, v3;
	_ =	sdelay $0x2  }
0xa2: {  	[tilespmem:s1], [sflag:$0x2] =	stream.indirect_vreg.gather [hbm4b:s3+s2], $0x80, v4, vm0, $0xb8;
	[tilespmem:$0x10800] =	vst v63  }
0xa3: {  	_ = 	snop  }
0xa4: {  	[tilespmem:s4], [sflag:$0x2] =	stream.indirect_vreg.gather [hbm4b:s3+s2], $0x80, v3, vm0, $0xb8;
	[tilespmem:$0x10800] =	vst v63  }
0xa5: {  	v3 =	vld [tilespmem:$0xD0];
	_ =	sdelay $0x4  }
0xa6: {  	v61 =	vshll.u32 v3, $0x1  }
0xa7: {  	v3 =	vand.u32 $0x7, v3;
	v4 =	vand.u32 $0xFFFFFFF0, v61  }
0xa8: {  	v3 =	vor.u32 v3, v4  }
0xa9: {  	v4 =	vperm.xlane v3, v0;
	_ =	sdelay $0x1  }
0xaa: {  	v3 =	vperm.xlane v3, v2;
	v4 =	vadd.s32 v1, v4;
	_ =	sdelay $0x1  }
0xab: {  	v3 =	vadd.s32 v1, v3;
	_ =	sdelay $0x2  }
0xac: {  	[tilespmem:s5], [sflag:$0x2] =	stream.indirect_vreg.gather [hbm4b:s3+s2], $0x80, v4, vm0, $0xb8;
	[tilespmem:$0x10800] =	vst v63  }
0xad: {  	_ = 	snop  }
0xae: {  	[tilespmem:s7], [sflag:$0x2] =	stream.indirect_vreg.gather [hbm4b:s3+s2], $0x80, v3, vm0, $0xb8;
	[tilespmem:$0x10800] =	vst v63  }
0xaf: {  	v3 =	vld [tilespmem:$0xE0];
	_ =	sdelay $0x4  }
0xb0: {  	v62 =	vshll.u32 v3, $0x1  }
0xb1: {  	v3 =	vand.u32 $0x7, v3;
	v4 =	vand.u32 $0xFFFFFFF0, v62  }
0xb2: {  	v3 =	vor.u32 v3, v4  }
0xb3: {  	v4 =	vperm.xlane v3, v0;
	_ =	sdelay $0x1  }
0xb4: {  	v3 =	vperm.xlane v3, v2;
	v4 =	vadd.s32 v1, v4;
	_ =	sdelay $0x1  }
0xb5: {  	v3 =	vadd.s32 v1, v3;
	_ =	sdelay $0x2  }
0xb6: {  	[tilespmem:s9], [sflag:$0x2] =	stream.indirect_vreg.gather [hbm4b:s3+s2], $0x80, v4, vm0, $0xb8;
	[tilespmem:$0x10800] =	vst v63  }
0xb7: {  	_ = 	snop  }
0xb8: {  	[tilespmem:s10], [sflag:$0x2] =	stream.indirect_vreg.gather [hbm4b:s3+s2], $0x80, v3, vm0, $0xb8;
	[tilespmem:$0x10800] =	vst v63  }
0xb9: {  	v3 =	vld [tilespmem:$0xF0];
	_ =	sdelay $0x4  }
0xba: {  	v63 =	vshll.u32 v3, $0x1  }
0xbb: {  	v3 =	vand.u32 $0x7, v3;
	v4 =	vand.u32 $0xFFFFFFF0, v63  }
0xbc: {  	v3 =	vor.u32 v3, v4  }
0xbd: {  	v4 =	vperm.xlane v3, v0;
	_ =	sdelay $0x1  }
0xbe: {  	v3 =	vperm.xlane v3, v2;
	v4 =	vadd.s32 v1, v4;
	_ =	sdelay $0x1  }
0xbf: {  	v3 =	vadd.s32 v1, v3;
	_ =	sdelay $0x2  }
0xc0: {  	[tilespmem:s11], [sflag:$0x2] =	stream.indirect_vreg.gather [hbm4b:s3+s2], $0x80, v4, vm0, $0xb8;
	[tilespmem:$0x10800] =	vst v63  }
0xc1: {  	s17 =	simm.s32 $0x1F0;
	s18 =	simm.s32 $0x0  }
0xc2: {  	[tilespmem:s12], [sflag:$0x2] =	stream.indirect_vreg.gather [hbm4b:s3+s2], $0x80, v3, vm0, $0xb8;
	[tilespmem:$0x10800] =	vst v63  }
.LBB2_2:
0xc3: {  	_ =	swait.ge [sflag:s13], $0x8000  }
0xc4: {  	p0 =	seq.s32 s18, $0xE000;
	[sflag:s13] =	ssyncset.done $0x0  }
.Ltmp2:
0xc5: {  	s19 =	sadd.s32 s18, s6;
	[sflag:s13] =	ssyncadd.s32 $0xFFFF8000;
	(pc) =	sbr.rel @p0 .LBB2_4-.Ltmp2, $4  }
0xc6: {  	[hbm4b:s19+s2] =	stream.linear.scatter [tilespmem:s8], [sflag:$0x3], $0x8000, $0x38;
	[tilespmem:$0x10800] =	vst v63  }
0xc7: {  	_ =	swait.ge [sflag:s14], $0x8000  }
0xc8: {  	[sflag:s14] =	ssyncset.done $0x0  }
0xc9: {  	[sflag:s14] =	ssyncadd.s32 $0xFFFF8000  }
0xca: {  	v3 =	vld [tilespmem:s17+$0xFFFFFF10];
	_ =	sdelay $0x4  }
0xcb: {  	v4 =	vshll.u32 v3, $0x1  }
0xcc: {  	v3 =	vand.u32 $0x7, v3;
	v4 =	vand.u32 $0xFFFFFFF0, v4  }
0xcd: {  	v3 =	vor.u32 v3, v4  }
0xce: {  	v4 =	vperm.xlane v3, v0;
	_ =	sdelay $0x1  }
0xcf: {  	v3 =	vperm.xlane v3, v2;
	v4 =	vadd.s32 v1, v4;
	_ =	sdelay $0x1  }
0xd0: {  	v3 =	vadd.s32 v1, v3;
	_ =	sdelay $0x2  }
0xd1: {  	[tilespmem:s8], [sflag:$0x1] =	stream.indirect_vreg.gather [hbm4b:s3+s2], $0x80, v4, vm0, $0xb8;
	[tilespmem:$0x10800] =	vst v63  }
0xd2: {  	s20 =	simm.s32 $0x1000  }
0xd3: {  	[tilespmem:s20], [sflag:$0x1] =	stream.indirect_vreg.gather [hbm4b:s3+s2], $0x80, v3, vm0, $0xb8;
	[tilespmem:$0x10800] =	vst v63  }
0xd4: {  	v3 =	vld [tilespmem:s17+$0xFFFFFF20];
	_ =	sdelay $0x4  }
0xd5: {  	v57 =	vshll.u32 v3, $0x1  }
0xd6: {  	v3 =	vand.u32 $0x7, v3;
	v4 =	vand.u32 $0xFFFFFFF0, v57  }
0xd7: {  	v3 =	vor.u32 v3, v4  }
0xd8: {  	v4 =	vperm.xlane v3, v0;
	_ =	sdelay $0x1  }
0xd9: {  	v3 =	vperm.xlane v3, v2;
	v4 =	vadd.s32 v1, v4;
	_ =	sdelay $0x1  }
0xda: {  	v3 =	vadd.s32 v1, v3;
	_ =	sdelay $0x1  }
0xdb: {  	s20 =	simm.s32 $0x1800  }
0xdc: {  	[tilespmem:s20], [sflag:$0x1] =	stream.indirect_vreg.gather [hbm4b:s3+s2], $0x80, v4, vm0, $0xb8;
	[tilespmem:$0x10800] =	vst v63  }
0xdd: {  	s20 =	simm.s32 $0x2000  }
0xde: {  	[tilespmem:s20], [sflag:$0x1] =	stream.indirect_vreg.gather [hbm4b:s3+s2], $0x80, v3, vm0, $0xb8;
	[tilespmem:$0x10800] =	vst v63  }
0xdf: {  	v3 =	vld [tilespmem:s17+$0xFFFFFF30];
	_ =	sdelay $0x4  }
0xe0: {  	v58 =	vshll.u32 v3, $0x1  }
0xe1: {  	v3 =	vand.u32 $0x7, v3;
	v4 =	vand.u32 $0xFFFFFFF0, v58  }
0xe2: {  	v3 =	vor.u32 v3, v4  }
0xe3: {  	v4 =	vperm.xlane v3, v0;
	_ =	sdelay $0x1  }
0xe4: {  	v3 =	vperm.xlane v3, v2;
	v4 =	vadd.s32 v1, v4;
	_ =	sdelay $0x1  }
0xe5: {  	v3 =	vadd.s32 v1, v3;
	_ =	sdelay $0x1  }
0xe6: {  	s20 =	simm.s32 $0x2800  }
0xe7: {  	[tilespmem:s20], [sflag:$0x1] =	stream.indirect_vreg.gather [hbm4b:s3+s2], $0x80, v4, vm0, $0xb8;
	[tilespmem:$0x10800] =	vst v63  }
0xe8: {  	s20 =	simm.s32 $0x3000  }
0xe9: {  	[tilespmem:s20], [sflag:$0x1] =	stream.indirect_vreg.gather [hbm4b:s3+s2], $0x80, v3, vm0, $0xb8;
	[tilespmem:$0x10800] =	vst v63  }
0xea: {  	v3 =	vld [tilespmem:s17+$0xFFFFFF40];
	_ =	sdelay $0x4  }
0xeb: {  	v59 =	vshll.u32 v3, $0x1  }
0xec: {  	v3 =	vand.u32 $0x7, v3;
	v4 =	vand.u32 $0xFFFFFFF0, v59  }
0xed: {  	v3 =	vor.u32 v3, v4  }
0xee: {  	v4 =	vperm.xlane v3, v0;
	_ =	sdelay $0x1  }
0xef: {  	v3 =	vperm.xlane v3, v2;
	v4 =	vadd.s32 v1, v4;
	_ =	sdelay $0x1  }
0xf0: {  	v3 =	vadd.s32 v1, v3;
	_ =	sdelay $0x1  }
0xf1: {  	s20 =	simm.s32 $0x3800  }
0xf2: {  	[tilespmem:s20], [sflag:$0x1] =	stream.indirect_vreg.gather [hbm4b:s3+s2], $0x80, v4, vm0, $0xb8;
	[tilespmem:$0x10800] =	vst v63  }
0xf3: {  	s20 =	simm.s32 $0x4000  }
0xf4: {  	[tilespmem:s20], [sflag:$0x1] =	stream.indirect_vreg.gather [hbm4b:s3+s2], $0x80, v3, vm0, $0xb8;
	[tilespmem:$0x10800] =	vst v63  }
0xf5: {  	v3 =	vld [tilespmem:s17+$0xFFFFFF50];
	_ =	sdelay $0x4  }
0xf6: {  	v60 =	vshll.u32 v3, $0x1  }
0xf7: {  	v3 =	vand.u32 $0x7, v3;
	v4 =	vand.u32 $0xFFFFFFF0, v60  }
0xf8: {  	v3 =	vor.u32 v3, v4  }
0xf9: {  	v4 =	vperm.xlane v3, v0;
	_ =	sdelay $0x1  }
0xfa: {  	v3 =	vperm.xlane v3, v2;
	v4 =	vadd.s32 v1, v4;
	_ =	sdelay $0x1  }
0xfb: {  	v3 =	vadd.s32 v1, v3;
	_ =	sdelay $0x1  }
0xfc: {  	s20 =	simm.s32 $0x4800  }
0xfd: {  	[tilespmem:s20], [sflag:$0x1] =	stream.indirect_vreg.gather [hbm4b:s3+s2], $0x80, v4, vm0, $0xb8;
	[tilespmem:$0x10800] =	vst v63  }
0xfe: {  	s20 =	simm.s32 $0x5000  }
0xff: {  	[tilespmem:s20], [sflag:$0x1] =	stream.indirect_vreg.gather [hbm4b:s3+s2], $0x80, v3, vm0, $0xb8;
	[tilespmem:$0x10800] =	vst v63  }
0x100: {  	v3 =	vld [tilespmem:s17+$0xFFFFFF60];
	_ =	sdelay $0x4  }
0x101: {  	v61 =	vshll.u32 v3, $0x1  }
0x102: {  	v3 =	vand.u32 $0x7, v3;
	v4 =	vand.u32 $0xFFFFFFF0, v61  }
0x103: {  	v3 =	vor.u32 v3, v4  }
0x104: {  	v4 =	vperm.xlane v3, v0;
	_ =	sdelay $0x1  }
0x105: {  	v3 =	vperm.xlane v3, v2;
	v4 =	vadd.s32 v1, v4;
	_ =	sdelay $0x1  }
0x106: {  	v3 =	vadd.s32 v1, v3;
	_ =	sdelay $0x1  }
0x107: {  	s20 =	simm.s32 $0x5800  }
0x108: {  	[tilespmem:s20], [sflag:$0x1] =	stream.indirect_vreg.gather [hbm4b:s3+s2], $0x80, v4, vm0, $0xb8;
	[tilespmem:$0x10800] =	vst v63  }
0x109: {  	s20 =	simm.s32 $0x6000  }
0x10a: {  	[tilespmem:s20], [sflag:$0x1] =	stream.indirect_vreg.gather [hbm4b:s3+s2], $0x80, v3, vm0, $0xb8;
	[tilespmem:$0x10800] =	vst v63  }
0x10b: {  	v3 =	vld [tilespmem:s17+$0xFFFFFF70];
	_ =	sdelay $0x4  }
0x10c: {  	v62 =	vshll.u32 v3, $0x1  }
0x10d: {  	v3 =	vand.u32 $0x7, v3;
	v4 =	vand.u32 $0xFFFFFFF0, v62  }
0x10e: {  	v3 =	vor.u32 v3, v4  }
0x10f: {  	v4 =	vperm.xlane v3, v0;
	_ =	sdelay $0x1  }
0x110: {  	v3 =	vperm.xlane v3, v2;
	v4 =	vadd.s32 v1, v4;
	_ =	sdelay $0x1  }
0x111: {  	v3 =	vadd.s32 v1, v3;
	_ =	sdelay $0x1  }
0x112: {  	s20 =	simm.s32 $0x6800  }
0x113: {  	[tilespmem:s20], [sflag:$0x1] =	stream.indirect_vreg.gather [hbm4b:s3+s2], $0x80, v4, vm0, $0xb8;
	[tilespmem:$0x10800] =	vst v63  }
0x114: {  	_ = 	snop  }
0x115: {  	[tilespmem:s21], [sflag:$0x1] =	stream.indirect_vreg.gather [hbm4b:s3+s2], $0x80, v3, vm0, $0xb8;
	[tilespmem:$0x10800] =	vst v63  }
0x116: {  	v3 =	vld [tilespmem:s17+$0xFFFFFF80];
	_ =	sdelay $0x4  }
0x117: {  	v63 =	vshll.u32 v3, $0x1  }
0x118: {  	v3 =	vand.u32 $0x7, v3;
	v4 =	vand.u32 $0xFFFFFFF0, v63  }
0x119: {  	v3 =	vor.u32 v3, v4  }
0x11a: {  	v4 =	vperm.xlane v3, v0;
	_ =	sdelay $0x1  }
0x11b: {  	v3 =	vperm.xlane v3, v2;
	v4 =	vadd.s32 v1, v4;
	_ =	sdelay $0x1  }
0x11c: {  	v3 =	vadd.s32 v1, v3;
	_ =	sdelay $0x2  }
0x11d: {  	[tilespmem:s22], [sflag:$0x1] =	stream.indirect_vreg.gather [hbm4b:s3+s2], $0x80, v4, vm0, $0xb8;
	[tilespmem:$0x10800] =	vst v63  }
0x11e: {  	_ = 	snop  }
0x11f: {  	[tilespmem:s23], [sflag:$0x1] =	stream.indirect_vreg.gather [hbm4b:s3+s2], $0x80, v3, vm0, $0xb8;
	[tilespmem:$0x10800] =	vst v63  }
.LBB2_4:
0x120: {  	_ =	swait.ge [sflag:s15], $0x8000  }
0x121: {  	[sflag:s15] =	ssyncset.done $0x0  }
.Ltmp3:
0x122: {  	s19 =	sadd.s32 $0x1000, s19;
	[sflag:s15] =	ssyncadd.s32 $0xFFFF8000;
	(pc) =	sbr.rel @p0 .LBB2_6-.Ltmp3, $4  }
0x123: {  	[hbm4b:s19+s2] =	stream.linear.scatter [tilespmem:s24], [sflag:$0x4], $0x8000, $0x38;
	[tilespmem:$0x10800] =	vst v63  }
0x124: {  	_ =	swait.ge [sflag:s16], $0x8000  }
0x125: {  	[sflag:s16] =	ssyncset.done $0x0  }
0x126: {  	[sflag:s16] =	ssyncadd.s32 $0xFFFF8000  }
0x127: {  	v3 =	vld [tilespmem:s17+$0xFFFFFF90];
	_ =	sdelay $0x4  }
0x128: {  	v4 =	vshll.u32 v3, $0x1  }
0x129: {  	v3 =	vand.u32 $0x7, v3;
	v4 =	vand.u32 $0xFFFFFFF0, v4  }
0x12a: {  	v3 =	vor.u32 v3, v4  }
0x12b: {  	v4 =	vperm.xlane v3, v0;
	_ =	sdelay $0x1  }
0x12c: {  	v3 =	vperm.xlane v3, v2;
	v4 =	vadd.s32 v1, v4;
	_ =	sdelay $0x1  }
0x12d: {  	v3 =	vadd.s32 v1, v3;
	_ =	sdelay $0x2  }
0x12e: {  	[tilespmem:s24], [sflag:$0x2] =	stream.indirect_vreg.gather [hbm4b:s3+s2], $0x80, v4, vm0, $0xb8;
	[tilespmem:$0x10800] =	vst v63  }
0x12f: {  	_ = 	snop  }
0x130: {  	[tilespmem:s25], [sflag:$0x2] =	stream.indirect_vreg.gather [hbm4b:s3+s2], $0x80, v3, vm0, $0xb8;
	[tilespmem:$0x10800] =	vst v63  }
0x131: {  	v3 =	vld [tilespmem:s17+$0xFFFFFFA0];
	_ =	sdelay $0x4  }
0x132: {  	v57 =	vshll.u32 v3, $0x1  }
0x133: {  	v3 =	vand.u32 $0x7, v3;
	v4 =	vand.u32 $0xFFFFFFF0, v57  }
0x134: {  	v3 =	vor.u32 v3, v4  }
0x135: {  	v4 =	vperm.xlane v3, v0;
	_ =	sdelay $0x1  }
0x136: {  	v3 =	vperm.xlane v3, v2;
	v4 =	vadd.s32 v1, v4;
	_ =	sdelay $0x1  }
0x137: {  	v3 =	vadd.s32 v1, v3;
	_ =	sdelay $0x2  }
0x138: {  	[tilespmem:s26], [sflag:$0x2] =	stream.indirect_vreg.gather [hbm4b:s3+s2], $0x80, v4, vm0, $0xb8;
	[tilespmem:$0x10800] =	vst v63  }
0x139: {  	_ = 	snop  }
0x13a: {  	[tilespmem:s28], [sflag:$0x2] =	stream.indirect_vreg.gather [hbm4b:s3+s2], $0x80, v3, vm0, $0xb8;
	[tilespmem:$0x10800] =	vst v63  }
0x13b: {  	v3 =	vld [tilespmem:s17+$0xFFFFFFB0];
	_ =	sdelay $0x4  }
0x13c: {  	v58 =	vshll.u32 v3, $0x1  }
0x13d: {  	v3 =	vand.u32 $0x7, v3;
	v4 =	vand.u32 $0xFFFFFFF0, v58  }
0x13e: {  	v3 =	vor.u32 v3, v4  }
0x13f: {  	v4 =	vperm.xlane v3, v0;
	_ =	sdelay $0x1  }
0x140: {  	v3 =	vperm.xlane v3, v2;
	v4 =	vadd.s32 v1, v4;
	_ =	sdelay $0x1  }
0x141: {  	v3 =	vadd.s32 v1, v3;
	_ =	sdelay $0x2  }
0x142: {  	[tilespmem:s29], [sflag:$0x2] =	stream.indirect_vreg.gather [hbm4b:s3+s2], $0x80, v4, vm0, $0xb8;
	[tilespmem:$0x10800] =	vst v63  }
0x143: {  	_ = 	snop  }
0x144: {  	[tilespmem:s30], [sflag:$0x2] =	stream.indirect_vreg.gather [hbm4b:s3+s2], $0x80, v3, vm0, $0xb8;
	[tilespmem:$0x10800] =	vst v63  }
0x145: {  	v3 =	vld [tilespmem:s17+$0xFFFFFFC0];
	_ =	sdelay $0x4  }
0x146: {  	v59 =	vshll.u32 v3, $0x1  }
0x147: {  	v3 =	vand.u32 $0x7, v3;
	v4 =	vand.u32 $0xFFFFFFF0, v59  }
0x148: {  	v3 =	vor.u32 v3, v4  }
0x149: {  	v4 =	vperm.xlane v3, v0;
	_ =	sdelay $0x1  }
0x14a: {  	v3 =	vperm.xlane v3, v2;
	v4 =	vadd.s32 v1, v4;
	_ =	sdelay $0x1  }
0x14b: {  	v3 =	vadd.s32 v1, v3;
	_ =	sdelay $0x2  }
0x14c: {  	[tilespmem:s31], [sflag:$0x2] =	stream.indirect_vreg.gather [hbm4b:s3+s2], $0x80, v4, vm0, $0xb8;
	[tilespmem:$0x10800] =	vst v63  }
0x14d: {  	_ = 	snop  }
0x14e: {  	[tilespmem:s0], [sflag:$0x2] =	stream.indirect_vreg.gather [hbm4b:s3+s2], $0x80, v3, vm0, $0xb8;
	[tilespmem:$0x10800] =	vst v63  }
0x14f: {  	v3 =	vld [tilespmem:s17+$0xFFFFFFD0];
	_ =	sdelay $0x4  }
0x150: {  	v60 =	vshll.u32 v3, $0x1  }
0x151: {  	v3 =	vand.u32 $0x7, v3;
	v4 =	vand.u32 $0xFFFFFFF0, v60  }
0x152: {  	v3 =	vor.u32 v3, v4  }
0x153: {  	v4 =	vperm.xlane v3, v0;
	_ =	sdelay $0x1  }
0x154: {  	v3 =	vperm.xlane v3, v2;
	v4 =	vadd.s32 v1, v4;
	_ =	sdelay $0x1  }
0x155: {  	v3 =	vadd.s32 v1, v3;
	_ =	sdelay $0x2  }
0x156: {  	[tilespmem:s1], [sflag:$0x2] =	stream.indirect_vreg.gather [hbm4b:s3+s2], $0x80, v4, vm0, $0xb8;
	[tilespmem:$0x10800] =	vst v63  }
0x157: {  	_ = 	snop  }
0x158: {  	[tilespmem:s4], [sflag:$0x2] =	stream.indirect_vreg.gather [hbm4b:s3+s2], $0x80, v3, vm0, $0xb8;
	[tilespmem:$0x10800] =	vst v63  }
0x159: {  	v3 =	vld [tilespmem:s17+$0xFFFFFFE0];
	_ =	sdelay $0x4  }
0x15a: {  	v61 =	vshll.u32 v3, $0x1  }
0x15b: {  	v3 =	vand.u32 $0x7, v3;
	v4 =	vand.u32 $0xFFFFFFF0, v61  }
0x15c: {  	v3 =	vor.u32 v3, v4  }
0x15d: {  	v4 =	vperm.xlane v3, v0;
	_ =	sdelay $0x1  }
0x15e: {  	v3 =	vperm.xlane v3, v2;
	v4 =	vadd.s32 v1, v4;
	_ =	sdelay $0x1  }
0x15f: {  	v3 =	vadd.s32 v1, v3;
	_ =	sdelay $0x2  }
0x160: {  	[tilespmem:s5], [sflag:$0x2] =	stream.indirect_vreg.gather [hbm4b:s3+s2], $0x80, v4, vm0, $0xb8;
	[tilespmem:$0x10800] =	vst v63  }
0x161: {  	_ = 	snop  }
0x162: {  	[tilespmem:s7], [sflag:$0x2] =	stream.indirect_vreg.gather [hbm4b:s3+s2], $0x80, v3, vm0, $0xb8;
	[tilespmem:$0x10800] =	vst v63  }
0x163: {  	v3 =	vld [tilespmem:s17+$0xFFFFFFF0];
	_ =	sdelay $0x4  }
0x164: {  	v62 =	vshll.u32 v3, $0x1  }
0x165: {  	v3 =	vand.u32 $0x7, v3;
	v4 =	vand.u32 $0xFFFFFFF0, v62  }
0x166: {  	v3 =	vor.u32 v3, v4  }
0x167: {  	v4 =	vperm.xlane v3, v0;
	_ =	sdelay $0x1  }
0x168: {  	v3 =	vperm.xlane v3, v2;
	v4 =	vadd.s32 v1, v4;
	_ =	sdelay $0x1  }
0x169: {  	v3 =	vadd.s32 v1, v3;
	_ =	sdelay $0x2  }
0x16a: {  	[tilespmem:s9], [sflag:$0x2] =	stream.indirect_vreg.gather [hbm4b:s3+s2], $0x80, v4, vm0, $0xb8;
	[tilespmem:$0x10800] =	vst v63  }
0x16b: {  	_ = 	snop  }
0x16c: {  	[tilespmem:s10], [sflag:$0x2] =	stream.indirect_vreg.gather [hbm4b:s3+s2], $0x80, v3, vm0, $0xb8;
	[tilespmem:$0x10800] =	vst v63  }
0x16d: {  	v3 =	vld [tilespmem:s17+$0x0];
	_ =	sdelay $0x4  }
0x16e: {  	v63 =	vshll.u32 v3, $0x1  }
0x16f: {  	v3 =	vand.u32 $0x7, v3;
	v4 =	vand.u32 $0xFFFFFFF0, v63  }
0x170: {  	v3 =	vor.u32 v3, v4  }
0x171: {  	v4 =	vperm.xlane v3, v0;
	_ =	sdelay $0x1  }
0x172: {  	v3 =	vperm.xlane v3, v2;
	v4 =	vadd.s32 v1, v4;
	_ =	sdelay $0x1  }
0x173: {  	v3 =	vadd.s32 v1, v3  }
.Ltmp4:
0x174: {  	_ = 	snop;
	(pc) =	sbr.rel .LBB2_2-.Ltmp4, $4  }
0x175: {  	_ = 	snop  }
0x176: {  	[tilespmem:s11], [sflag:$0x2] =	stream.indirect_vreg.gather [hbm4b:s3+s2], $0x80, v4, vm0, $0xb8;
	[tilespmem:$0x10800] =	vst v63  }
0x177: {  	s18 =	sadd.s32 $0x2000, s18;
	s17 =	sadd.s32 $0x100, s17  }
0x178: {  	[tilespmem:s12], [sflag:$0x2] =	stream.indirect_vreg.gather [hbm4b:s3+s2], $0x80, v3, vm0, $0xb8;
	[tilespmem:$0x10800] =	vst v63  }
.LBB2_7:
0x179: {  	_ =	sfence.sel $0x180000  }
0x17a: {  	[bflag:$0x0] =	sbarrier.arrive $0xFFFF  }
0x17b: {  	_ =	strace $0x90000047  }
0x17c: {  	s0 =	stileid.u32;
	[bflag:$0x2] =	sbarrier.arrive $0xFFFF  }
0x17d: {  	p0 =	sne.s32 s0, $0x0;
	s0 =	rddreg [dreg:$0x1]  }
0x17e: {  	s0 =	sadd.s32 @!p0 $0x100000, s0  }
0x17f: {  	[sflag:s0] =	ssyncadd.tile.s32 @!p0 $0x1;
	_ =	shalt  }
.Lfunc_end2:
_tile_overlayer_lowered:
.L_overlay_start_2:
0x180: {  	(tag) =	ssettag $0x2  }
0x181: {  	s0 =	rddreg [dreg:$0x0];
	s2 =	stileid.u32  }
0x182: {  	s1 =	rddreg [dreg:$0x1];
	p0 =	sne.s32 s2, $0x0  }
0x183: {  	s3 =	rddreg [dreg:$0x2];
	[bflag:$0x3] =	sbarrier.arrive $0xFFFF;
	s2 =	simm.s32 @!p0 $0x1C05  }
0x184: {  	[timem:s3], [sflag:s2] =	dma.local @!p0 [hbm:s0], s1  }
0x185: {  	s0 =	simm.s32 @!p0 $0x5  }
0x186: {  	_ =	swait.ge @!p0 [sflag:s0], s1  }
0x187: {  	s1 =	ssub.s32 @!p0 $0x0, s1;
	[sflag:s0] =	ssyncset.done @!p0 $0x0  }
0x188: {  	[sflag:s0] =	ssyncadd.s32 @!p0 s1  }
0x189: {  	[bflag:$0x3] =	sbarrier.arrive $0xFFFF  }
0x18a: {  	_ =	shalt  }

// kernel: kernel.9.cloned.1.call-start
scs
__scs_entry_jumppad:
0x0: {  	(pc) =	sbr.rel $0x88, $3  }
0x1: {  	(tag) =	ssettag $0x0;
	lr =	simm.s32 $0x1  }
0x2: {  	[smem:$0x3F91] =	sst lr;
	_ =	strace $0xD0000000  }
0x3: {  	_ = 	snop  }
0x4: {  	_ = 	snop  }
0x5: {  	_ = 	snop  }
0x6: {  	_ = 	snop  }
0x7: {  	_ = 	snop  }
__scs_overlays_trampoline_lowered:
0x8: {  	[smem:$0x3FA0] =	sst s0  }
0x9: {  	[smem:$0x3FA1] =	sst s1  }
0xa: {  	[smem:$0x3FA2] =	sst s2  }
0xb: {  	[smem:$0x3FA3] =	sst s3  }
0xc: {  	[smem:$0x3FA4] =	sst s4  }
0xd: {  	[smem:$0x3FA5] =	sst s5  }
0xe: {  	[smem:$0x3FA6] =	sst s6  }
0xf: {  	[smem:$0x3FA7] =	sst s7  }
0x10: {  	[smem:$0x3FA8] =	sst s8  }
0x11: {  	[smem:$0x3FA9] =	sst s9;
	s0 =	simm.s32 @!p0 $0x0  }
0x12: {  	s1 =	sld [smem:$0x3F8F];
	s0 =	simm.s32 @p0 $0x1  }
0x13: {  	[smem:$0x3FAA] =	sst s0;
	s0 =	simm.s32 @!p1 $0x0  }
0x14: {  	s2 =	sld [smem:$0x3F8E];
	s0 =	simm.s32 @p1 $0x1  }
0x15: {  	[smem:$0x3FAB] =	sst s0;
	s0 =	simm.s32 @!p2 $0x0  }
0x16: {  	s3 =	sld [smem:$0x3FDB];
	s0 =	simm.s32 @p2 $0x1  }
0x17: {  	s4 =	simm.s32 $0x1BF5;
	[smem:$0x3FAD] =	sst s0  }
0x18: {  	s0 =	sld [smem:$0x3F90];
	_ =	swait.ge [sflag:s4], $0x0  }
0x19: {  	s7 =	sld [smem:$0x3F91]  }
0x1a: {  	s8 =	sadd.s32 $0xFFFFE003, lr  }
0x1b: {  	s9 =	sadd.s32 $0xFFFFFEF7, lr;
	s5 =	simm.s32 $0xFFFFFFFF;
	p2 =	slt.u32 s8, $0xFFFFF086  }
0x1c: {  	p1 =	slt.u32 s9, $0xF7A;
	s5 =	simm.s32 @!p2 $0x0  }
0x1d: {  	s5 =	simm.s32 @p1 $0x1;
	p0 =	seq.s32 s7, s2  }
0x1e: {  	s7 =	smul.u32 @!p0 $0xF7A, s2;
	p2 =	seq.s32 @!p0 s5, $0x0  }
0x1f: {  	s9 =	smul.u32 $0xF7A, s1;
	s8 =	simm.s32 @!p0 $0x1BF5;
	p2 =	por !p2, p0  }
0x20: {  	[sflag:s8] =	ssyncset.s32 @!p0 $0xFFFFF086;
	s6 =	sadd.s32 @!p0 s3, s7;
	s7 =	simm.s32 @!p0 $0x108  }
0x21: {  	s3 =	sadd.s32 s3, s9;
	s6 =	sadd.s32 @!p0 $0x88, s6;
	s7 =	simm.s32 @p2 $0x1082  }
0x22: {  	[simem:s7], [sflag:s8] =	dma.local @!p0 [hbm:s6], $0xF7A  }
0x23: {  	s9 =	sor.u32 $0xD0000000, s2;
	s6 =	simm.s32 $0x108;
	_ =	swait.ge @!p0 [sflag:s8], $0x0  }
0x24: {  	s3 =	sadd.s32 $0x88, s3;
	s6 =	simm.s32 @!p1 $0x1082;
	[sflag:s4] =	ssyncset.s32 $0xFFFFF086  }
0x25: {  	[simem:s6], [sflag:s4] =	dma.local [hbm:s3], $0xF7A  }
0x26: {  	[smem:$0x3F91] =	sst s1;
	(tag) =	ssettag s2;
	_ =	strace s9  }
0x27: {  	s1 =	sld [smem:$0x3FA1]  }
0x28: {  	s2 =	sld [smem:$0x3FA2]  }
0x29: {  	s4 =	sld [smem:$0x3FA4]  }
0x2a: {  	p0 =	seq.s32 s5, $0x0;
	s5 =	sld [smem:$0x3FA5]  }
0x2b: {  	s6 =	sld [smem:$0x3FA6]  }
0x2c: {  	s7 =	sld [smem:$0x3FA7]  }
0x2d: {  	s3 =	simm.s32 $0x108;
	s8 =	sld [smem:$0x3FA8]  }
0x2e: {  	s3 =	simm.s32 @!p0 $0x1082;
	s9 =	sld [smem:$0x3FA9]  }
0x2f: {  	lr =	sadd.s32 s0, s3;
	s0 =	sld [smem:$0x3FA0]  }
0x30: {  	s3 =	sld [smem:$0x3FA3]  }
0x31: {  	[smem:$0x3FAC] =	sst s10  }
0x32: {  	s10 =	sld [smem:$0x3FAA];
	_ =	sdelay $0x3  }
0x33: {  	p0 =	seq.s32 s10, $0x1;
	s10 =	sld [smem:$0x3FAC];
	_ =	sdelay $0x3  }
0x34: {  	[smem:$0x3FAC] =	sst s10  }
0x35: {  	s10 =	sld [smem:$0x3FAB];
	_ =	sdelay $0x3  }
0x36: {  	p1 =	seq.s32 s10, $0x1;
	s10 =	sld [smem:$0x3FAC];
	_ =	sdelay $0x3  }
0x37: {  	[smem:$0x3FAC] =	sst s10  }
0x38: {  	s10 =	sld [smem:$0x3FAD]  }
0x39: {  	_ = 	snop;
	(pc) =	sbr.ind lr, $3  }
0x3a: {  	_ = 	snop  }
0x3b: {  	_ = 	snop  }
0x3c: {  	p2 =	seq.s32 s10, $0x1;
	s10 =	sld [smem:$0x3FAC]  }
0x3d: {  	_ =	shalt  }
0x3e: {  	_ =	shalt  }
0x3f: {  	_ =	shalt  }
0x40: {  	_ =	shalt  }
0x41: {  	_ =	shalt  }
0x42: {  	_ =	shalt  }
0x43: {  	_ =	shalt  }
0x44: {  	_ =	shalt  }
0x45: {  	_ =	shalt  }
0x46: {  	_ =	shalt  }
0x47: {  	_ =	shalt  }
0x48: {  	_ =	shalt  }
0x49: {  	_ =	shalt  }
0x4a: {  	_ =	shalt  }
0x4b: {  	_ =	shalt  }
0x4c: {  	_ =	shalt  }
0x4d: {  	_ =	shalt  }
0x4e: {  	_ =	shalt  }
0x4f: {  	_ =	shalt  }
0x50: {  	_ =	shalt  }
0x51: {  	_ =	shalt  }
0x52: {  	_ =	shalt  }
0x53: {  	_ =	shalt  }
0x54: {  	_ =	shalt  }
0x55: {  	_ =	shalt  }
0x56: {  	_ =	shalt  }
0x57: {  	_ =	shalt  }
0x58: {  	_ =	shalt  }
0x59: {  	_ =	shalt  }
0x5a: {  	_ =	shalt  }
0x5b: {  	_ =	shalt  }
0x5c: {  	_ =	shalt  }
0x5d: {  	_ =	shalt  }
0x5e: {  	_ =	shalt  }
0x5f: {  	_ =	shalt  }
0x60: {  	_ =	shalt  }
0x61: {  	_ =	shalt  }
0x62: {  	_ =	shalt  }
0x63: {  	_ =	shalt  }
0x64: {  	_ =	shalt  }
0x65: {  	_ =	shalt  }
0x66: {  	_ =	shalt  }
0x67: {  	_ =	shalt  }
0x68: {  	_ =	shalt  }
0x69: {  	_ =	shalt  }
0x6a: {  	_ =	shalt  }
0x6b: {  	_ =	shalt  }
0x6c: {  	_ =	shalt  }
0x6d: {  	_ =	shalt  }
0x6e: {  	_ =	shalt  }
0x6f: {  	_ =	shalt  }
0x70: {  	_ =	shalt  }
0x71: {  	_ =	shalt  }
0x72: {  	_ =	shalt  }
0x73: {  	_ =	shalt  }
0x74: {  	_ =	shalt  }
0x75: {  	_ =	shalt  }
0x76: {  	_ =	shalt  }
0x77: {  	_ =	shalt  }
0x78: {  	_ =	shalt  }
0x79: {  	_ =	shalt  }
0x7a: {  	_ =	shalt  }
0x7b: {  	_ =	shalt  }
0x7c: {  	_ =	shalt  }
0x7d: {  	_ =	shalt  }
0x7e: {  	_ =	shalt  }
0x7f: {  	_ =	shalt  }
0x80: {  	_ =	shalt  }
0x81: {  	_ =	shalt  }
0x82: {  	_ =	shalt  }
0x83: {  	_ =	shalt  }
0x84: {  	_ =	shalt  }
0x85: {  	_ =	shalt  }
0x86: {  	_ =	shalt  }
0x87: {  	_ =	shalt  }
.Lfunc_end0:
.L_simem_size_0:
called_computation_lowered:
.L_overlay_start_0:
0x88: {  	s2 =	sld [smem:$0x3FD9]  }
0x89: {  	s3 =	sld [smem:$0x3FFE];
	_ =	sdelay $0x1  }
0x8a: {  	s1 =	srdreg.scid  }
0x8b: {  	s0 =	sand.u32 $0x1, s1  }
0x8c: {  	s17 =	sshll.u32 s0, $0xA;
	s2 =	sadd.s32 s3, s2  }
0x8d: {  	s2 =	sadd.s32 s2, s17  }
0x8e: {  	[smem:$0x3FB8] =	sst s2  }
0x8f: {  	_ = 	snop  }
0x90: {  	(tm) =	ssettm $0x1  }
0x91: {  	s18 =	sld [smem:$0x3FFB];
	_ =	sdelay $0x3  }
0x92: {  	_ =	strace s18  }
0x93: {  	s2 =	sld [smem:$0x3FFC];
	_ =	sdelay $0x3  }
0x94: {  	_ =	strace s2  }
0x95: {  	s2 =	sld [smem:$0x3FFD];
	_ =	sdelay $0x3  }
0x96: {  	_ =	strace s2  }
0x97: {  	_ =	strace $0x8FFFFFFF  }
0x98: {  	s19 =	sld [smem:$0x3FDB];
	_ =	sdelay $0x1  }
0x99: {  	s20 =	simm.s32 $_scs_section_size  }
0x9a: {  	s4 =	simm.s32 $_size__tile_overlayer_lowered;
	s5 =	simm.s32 $_tile_overlayer_lowered  }
0x9b: {  	s6 =	simm.s32 $0x1BFF;
	s21 =	sshll.u32 s5, $0x1;
	s3 =	sadd.s32 s20, s19  }
0x9c: {  	s22 =	simm.s32 $0x0;
	s4 =	sshll.u32 s4, $0x1;
	s5 =	sadd.s32 s21, s3  }
0x9d: {  	[timem:s22], [sflag:s6] =	dma.local [hbm:s5], s4  }
0x9e: {  	_ =	swait.ge [sflag:s6], s4  }
0x9f: {  	s4 =	ssub.s32 $0x0, s4;
	[sflag:s6] =	ssyncset.done $0x0  }
0xa0: {  	[sflag:s6] =	ssyncadd.s32 s4;
	_ =	sdelay $0x1  }
0xa1: {  	s23 =	simm.s32 $0x1B8B  }
0xa2: {  	_ =	swait.ge [sflag:s23], $0x1  }
0xa3: {  	[sflag:s23] =	ssyncset.done $0x0  }
0xa4: {  	[sflag:s23] =	ssyncadd.s32 $0xFFFFFFFF  }
0xa5: {  	s4 =	sld [smem:$0x0]  }
0xa6: {  	s5 =	sand.u32 $0xFFFFFFFE, s1  }
0xa7: {  	p0 =	sne.s32 s1, s5  }
0xa8: {  	s5 =	sshll.u32 @p0 s5, $0xE  }
0xa9: {  	s5 =	sadd.s32 @p0 $0x11B8D, s5;
	s6 =	sshll.u32 @p0 s4, $0x11  }
0xaa: {  	s5 =	sor.u32 @p0 s6, s5  }
0xab: {  	[sflag:s5] =	ssyncadd.remote.s32 @p0 $0x1;
	_ =	sdelay $0x1  }
0xac: {  	s5 =	simm.s32 @p0 $0x1B8D  }
0xad: {  	_ =	swait.eq @p0 [sflag:s5], $0x1  }
0xae: {  	[sflag:s5] =	ssyncadd.s32 @p0 $0xFFFFFFFF  }
0xaf: {  	s6 =	sshll.u32 @!p0 s1, $0xE  }
0xb0: {  	s6 =	sor.u32 @!p0 $0x4000, s6;
	s5 =	simm.s32 @!p0 $0x1B8D  }
0xb1: {  	s4 =	sshll.u32 @!p0 s4, $0x11;
	s6 =	sadd.s32 @!p0 $0x11B8D, s6;
	_ =	swait.eq @!p0 [sflag:s5], $0x1  }
0xb2: {  	s4 =	sor.u32 @!p0 s4, s6;
	[sflag:s5] =	ssyncadd.s32 @!p0 $0xFFFFFFFF  }
0xb3: {  	s25 =	simm.s32 $0x1B8E;
	s24 =	sld [smem:$0x3FFE];
	[sflag:s4] =	ssyncadd.remote.s32 @!p0 $0x1  }
0xb4: {  	s26 =	simm.s32 $execute0_lowered;
	[smem:$0x3FD2] =	sst s25  }
0xb5: {  	s5 =	sshll.u32 s26, $0x1;
	_ =	strace $0x80000049;
	[dreg:$0x1] =	wrdreg $0xFFFFFFFF  }
0xb6: {  	s28 =	simm.s32 $_size_execute0_lowered;
	s3 =	sadd.s32 s3, s5;
	[dreg:$0x0] =	wrdreg $0x0  }
0xb7: {  	s5 =	sshll.u32 s28, $0x1;
	[dreg:$0x2] =	wrdreg s3  }
0xb8: {  	[dreg:$0x3] =	wrdreg s5  }
0xb9: {  	[dreg:$0x4] =	wrdreg $0xC0  }
0xba: {  	_ =	task [dreg:s22], $0x5FFFF  }
0xbb: {  	[dreg:$0x1] =	wrdreg $0xFFFFFFFF  }
0xbc: {  	[dreg:$0x0] =	wrdreg $0x60  }
0xbd: {  	[dreg:$0x2] =	wrdreg s24  }
0xbe: {  	[dreg:$0x3] =	wrdreg $0x9  }
0xbf: {  	_ =	task.clear_ibuf [dreg:s22], $0x4FFFF;
	_ =	strace $0x90000049  }
0xc0: {  	s29 =	simm.s32 $0x9;
	_ =	strace $0x8000004B  }
0xc1: {  	_ =	swait.ge [sflag:s29], $0x1  }
0xc2: {  	[sflag:s29] =	ssyncadd.s32 $0xFFFFFFFF  }
0xc3: {  	_ =	strace $0x9000004B  }
0xc4: {  	_ =	sfence  }
0xc5: {  	s30 =	sld [smem:$0x0];
	_ =	sdelay $0x2  }
0xc6: {  	s31 =	sshll.u32 s1, $0xD;
	s1 =	sshrl.u32 s1, $0x2  }
0xc7: {  	s4 =	sand.u32 $0x4000, s31;
	s1 =	sadd.s32 s1, s30  }
0xc8: {  	s0 =	sor.u32 s4, s0;
	s1 =	sshll.u32 s1, $0x11  }
0xc9: {  	s0 =	sor.u32 s1, s0  }
0xca: {  	s0 =	sadd.s32 $0x8F2B, s0  }
0xcb: {  	[sflag:s0] =	ssyncadd.remote.s32 $0x1  }
0xcc: {  	_ =	sfence.sel $0xFFFF  }
0xcd: {  	[dreg:$0x0] =	wrdreg $0xFFFFFFFF;
	(pc) =	sbr.abs _section_cstart, $3  }
0xce: {  	[dreg:$0x1] =	wrdreg $0xFFFFFFFF  }
0xcf: {  	_ =	task.clear_ibuf [dreg:s22], $0x2FFFF;
	_ =	strace $0x9FFFFFFF  }
0xd0: {  	(tm) =	ssettm $0x7FFFFFFF  }
0xd1: {  	_ =	shalt  }
tec
execute0_lowered:
.L_overlay_start_1:
0x0: {  	(tag) =	ssettag $0x1  }
0x1: {  	s0 =	rddreg [dreg:$0x0];
	s2 =	simm.s32 $0x0  }
0x2: {  	s1 =	srdreg.scid;
	s6 =	stileid.u32;
	s8 =	simm.s32 $0x800  }
0x3: {  	s21 =	simm.s32 $0x7000;
	s22 =	simm.s32 $0x7800;
	s23 =	simm.s32 $0x8000  }
0x4: {  	s24 =	simm.s32 $0x8800;
	s28 =	simm.s32 $0xA000;
	s29 =	simm.s32 $0xA800  }
0x5: {  	s30 =	simm.s32 $0xB000;
	s31 =	simm.s32 $0xB800;
	s9 =	simm.s32 $0xE800  }
0x6: {  	s10 =	simm.s32 $0xF000;
	s11 =	simm.s32 $0xF800;
	s12 =	simm.s32 $0x10000  }
0x7: {  	s13 =	simm.s32 $0x1;
	s14 =	simm.s32 $0x3;
	s15 =	simm.s32 $0x2  }
0x8: {  	s16 =	simm.s32 $0x4;
	s18 =	simm.s32 $0x0;
	[smem:$0x7FF] =	sst s2  }
0x9: {  	s1 =	sand.u32 $0x1, s1;
	s4 =	sshll.u32 s6, $0x9;
	s3 =	sadd.s32 $0x3000, s0  }
0xa: {  	s6 =	sshll.u32 s6, $0x11;
	_ =	strace $0x8000004A;
	s5 =	sshll.u32 s1, $0x8  }
0xb: {  	s25 =	ssub.s32 $0x2, s1;
	s1 =	sshll.u32 s1, $0x10;
	s4 =	sor.u32 s5, s4  }
0xc: {  	s7 =	sshrl.u32 s25, $0x1;
	s4 =	sadd.s32 s4, s0;
	s0 =	sadd.s32 s6, s0  }
.Ltmp0:
0xd: {  	s5 =	ssub.s32 s25, s7;
	s25 =	simm.s32 $0x9000;
	(pc) =	sbr.rel .LBB2_1-.Ltmp0, $4  }
0xe: {  	s7 =	simm.s32 $0xE000;
	s4 =	sadd.s32 $0x245000, s4;
	s26 =	smax.u32 s5, $0x1  }
0xf: {  	v2 =	vlaneseq.u32;
	s0 =	sadd.s32 s1, s0;
	s1 =	simm.s32 $0xC800;
	[dreg:$0x2] =	wrdreg s4  }
0x10: {  	vm0 =	vmmov $0xffff;
	v1 =	vshrl.u32 v2, $0x3;
	s5 =	simm.s32 $0xD800;
	[dreg:$0x3] =	wrdreg s26;
	s6 =	sadd.s32 $0x247000, s0  }
0x11: {  	v0 =	vand.u32 $0x7, v2;
	v2 =	vor.u32 $0x8, v2;
	v1 =	vmul.u32 $0x8, v1;
	s26 =	simm.s32 $0x9800;
	s0 =	simm.s32 $0xC000;
	s4 =	simm.s32 $0xD000  }
.LBB2_6:
0x12: {  	s18 =	rddreg [dreg:$0x4]  }
0x13: {  	s17 =	rddreg [dreg:$0x3];
	s18 =	sadd.s32 $0x1, s18  }
0x14: {  	p0 =	sne.s32 s18, s17  }
.Ltmp1:
0x15: {  	_ = 	snop;
	(pc) =	sbr.rel @!p0 .LBB2_7-.Ltmp1, $1  }
0x16: {  	_ =	sdelay $0x3  }
.LBB2_1:
0x17: {  	[dreg:$0x4] =	wrdreg s18  }
0x18: {  	s17 =	rddreg [dreg:$0x2];
	s20 =	simm.s32 $0x5  }
0x19: {  	[tilespmem:s2], [sflag:$0x5] =	stream.linear.gather [hbm4b:s17+s2], $0x800, $0x38;
	[tilespmem:$0x10800] =	vst v63  }
0x1a: {  	_ =	swait.ge [sflag:s20], $0x800  }
0x1b: {  	[sflag:s20] =	ssyncset.done $0x0  }
0x1c: {  	[sflag:s20] =	ssyncadd.s32 $0xFFFFF800  }
0x1d: {  	v3 =	vld [tilespmem:$0x0];
	_ =	sdelay $0x4  }
0x1e: {  	v4 =	vshll.u32 v3, $0x1  }
0x1f: {  	v3 =	vand.u32 $0x7, v3;
	v4 =	vand.u32 $0xFFFFFFF0, v4  }
0x20: {  	v3 =	vor.u32 v3, v4  }
0x21: {  	v4 =	vperm.xlane v3, v0;
	_ =	sdelay $0x1  }
0x22: {  	v3 =	vperm.xlane v3, v2;
	v4 =	vadd.s32 v1, v4;
	_ =	sdelay $0x1  }
0x23: {  	v3 =	vadd.s32 v1, v3;
	_ =	sdelay $0x2  }
0x24: {  	[tilespmem:s8], [sflag:$0x1] =	stream.indirect_vreg.gather [hbm4b:s3+s2], $0x80, v4, vm0, $0xb8;
	[tilespmem:$0x10800] =	vst v63  }
0x25: {  	s18 =	simm.s32 $0x1000  }
0x26: {  	[tilespmem:s18], [sflag:$0x1] =	stream.indirect_vreg.gather [hbm4b:s3+s2], $0x80, v3, vm0, $0xb8;
	[tilespmem:$0x10800] =	vst v63  }
0x27: {  	v3 =	vld [tilespmem:$0x10];
	_ =	sdelay $0x4  }
0x28: {  	v49 =	vshll.u32 v3, $0x1  }
0x29: {  	v3 =	vand.u32 $0x7, v3;
	v4 =	vand.u32 $0xFFFFFFF0, v49  }
0x2a: {  	v3 =	vor.u32 v3, v4  }
0x2b: {  	v4 =	vperm.xlane v3, v0;
	_ =	sdelay $0x1  }
0x2c: {  	v3 =	vperm.xlane v3, v2;
	v4 =	vadd.s32 v1, v4;
	_ =	sdelay $0x1  }
0x2d: {  	v3 =	vadd.s32 v1, v3;
	_ =	sdelay $0x1  }
0x2e: {  	s19 =	simm.s32 $0x1800  }
0x2f: {  	[tilespmem:s19], [sflag:$0x1] =	stream.indirect_vreg.gather [hbm4b:s3+s2], $0x80, v4, vm0, $0xb8;
	[tilespmem:$0x10800] =	vst v63  }
0x30: {  	s20 =	simm.s32 $0x2000  }
0x31: {  	[tilespmem:s20], [sflag:$0x1] =	stream.indirect_vreg.gather [hbm4b:s3+s2], $0x80, v3, vm0, $0xb8;
	[tilespmem:$0x10800] =	vst v63  }
0x32: {  	v3 =	vld [tilespmem:$0x20];
	_ =	sdelay $0x4  }
0x33: {  	v50 =	vshll.u32 v3, $0x1  }
0x34: {  	v3 =	vand.u32 $0x7, v3;
	v4 =	vand.u32 $0xFFFFFFF0, v50  }
0x35: {  	v3 =	vor.u32 v3, v4  }
0x36: {  	v4 =	vperm.xlane v3, v0;
	_ =	sdelay $0x1  }
0x37: {  	v3 =	vperm.xlane v3, v2;
	v4 =	vadd.s32 v1, v4;
	_ =	sdelay $0x1  }
0x38: {  	v3 =	vadd.s32 v1, v3;
	_ =	sdelay $0x1  }
0x39: {  	s18 =	simm.s32 $0x2800  }
0x3a: {  	[tilespmem:s18], [sflag:$0x1] =	stream.indirect_vreg.gather [hbm4b:s3+s2], $0x80, v4, vm0, $0xb8;
	[tilespmem:$0x10800] =	vst v63  }
0x3b: {  	s19 =	simm.s32 $0x3000  }
0x3c: {  	[tilespmem:s19], [sflag:$0x1] =	stream.indirect_vreg.gather [hbm4b:s3+s2], $0x80, v3, vm0, $0xb8;
	[tilespmem:$0x10800] =	vst v63  }
0x3d: {  	v3 =	vld [tilespmem:$0x30];
	_ =	sdelay $0x4  }
0x3e: {  	v51 =	vshll.u32 v3, $0x1  }
0x3f: {  	v3 =	vand.u32 $0x7, v3;
	v4 =	vand.u32 $0xFFFFFFF0, v51  }
0x40: {  	v3 =	vor.u32 v3, v4  }
0x41: {  	v4 =	vperm.xlane v3, v0;
	_ =	sdelay $0x1  }
0x42: {  	v3 =	vperm.xlane v3, v2;
	v4 =	vadd.s32 v1, v4;
	_ =	sdelay $0x1  }
0x43: {  	v3 =	vadd.s32 v1, v3;
	_ =	sdelay $0x1  }
0x44: {  	s20 =	simm.s32 $0x3800  }
0x45: {  	[tilespmem:s20], [sflag:$0x1] =	stream.indirect_vreg.gather [hbm4b:s3+s2], $0x80, v4, vm0, $0xb8;
	[tilespmem:$0x10800] =	vst v63  }
0x46: {  	s18 =	simm.s32 $0x4000  }
0x47: {  	[tilespmem:s18], [sflag:$0x1] =	stream.indirect_vreg.gather [hbm4b:s3+s2], $0x80, v3, vm0, $0xb8;
	[tilespmem:$0x10800] =	vst v63  }
0x48: {  	v3 =	vld [tilespmem:$0x40];
	_ =	sdelay $0x4  }
0x49: {  	v52 =	vshll.u32 v3, $0x1  }
0x4a: {  	v3 =	vand.u32 $0x7, v3;
	v4 =	vand.u32 $0xFFFFFFF0, v52  }
0x4b: {  	v3 =	vor.u32 v3, v4  }
0x4c: {  	v4 =	vperm.xlane v3, v0;
	_ =	sdelay $0x1  }
0x4d: {  	v3 =	vperm.xlane v3, v2;
	v4 =	vadd.s32 v1, v4;
	_ =	sdelay $0x1  }
0x4e: {  	v3 =	vadd.s32 v1, v3;
	_ =	sdelay $0x1  }
0x4f: {  	s19 =	simm.s32 $0x4800  }
0x50: {  	[tilespmem:s19], [sflag:$0x1] =	stream.indirect_vreg.gather [hbm4b:s3+s2], $0x80, v4, vm0, $0xb8;
	[tilespmem:$0x10800] =	vst v63  }
0x51: {  	s20 =	simm.s32 $0x5000  }
0x52: {  	[tilespmem:s20], [sflag:$0x1] =	stream.indirect_vreg.gather [hbm4b:s3+s2], $0x80, v3, vm0, $0xb8;
	[tilespmem:$0x10800] =	vst v63  }
0x53: {  	v3 =	vld [tilespmem:$0x50];
	_ =	sdelay $0x4  }
0x54: {  	v53 =	vshll.u32 v3, $0x1  }
0x55: {  	v3 =	vand.u32 $0x7, v3;
	v4 =	vand.u32 $0xFFFFFFF0, v53  }
0x56: {  	v3 =	vor.u32 v3, v4  }
0x57: {  	v4 =	vperm.xlane v3, v0;
	_ =	sdelay $0x1  }
0x58: {  	v3 =	vperm.xlane v3, v2;
	v4 =	vadd.s32 v1, v4;
	_ =	sdelay $0x1  }
0x59: {  	v3 =	vadd.s32 v1, v3;
	_ =	sdelay $0x1  }
0x5a: {  	s18 =	simm.s32 $0x5800  }
0x5b: {  	[tilespmem:s18], [sflag:$0x1] =	stream.indirect_vreg.gather [hbm4b:s3+s2], $0x80, v4, vm0, $0xb8;
	[tilespmem:$0x10800] =	vst v63  }
0x5c: {  	s19 =	simm.s32 $0x6000  }
0x5d: {  	[tilespmem:s19], [sflag:$0x1] =	stream.indirect_vreg.gather [hbm4b:s3+s2], $0x80, v3, vm0, $0xb8;
	[tilespmem:$0x10800] =	vst v63  }
0x5e: {  	v3 =	vld [tilespmem:$0x60];
	_ =	sdelay $0x4  }
0x5f: {  	v54 =	vshll.u32 v3, $0x1  }
0x60: {  	v3 =	vand.u32 $0x7, v3;
	v4 =	vand.u32 $0xFFFFFFF0, v54  }
0x61: {  	v3 =	vor.u32 v3, v4  }
0x62: {  	v4 =	vperm.xlane v3, v0;
	_ =	sdelay $0x1  }
0x63: {  	v3 =	vperm.xlane v3, v2;
	v4 =	vadd.s32 v1, v4;
	_ =	sdelay $0x1  }
0x64: {  	v3 =	vadd.s32 v1, v3;
	_ =	sdelay $0x1  }
0x65: {  	s20 =	simm.s32 $0x6800  }
0x66: {  	[tilespmem:s20], [sflag:$0x1] =	stream.indirect_vreg.gather [hbm4b:s3+s2], $0x80, v4, vm0, $0xb8;
	[tilespmem:$0x10800] =	vst v63  }
0x67: {  	_ = 	snop  }
0x68: {  	[tilespmem:s21], [sflag:$0x1] =	stream.indirect_vreg.gather [hbm4b:s3+s2], $0x80, v3, vm0, $0xb8;
	[tilespmem:$0x10800] =	vst v63  }
0x69: {  	v3 =	vld [tilespmem:$0x70];
	_ =	sdelay $0x4  }
0x6a: {  	v55 =	vshll.u32 v3, $0x1  }
0x6b: {  	v3 =	vand.u32 $0x7, v3;
	v4 =	vand.u32 $0xFFFFFFF0, v55  }
0x6c: {  	v3 =	vor.u32 v3, v4  }
0x6d: {  	v4 =	vperm.xlane v3, v0;
	_ =	sdelay $0x1  }
0x6e: {  	v3 =	vperm.xlane v3, v2;
	v4 =	vadd.s32 v1, v4;
	_ =	sdelay $0x1  }
0x6f: {  	v3 =	vadd.s32 v1, v3;
	_ =	sdelay $0x2  }
0x70: {  	[tilespmem:s22], [sflag:$0x1] =	stream.indirect_vreg.gather [hbm4b:s3+s2], $0x80, v4, vm0, $0xb8;
	[tilespmem:$0x10800] =	vst v63  }
0x71: {  	_ = 	snop  }
0x72: {  	[tilespmem:s23], [sflag:$0x1] =	stream.indirect_vreg.gather [hbm4b:s3+s2], $0x80, v3, vm0, $0xb8;
	[tilespmem:$0x10800] =	vst v63  }
0x73: {  	v3 =	vld [tilespmem:$0x80];
	_ =	sdelay $0x4  }
0x74: {  	v56 =	vshll.u32 v3, $0x1  }
0x75: {  	v3 =	vand.u32 $0x7, v3;
	v4 =	vand.u32 $0xFFFFFFF0, v56  }
0x76: {  	v3 =	vor.u32 v3, v4  }
0x77: {  	v4 =	vperm.xlane v3, v0;
	_ =	sdelay $0x1  }
0x78: {  	v3 =	vperm.xlane v3, v2;
	v4 =	vadd.s32 v1, v4;
	_ =	sdelay $0x1  }
0x79: {  	v3 =	vadd.s32 v1, v3;
	_ =	sdelay $0x2  }
0x7a: {  	[tilespmem:s24], [sflag:$0x2] =	stream.indirect_vreg.gather [hbm4b:s3+s2], $0x80, v4, vm0, $0xb8;
	[tilespmem:$0x10800] =	vst v63  }
0x7b: {  	_ = 	snop  }
0x7c: {  	[tilespmem:s25], [sflag:$0x2] =	stream.indirect_vreg.gather [hbm4b:s3+s2], $0x80, v3, vm0, $0xb8;
	[tilespmem:$0x10800] =	vst v63  }
0x7d: {  	v3 =	vld [tilespmem:$0x90];
	_ =	sdelay $0x4  }
0x7e: {  	v57 =	vshll.u32 v3, $0x1  }
0x7f: {  	v3 =	vand.u32 $0x7, v3;
	v4 =	vand.u32 $0xFFFFFFF0, v57  }
0x80: {  	v3 =	vor.u32 v3, v4  }
0x81: {  	v4 =	vperm.xlane v3, v0;
	_ =	sdelay $0x1  }
0x82: {  	v3 =	vperm.xlane v3, v2;
	v4 =	vadd.s32 v1, v4;
	_ =	sdelay $0x1  }
0x83: {  	v3 =	vadd.s32 v1, v3;
	_ =	sdelay $0x2  }
0x84: {  	[tilespmem:s26], [sflag:$0x2] =	stream.indirect_vreg.gather [hbm4b:s3+s2], $0x80, v4, vm0, $0xb8;
	[tilespmem:$0x10800] =	vst v63  }
0x85: {  	_ = 	snop  }
0x86: {  	[tilespmem:s28], [sflag:$0x2] =	stream.indirect_vreg.gather [hbm4b:s3+s2], $0x80, v3, vm0, $0xb8;
	[tilespmem:$0x10800] =	vst v63  }
0x87: {  	v3 =	vld [tilespmem:$0xA0];
	_ =	sdelay $0x4  }
0x88: {  	v58 =	vshll.u32 v3, $0x1  }
0x89: {  	v3 =	vand.u32 $0x7, v3;
	v4 =	vand.u32 $0xFFFFFFF0, v58  }
0x8a: {  	v3 =	vor.u32 v3, v4  }
0x8b: {  	v4 =	vperm.xlane v3, v0;
	_ =	sdelay $0x1  }
0x8c: {  	v3 =	vperm.xlane v3, v2;
	v4 =	vadd.s32 v1, v4;
	_ =	sdelay $0x1  }
0x8d: {  	v3 =	vadd.s32 v1, v3;
	_ =	sdelay $0x2  }
0x8e: {  	[tilespmem:s29], [sflag:$0x2] =	stream.indirect_vreg.gather [hbm4b:s3+s2], $0x80, v4, vm0, $0xb8;
	[tilespmem:$0x10800] =	vst v63  }
0x8f: {  	_ = 	snop  }
0x90: {  	[tilespmem:s30], [sflag:$0x2] =	stream.indirect_vreg.gather [hbm4b:s3+s2], $0x80, v3, vm0, $0xb8;
	[tilespmem:$0x10800] =	vst v63  }
0x91: {  	v3 =	vld [tilespmem:$0xB0];
	_ =	sdelay $0x4  }
0x92: {  	v59 =	vshll.u32 v3, $0x1  }
0x93: {  	v3 =	vand.u32 $0x7, v3;
	v4 =	vand.u32 $0xFFFFFFF0, v59  }
0x94: {  	v3 =	vor.u32 v3, v4  }
0x95: {  	v4 =	vperm.xlane v3, v0;
	_ =	sdelay $0x1  }
0x96: {  	v3 =	vperm.xlane v3, v2;
	v4 =	vadd.s32 v1, v4;
	_ =	sdelay $0x1  }
0x97: {  	v3 =	vadd.s32 v1, v3;
	_ =	sdelay $0x2  }
0x98: {  	[tilespmem:s31], [sflag:$0x2] =	stream.indirect_vreg.gather [hbm4b:s3+s2], $0x80, v4, vm0, $0xb8;
	[tilespmem:$0x10800] =	vst v63  }
0x99: {  	_ = 	snop  }
0x9a: {  	[tilespmem:s0], [sflag:$0x2] =	stream.indirect_vreg.gather [hbm4b:s3+s2], $0x80, v3, vm0, $0xb8;
	[tilespmem:$0x10800] =	vst v63  }
0x9b: {  	v3 =	vld [tilespmem:$0xC0];
	_ =	sdelay $0x4  }
0x9c: {  	v60 =	vshll.u32 v3, $0x1  }
0x9d: {  	v3 =	vand.u32 $0x7, v3;
	v4 =	vand.u32 $0xFFFFFFF0, v60  }
0x9e: {  	v3 =	vor.u32 v3, v4  }
0x9f: {  	v4 =	vperm.xlane v3, v0;
	_ =	sdelay $0x1  }
0xa0: {  	v3 =	vperm.xlane v3, v2;
	v4 =	vadd.s32 v1, v4;
	_ =	sdelay $0x1  }
0xa1: {  	v3 =	vadd.s32 v1, v3;
	_ =	sdelay $0x2  }
0xa2: {  	[tilespmem:s1], [sflag:$0x2] =	stream.indirect_vreg.gather [hbm4b:s3+s2], $0x80, v4, vm0, $0xb8;
	[tilespmem:$0x10800] =	vst v63  }
0xa3: {  	_ = 	snop  }
0xa4: {  	[tilespmem:s4], [sflag:$0x2] =	stream.indirect_vreg.gather [hbm4b:s3+s2], $0x80, v3, vm0, $0xb8;
	[tilespmem:$0x10800] =	vst v63  }
0xa5: {  	v3 =	vld [tilespmem:$0xD0];
	_ =	sdelay $0x4  }
0xa6: {  	v61 =	vshll.u32 v3, $0x1  }
0xa7: {  	v3 =	vand.u32 $0x7, v3;
	v4 =	vand.u32 $0xFFFFFFF0, v61  }
0xa8: {  	v3 =	vor.u32 v3, v4  }
0xa9: {  	v4 =	vperm.xlane v3, v0;
	_ =	sdelay $0x1  }
0xaa: {  	v3 =	vperm.xlane v3, v2;
	v4 =	vadd.s32 v1, v4;
	_ =	sdelay $0x1  }
0xab: {  	v3 =	vadd.s32 v1, v3;
	_ =	sdelay $0x2  }
0xac: {  	[tilespmem:s5], [sflag:$0x2] =	stream.indirect_vreg.gather [hbm4b:s3+s2], $0x80, v4, vm0, $0xb8;
	[tilespmem:$0x10800] =	vst v63  }
0xad: {  	_ = 	snop  }
0xae: {  	[tilespmem:s7], [sflag:$0x2] =	stream.indirect_vreg.gather [hbm4b:s3+s2], $0x80, v3, vm0, $0xb8;
	[tilespmem:$0x10800] =	vst v63  }
0xaf: {  	v3 =	vld [tilespmem:$0xE0];
	_ =	sdelay $0x4  }
0xb0: {  	v62 =	vshll.u32 v3, $0x1  }
0xb1: {  	v3 =	vand.u32 $0x7, v3;
	v4 =	vand.u32 $0xFFFFFFF0, v62  }
0xb2: {  	v3 =	vor.u32 v3, v4  }
0xb3: {  	v4 =	vperm.xlane v3, v0;
	_ =	sdelay $0x1  }
0xb4: {  	v3 =	vperm.xlane v3, v2;
	v4 =	vadd.s32 v1, v4;
	_ =	sdelay $0x1  }
0xb5: {  	v3 =	vadd.s32 v1, v3;
	_ =	sdelay $0x2  }
0xb6: {  	[tilespmem:s9], [sflag:$0x2] =	stream.indirect_vreg.gather [hbm4b:s3+s2], $0x80, v4, vm0, $0xb8;
	[tilespmem:$0x10800] =	vst v63  }
0xb7: {  	_ = 	snop  }
0xb8: {  	[tilespmem:s10], [sflag:$0x2] =	stream.indirect_vreg.gather [hbm4b:s3+s2], $0x80, v3, vm0, $0xb8;
	[tilespmem:$0x10800] =	vst v63  }
0xb9: {  	v3 =	vld [tilespmem:$0xF0];
	_ =	sdelay $0x4  }
0xba: {  	v63 =	vshll.u32 v3, $0x1  }
0xbb: {  	v3 =	vand.u32 $0x7, v3;
	v4 =	vand.u32 $0xFFFFFFF0, v63  }
0xbc: {  	v3 =	vor.u32 v3, v4  }
0xbd: {  	v4 =	vperm.xlane v3, v0;
	_ =	sdelay $0x1  }
0xbe: {  	v3 =	vperm.xlane v3, v2;
	v4 =	vadd.s32 v1, v4;
	_ =	sdelay $0x1  }
0xbf: {  	v3 =	vadd.s32 v1, v3;
	_ =	sdelay $0x2  }
0xc0: {  	[tilespmem:s11], [sflag:$0x2] =	stream.indirect_vreg.gather [hbm4b:s3+s2], $0x80, v4, vm0, $0xb8;
	[tilespmem:$0x10800] =	vst v63  }
0xc1: {  	s17 =	simm.s32 $0x1F0;
	s18 =	simm.s32 $0x0  }
0xc2: {  	[tilespmem:s12], [sflag:$0x2] =	stream.indirect_vreg.gather [hbm4b:s3+s2], $0x80, v3, vm0, $0xb8;
	[tilespmem:$0x10800] =	vst v63  }
.LBB2_2:
0xc3: {  	_ =	swait.ge [sflag:s13], $0x8000  }
0xc4: {  	p0 =	seq.s32 s18, $0xE000;
	[sflag:s13] =	ssyncset.done $0x0  }
.Ltmp2:
0xc5: {  	s19 =	sadd.s32 s18, s6;
	[sflag:s13] =	ssyncadd.s32 $0xFFFF8000;
	(pc) =	sbr.rel @p0 .LBB2_4-.Ltmp2, $4  }
0xc6: {  	[hbm4b:s19+s2] =	stream.linear.scatter [tilespmem:s8], [sflag:$0x3], $0x8000, $0x38;
	[tilespmem:$0x10800] =	vst v63  }
0xc7: {  	_ =	swait.ge [sflag:s14], $0x8000  }
0xc8: {  	[sflag:s14] =	ssyncset.done $0x0  }
0xc9: {  	[sflag:s14] =	ssyncadd.s32 $0xFFFF8000  }
0xca: {  	v3 =	vld [tilespmem:s17+$0xFFFFFF10];
	_ =	sdelay $0x4  }
0xcb: {  	v4 =	vshll.u32 v3, $0x1  }
0xcc: {  	v3 =	vand.u32 $0x7, v3;
	v4 =	vand.u32 $0xFFFFFFF0, v4  }
0xcd: {  	v3 =	vor.u32 v3, v4  }
0xce: {  	v4 =	vperm.xlane v3, v0;
	_ =	sdelay $0x1  }
0xcf: {  	v3 =	vperm.xlane v3, v2;
	v4 =	vadd.s32 v1, v4;
	_ =	sdelay $0x1  }
0xd0: {  	v3 =	vadd.s32 v1, v3;
	_ =	sdelay $0x2  }
0xd1: {  	[tilespmem:s8], [sflag:$0x1] =	stream.indirect_vreg.gather [hbm4b:s3+s2], $0x80, v4, vm0, $0xb8;
	[tilespmem:$0x10800] =	vst v63  }
0xd2: {  	s20 =	simm.s32 $0x1000  }
0xd3: {  	[tilespmem:s20], [sflag:$0x1] =	stream.indirect_vreg.gather [hbm4b:s3+s2], $0x80, v3, vm0, $0xb8;
	[tilespmem:$0x10800] =	vst v63  }
0xd4: {  	v3 =	vld [tilespmem:s17+$0xFFFFFF20];
	_ =	sdelay $0x4  }
0xd5: {  	v57 =	vshll.u32 v3, $0x1  }
0xd6: {  	v3 =	vand.u32 $0x7, v3;
	v4 =	vand.u32 $0xFFFFFFF0, v57  }
0xd7: {  	v3 =	vor.u32 v3, v4  }
0xd8: {  	v4 =	vperm.xlane v3, v0;
	_ =	sdelay $0x1  }
0xd9: {  	v3 =	vperm.xlane v3, v2;
	v4 =	vadd.s32 v1, v4;
	_ =	sdelay $0x1  }
0xda: {  	v3 =	vadd.s32 v1, v3;
	_ =	sdelay $0x1  }
0xdb: {  	s20 =	simm.s32 $0x1800  }
0xdc: {  	[tilespmem:s20], [sflag:$0x1] =	stream.indirect_vreg.gather [hbm4b:s3+s2], $0x80, v4, vm0, $0xb8;
	[tilespmem:$0x10800] =	vst v63  }
0xdd: {  	s20 =	simm.s32 $0x2000  }
0xde: {  	[tilespmem:s20], [sflag:$0x1] =	stream.indirect_vreg.gather [hbm4b:s3+s2], $0x80, v3, vm0, $0xb8;
	[tilespmem:$0x10800] =	vst v63  }
0xdf: {  	v3 =	vld [tilespmem:s17+$0xFFFFFF30];
	_ =	sdelay $0x4  }
0xe0: {  	v58 =	vshll.u32 v3, $0x1  }
0xe1: {  	v3 =	vand.u32 $0x7, v3;
	v4 =	vand.u32 $0xFFFFFFF0, v58  }
0xe2: {  	v3 =	vor.u32 v3, v4  }
0xe3: {  	v4 =	vperm.xlane v3, v0;
	_ =	sdelay $0x1  }
0xe4: {  	v3 =	vperm.xlane v3, v2;
	v4 =	vadd.s32 v1, v4;
	_ =	sdelay $0x1  }
0xe5: {  	v3 =	vadd.s32 v1, v3;
	_ =	sdelay $0x1  }
0xe6: {  	s20 =	simm.s32 $0x2800  }
0xe7: {  	[tilespmem:s20], [sflag:$0x1] =	stream.indirect_vreg.gather [hbm4b:s3+s2], $0x80, v4, vm0, $0xb8;
	[tilespmem:$0x10800] =	vst v63  }
0xe8: {  	s20 =	simm.s32 $0x3000  }
0xe9: {  	[tilespmem:s20], [sflag:$0x1] =	stream.indirect_vreg.gather [hbm4b:s3+s2], $0x80, v3, vm0, $0xb8;
	[tilespmem:$0x10800] =	vst v63  }
0xea: {  	v3 =	vld [tilespmem:s17+$0xFFFFFF40];
	_ =	sdelay $0x4  }
0xeb: {  	v59 =	vshll.u32 v3, $0x1  }
0xec: {  	v3 =	vand.u32 $0x7, v3;
	v4 =	vand.u32 $0xFFFFFFF0, v59  }
0xed: {  	v3 =	vor.u32 v3, v4  }
0xee: {  	v4 =	vperm.xlane v3, v0;
	_ =	sdelay $0x1  }
0xef: {  	v3 =	vperm.xlane v3, v2;
	v4 =	vadd.s32 v1, v4;
	_ =	sdelay $0x1  }
0xf0: {  	v3 =	vadd.s32 v1, v3;
	_ =	sdelay $0x1  }
0xf1: {  	s20 =	simm.s32 $0x3800  }
0xf2: {  	[tilespmem:s20], [sflag:$0x1] =	stream.indirect_vreg.gather [hbm4b:s3+s2], $0x80, v4, vm0, $0xb8;
	[tilespmem:$0x10800] =	vst v63  }
0xf3: {  	s20 =	simm.s32 $0x4000  }
0xf4: {  	[tilespmem:s20], [sflag:$0x1] =	stream.indirect_vreg.gather [hbm4b:s3+s2], $0x80, v3, vm0, $0xb8;
	[tilespmem:$0x10800] =	vst v63  }
0xf5: {  	v3 =	vld [tilespmem:s17+$0xFFFFFF50];
	_ =	sdelay $0x4  }
0xf6: {  	v60 =	vshll.u32 v3, $0x1  }
0xf7: {  	v3 =	vand.u32 $0x7, v3;
	v4 =	vand.u32 $0xFFFFFFF0, v60  }
0xf8: {  	v3 =	vor.u32 v3, v4  }
0xf9: {  	v4 =	vperm.xlane v3, v0;
	_ =	sdelay $0x1  }
0xfa: {  	v3 =	vperm.xlane v3, v2;
	v4 =	vadd.s32 v1, v4;
	_ =	sdelay $0x1  }
0xfb: {  	v3 =	vadd.s32 v1, v3;
	_ =	sdelay $0x1  }
0xfc: {  	s20 =	simm.s32 $0x4800  }
0xfd: {  	[tilespmem:s20], [sflag:$0x1] =	stream.indirect_vreg.gather [hbm4b:s3+s2], $0x80, v4, vm0, $0xb8;
	[tilespmem:$0x10800] =	vst v63  }
0xfe: {  	s20 =	simm.s32 $0x5000  }
0xff: {  	[tilespmem:s20], [sflag:$0x1] =	stream.indirect_vreg.gather [hbm4b:s3+s2], $0x80, v3, vm0, $0xb8;
	[tilespmem:$0x10800] =	vst v63  }
0x100: {  	v3 =	vld [tilespmem:s17+$0xFFFFFF60];
	_ =	sdelay $0x4  }
0x101: {  	v61 =	vshll.u32 v3, $0x1  }
0x102: {  	v3 =	vand.u32 $0x7, v3;
	v4 =	vand.u32 $0xFFFFFFF0, v61  }
0x103: {  	v3 =	vor.u32 v3, v4  }
0x104: {  	v4 =	vperm.xlane v3, v0;
	_ =	sdelay $0x1  }
0x105: {  	v3 =	vperm.xlane v3, v2;
	v4 =	vadd.s32 v1, v4;
	_ =	sdelay $0x1  }
0x106: {  	v3 =	vadd.s32 v1, v3;
	_ =	sdelay $0x1  }
0x107: {  	s20 =	simm.s32 $0x5800  }
0x108: {  	[tilespmem:s20], [sflag:$0x1] =	stream.indirect_vreg.gather [hbm4b:s3+s2], $0x80, v4, vm0, $0xb8;
	[tilespmem:$0x10800] =	vst v63  }
0x109: {  	s20 =	simm.s32 $0x6000  }
0x10a: {  	[tilespmem:s20], [sflag:$0x1] =	stream.indirect_vreg.gather [hbm4b:s3+s2], $0x80, v3, vm0, $0xb8;
	[tilespmem:$0x10800] =	vst v63  }
0x10b: {  	v3 =	vld [tilespmem:s17+$0xFFFFFF70];
	_ =	sdelay $0x4  }
0x10c: {  	v62 =	vshll.u32 v3, $0x1  }
0x10d: {  	v3 =	vand.u32 $0x7, v3;
	v4 =	vand.u32 $0xFFFFFFF0, v62  }
0x10e: {  	v3 =	vor.u32 v3, v4  }
0x10f: {  	v4 =	vperm.xlane v3, v0;
	_ =	sdelay $0x1  }
0x110: {  	v3 =	vperm.xlane v3, v2;
	v4 =	vadd.s32 v1, v4;
	_ =	sdelay $0x1  }
0x111: {  	v3 =	vadd.s32 v1, v3;
	_ =	sdelay $0x1  }
0x112: {  	s20 =	simm.s32 $0x6800  }
0x113: {  	[tilespmem:s20], [sflag:$0x1] =	stream.indirect_vreg.gather [hbm4b:s3+s2], $0x80, v4, vm0, $0xb8;
	[tilespmem:$0x10800] =	vst v63  }
0x114: {  	_ = 	snop  }
0x115: {  	[tilespmem:s21], [sflag:$0x1] =	stream.indirect_vreg.gather [hbm4b:s3+s2], $0x80, v3, vm0, $0xb8;
	[tilespmem:$0x10800] =	vst v63  }
0x116: {  	v3 =	vld [tilespmem:s17+$0xFFFFFF80];
	_ =	sdelay $0x4  }
0x117: {  	v63 =	vshll.u32 v3, $0x1  }
0x118: {  	v3 =	vand.u32 $0x7, v3;
	v4 =	vand.u32 $0xFFFFFFF0, v63  }
0x119: {  	v3 =	vor.u32 v3, v4  }
0x11a: {  	v4 =	vperm.xlane v3, v0;
	_ =	sdelay $0x1  }
0x11b: {  	v3 =	vperm.xlane v3, v2;
	v4 =	vadd.s32 v1, v4;
	_ =	sdelay $0x1  }
0x11c: {  	v3 =	vadd.s32 v1, v3;
	_ =	sdelay $0x2  }
0x11d: {  	[tilespmem:s22], [sflag:$0x1] =	stream.indirect_vreg.gather [hbm4b:s3+s2], $0x80, v4, vm0, $0xb8;
	[tilespmem:$0x10800] =	vst v63  }
0x11e: {  	_ = 	snop  }
0x11f: {  	[tilespmem:s23], [sflag:$0x1] =	stream.indirect_vreg.gather [hbm4b:s3+s2], $0x80, v3, vm0, $0xb8;
	[tilespmem:$0x10800] =	vst v63  }
.LBB2_4:
0x120: {  	_ =	swait.ge [sflag:s15], $0x8000  }
0x121: {  	[sflag:s15] =	ssyncset.done $0x0  }
.Ltmp3:
0x122: {  	s19 =	sadd.s32 $0x1000, s19;
	[sflag:s15] =	ssyncadd.s32 $0xFFFF8000;
	(pc) =	sbr.rel @p0 .LBB2_6-.Ltmp3, $4  }
0x123: {  	[hbm4b:s19+s2] =	stream.linear.scatter [tilespmem:s24], [sflag:$0x4], $0x8000, $0x38;
	[tilespmem:$0x10800] =	vst v63  }
0x124: {  	_ =	swait.ge [sflag:s16], $0x8000  }
0x125: {  	[sflag:s16] =	ssyncset.done $0x0  }
0x126: {  	[sflag:s16] =	ssyncadd.s32 $0xFFFF8000  }
0x127: {  	v3 =	vld [tilespmem:s17+$0xFFFFFF90];
	_ =	sdelay $0x4  }
0x128: {  	v4 =	vshll.u32 v3, $0x1  }
0x129: {  	v3 =	vand.u32 $0x7, v3;
	v4 =	vand.u32 $0xFFFFFFF0, v4  }
0x12a: {  	v3 =	vor.u32 v3, v4  }
0x12b: {  	v4 =	vperm.xlane v3, v0;
	_ =	sdelay $0x1  }
0x12c: {  	v3 =	vperm.xlane v3, v2;
	v4 =	vadd.s32 v1, v4;
	_ =	sdelay $0x1  }
0x12d: {  	v3 =	vadd.s32 v1, v3;
	_ =	sdelay $0x2  }
0x12e: {  	[tilespmem:s24], [sflag:$0x2] =	stream.indirect_vreg.gather [hbm4b:s3+s2], $0x80, v4, vm0, $0xb8;
	[tilespmem:$0x10800] =	vst v63  }
0x12f: {  	_ = 	snop  }
0x130: {  	[tilespmem:s25], [sflag:$0x2] =	stream.indirect_vreg.gather [hbm4b:s3+s2], $0x80, v3, vm0, $0xb8;
	[tilespmem:$0x10800] =	vst v63  }
0x131: {  	v3 =	vld [tilespmem:s17+$0xFFFFFFA0];
	_ =	sdelay $0x4  }
0x132: {  	v57 =	vshll.u32 v3, $0x1  }
0x133: {  	v3 =	vand.u32 $0x7, v3;
	v4 =	vand.u32 $0xFFFFFFF0, v57  }
0x134: {  	v3 =	vor.u32 v3, v4  }
0x135: {  	v4 =	vperm.xlane v3, v0;
	_ =	sdelay $0x1  }
0x136: {  	v3 =	vperm.xlane v3, v2;
	v4 =	vadd.s32 v1, v4;
	_ =	sdelay $0x1  }
0x137: {  	v3 =	vadd.s32 v1, v3;
	_ =	sdelay $0x2  }
0x138: {  	[tilespmem:s26], [sflag:$0x2] =	stream.indirect_vreg.gather [hbm4b:s3+s2], $0x80, v4, vm0, $0xb8;
	[tilespmem:$0x10800] =	vst v63  }
0x139: {  	_ = 	snop  }
0x13a: {  	[tilespmem:s28], [sflag:$0x2] =	stream.indirect_vreg.gather [hbm4b:s3+s2], $0x80, v3, vm0, $0xb8;
	[tilespmem:$0x10800] =	vst v63  }
0x13b: {  	v3 =	vld [tilespmem:s17+$0xFFFFFFB0];
	_ =	sdelay $0x4  }
0x13c: {  	v58 =	vshll.u32 v3, $0x1  }
0x13d: {  	v3 =	vand.u32 $0x7, v3;
	v4 =	vand.u32 $0xFFFFFFF0, v58  }
0x13e: {  	v3 =	vor.u32 v3, v4  }
0x13f: {  	v4 =	vperm.xlane v3, v0;
	_ =	sdelay $0x1  }
0x140: {  	v3 =	vperm.xlane v3, v2;
	v4 =	vadd.s32 v1, v4;
	_ =	sdelay $0x1  }
0x141: {  	v3 =	vadd.s32 v1, v3;
	_ =	sdelay $0x2  }
0x142: {  	[tilespmem:s29], [sflag:$0x2] =	stream.indirect_vreg.gather [hbm4b:s3+s2], $0x80, v4, vm0, $0xb8;
	[tilespmem:$0x10800] =	vst v63  }
0x143: {  	_ = 	snop  }
0x144: {  	[tilespmem:s30], [sflag:$0x2] =	stream.indirect_vreg.gather [hbm4b:s3+s2], $0x80, v3, vm0, $0xb8;
	[tilespmem:$0x10800] =	vst v63  }
0x145: {  	v3 =	vld [tilespmem:s17+$0xFFFFFFC0];
	_ =	sdelay $0x4  }
0x146: {  	v59 =	vshll.u32 v3, $0x1  }
0x147: {  	v3 =	vand.u32 $0x7, v3;
	v4 =	vand.u32 $0xFFFFFFF0, v59  }
0x148: {  	v3 =	vor.u32 v3, v4  }
0x149: {  	v4 =	vperm.xlane v3, v0;
	_ =	sdelay $0x1  }
0x14a: {  	v3 =	vperm.xlane v3, v2;
	v4 =	vadd.s32 v1, v4;
	_ =	sdelay $0x1  }
0x14b: {  	v3 =	vadd.s32 v1, v3;
	_ =	sdelay $0x2  }
0x14c: {  	[tilespmem:s31], [sflag:$0x2] =	stream.indirect_vreg.gather [hbm4b:s3+s2], $0x80, v4, vm0, $0xb8;
	[tilespmem:$0x10800] =	vst v63  }
0x14d: {  	_ = 	snop  }
0x14e: {  	[tilespmem:s0], [sflag:$0x2] =	stream.indirect_vreg.gather [hbm4b:s3+s2], $0x80, v3, vm0, $0xb8;
	[tilespmem:$0x10800] =	vst v63  }
0x14f: {  	v3 =	vld [tilespmem:s17+$0xFFFFFFD0];
	_ =	sdelay $0x4  }
0x150: {  	v60 =	vshll.u32 v3, $0x1  }
0x151: {  	v3 =	vand.u32 $0x7, v3;
	v4 =	vand.u32 $0xFFFFFFF0, v60  }
0x152: {  	v3 =	vor.u32 v3, v4  }
0x153: {  	v4 =	vperm.xlane v3, v0;
	_ =	sdelay $0x1  }
0x154: {  	v3 =	vperm.xlane v3, v2;
	v4 =	vadd.s32 v1, v4;
	_ =	sdelay $0x1  }
0x155: {  	v3 =	vadd.s32 v1, v3;
	_ =	sdelay $0x2  }
0x156: {  	[tilespmem:s1], [sflag:$0x2] =	stream.indirect_vreg.gather [hbm4b:s3+s2], $0x80, v4, vm0, $0xb8;
	[tilespmem:$0x10800] =	vst v63  }
0x157: {  	_ = 	snop  }
0x158: {  	[tilespmem:s4], [sflag:$0x2] =	stream.indirect_vreg.gather [hbm4b:s3+s2], $0x80, v3, vm0, $0xb8;
	[tilespmem:$0x10800] =	vst v63  }
0x159: {  	v3 =	vld [tilespmem:s17+$0xFFFFFFE0];
	_ =	sdelay $0x4  }
0x15a: {  	v61 =	vshll.u32 v3, $0x1  }
0x15b: {  	v3 =	vand.u32 $0x7, v3;
	v4 =	vand.u32 $0xFFFFFFF0, v61  }
0x15c: {  	v3 =	vor.u32 v3, v4  }
0x15d: {  	v4 =	vperm.xlane v3, v0;
	_ =	sdelay $0x1  }
0x15e: {  	v3 =	vperm.xlane v3, v2;
	v4 =	vadd.s32 v1, v4;
	_ =	sdelay $0x1  }
0x15f: {  	v3 =	vadd.s32 v1, v3;
	_ =	sdelay $0x2  }
0x160: {  	[tilespmem:s5], [sflag:$0x2] =	stream.indirect_vreg.gather [hbm4b:s3+s2], $0x80, v4, vm0, $0xb8;
	[tilespmem:$0x10800] =	vst v63  }
0x161: {  	_ = 	snop  }
0x162: {  	[tilespmem:s7], [sflag:$0x2] =	stream.indirect_vreg.gather [hbm4b:s3+s2], $0x80, v3, vm0, $0xb8;
	[tilespmem:$0x10800] =	vst v63  }
0x163: {  	v3 =	vld [tilespmem:s17+$0xFFFFFFF0];
	_ =	sdelay $0x4  }
0x164: {  	v62 =	vshll.u32 v3, $0x1  }
0x165: {  	v3 =	vand.u32 $0x7, v3;
	v4 =	vand.u32 $0xFFFFFFF0, v62  }
0x166: {  	v3 =	vor.u32 v3, v4  }
0x167: {  	v4 =	vperm.xlane v3, v0;
	_ =	sdelay $0x1  }
0x168: {  	v3 =	vperm.xlane v3, v2;
	v4 =	vadd.s32 v1, v4;
	_ =	sdelay $0x1  }
0x169: {  	v3 =	vadd.s32 v1, v3;
	_ =	sdelay $0x2  }
0x16a: {  	[tilespmem:s9], [sflag:$0x2] =	stream.indirect_vreg.gather [hbm4b:s3+s2], $0x80, v4, vm0, $0xb8;
	[tilespmem:$0x10800] =	vst v63  }
0x16b: {  	_ = 	snop  }
0x16c: {  	[tilespmem:s10], [sflag:$0x2] =	stream.indirect_vreg.gather [hbm4b:s3+s2], $0x80, v3, vm0, $0xb8;
	[tilespmem:$0x10800] =	vst v63  }
0x16d: {  	v3 =	vld [tilespmem:s17+$0x0];
	_ =	sdelay $0x4  }
0x16e: {  	v63 =	vshll.u32 v3, $0x1  }
0x16f: {  	v3 =	vand.u32 $0x7, v3;
	v4 =	vand.u32 $0xFFFFFFF0, v63  }
0x170: {  	v3 =	vor.u32 v3, v4  }
0x171: {  	v4 =	vperm.xlane v3, v0;
	_ =	sdelay $0x1  }
0x172: {  	v3 =	vperm.xlane v3, v2;
	v4 =	vadd.s32 v1, v4;
	_ =	sdelay $0x1  }
0x173: {  	v3 =	vadd.s32 v1, v3  }
.Ltmp4:
0x174: {  	_ = 	snop;
	(pc) =	sbr.rel .LBB2_2-.Ltmp4, $4  }
0x175: {  	_ = 	snop  }
0x176: {  	[tilespmem:s11], [sflag:$0x2] =	stream.indirect_vreg.gather [hbm4b:s3+s2], $0x80, v4, vm0, $0xb8;
	[tilespmem:$0x10800] =	vst v63  }
0x177: {  	s18 =	sadd.s32 $0x2000, s18;
	s17 =	sadd.s32 $0x100, s17  }
0x178: {  	[tilespmem:s12], [sflag:$0x2] =	stream.indirect_vreg.gather [hbm4b:s3+s2], $0x80, v3, vm0, $0xb8;
	[tilespmem:$0x10800] =	vst v63  }
.LBB2_7:
0x179: {  	_ =	sfence.sel $0x180000  }
0x17a: {  	[bflag:$0x0] =	sbarrier.arrive $0xFFFF  }
0x17b: {  	_ =	strace $0x9000004A  }
0x17c: {  	s0 =	stileid.u32;
	[bflag:$0x2] =	sbarrier.arrive $0xFFFF  }
0x17d: {  	p0 =	sne.s32 s0, $0x0;
	s0 =	rddreg [dreg:$0x1]  }
0x17e: {  	s0 =	sadd.s32 @!p0 $0x100000, s0  }
0x17f: {  	[sflag:s0] =	ssyncadd.tile.s32 @!p0 $0x1;
	_ =	shalt  }
.Lfunc_end2:
_tile_overlayer_lowered:
.L_overlay_start_2:
0x180: {  	(tag) =	ssettag $0x2  }
0x181: {  	s0 =	rddreg [dreg:$0x0];
	s2 =	stileid.u32  }
0x182: {  	s1 =	rddreg [dreg:$0x1];
	p0 =	sne.s32 s2, $0x0  }
0x183: {  	s3 =	rddreg [dreg:$0x2];
	[bflag:$0x3] =	sbarrier.arrive $0xFFFF;
	s2 =	simm.s32 @!p0 $0x1C05  }
0x184: {  	[timem:s3], [sflag:s2] =	dma.local @!p0 [hbm:s0], s1  }
0x185: {  	s0 =	simm.s32 @!p0 $0x5  }
0x186: {  	_ =	swait.ge @!p0 [sflag:s0], s1  }
0x187: {  	s1 =	ssub.s32 @!p0 $0x0, s1;
	[sflag:s0] =	ssyncset.done @!p0 $0x0  }
0x188: {  	[sflag:s0] =	ssyncadd.s32 @!p0 s1  }
0x189: {  	[bflag:$0x3] =	sbarrier.arrive $0xFFFF  }
0x18a: {  	_ =	shalt  }

</sc_bundles>
